<compile_context>
chip_gen: v7x
topology: tpu7x:2x2x1
jax: 0.10.2.dev20260603
libtpu: 0.0.44.dev20260713+nightly
codegen_flags: <defaults>
</compile_context>

<pallas_src>
import functools

import numpy as np
import jax
import jax.numpy as jnp
from jax import lax
from jax.experimental import pallas as pl
from jax.experimental.pallas import tpu as pltpu
from jax.experimental.pallas import tpu_sc as plsc

N = 10000
E = 320000
D = 128
H = 128
G = 64
BNS = float(1.0 / np.sqrt(1.0 + 1e-5))

N_PAD = 10240
NC = 2
NT = 16
CH = 128
NCH = 81
EPW = NCH * CH
E_PAD = NC * NT * EPW
RPT = N_PAD // NT

RB = 1024
GRID = N_PAD // RB



def _sc_mesh():
    return plsc.VectorSubcoreMesh(core_axis_name="c", subcore_axis_name="s")


@functools.partial(
    pl.kernel,
    mesh=_sc_mesh(),
    out_type=jax.ShapeDtypeStruct((NC, N_PAD), jnp.float32),
    scratch_types=[
        pltpu.VMEM((NCH, CH), jnp.int32),
        pltpu.VMEM((CH,), jnp.float32),
        pltpu.VMEM((RPT,), jnp.float32),
        pltpu.VMEM_SHARED((N_PAD,), jnp.float32),
        pltpu.SemaphoreType.DMA,
    ],
)
def _sc_hist(dst_hbm, ones_hbm, zeros_hbm, out_hbm, idx_da, ones_v, zbuf,
             hacc, sem):
    c = lax.axis_index("c")
    s = lax.axis_index("s")
    wid = c * NT + s
    pltpu.sync_copy(dst_hbm.at[wid], idx_da)
    pltpu.sync_copy(zeros_hbm, zbuf)
    pltpu.sync_copy(zbuf, hacc.at[pl.ds(s * RPT, RPT)])
    pltpu.sync_copy(ones_hbm, ones_v)
    plsc.subcore_barrier()

    def fire(j, carry):
        pltpu.async_copy(ones_v, hacc.at[idx_da.at[j]], sem, add=True)
        return carry

    def drain(j, carry):
        pltpu.make_async_copy(ones_v, hacc.at[idx_da.at[j]], sem).wait()
        return carry

    lax.fori_loop(0, NCH, fire, 0)
    lax.fori_loop(0, NCH, drain, 0)
    plsc.subcore_barrier()
    pltpu.sync_copy(hacc.at[pl.ds(s * RPT, RPT)], zbuf)
    pltpu.sync_copy(zbuf, out_hbm.at[c, pl.ds(s * RPT, RPT)])


@functools.partial(
    pl.kernel,
    mesh=_sc_mesh(),
    out_type=jax.ShapeDtypeStruct((NC, N_PAD, H), jnp.float32),
    scratch_types=[
        pltpu.VMEM((NCH, CH), jnp.int32),
        [pltpu.VMEM((CH,), jnp.int32) for _ in range(4)],
        [pltpu.VMEM((CH, H), jnp.float32) for _ in range(2)],
        pltpu.VMEM_SHARED((N_PAD, H), jnp.float32),
        pltpu.SemaphoreType.DMA,
        pltpu.SemaphoreType.DMA,
        [pltpu.SemaphoreType.DMA for _ in range(4)],
    ],
)
def _sc_spmm(h_hbm, src_hbm, dst_hbm, zeros_hbm, out_hbm,
             idx_sa, dbufs, rows, acc, gsem, ssem, dsems):
    c = lax.axis_index("c")
    s = lax.axis_index("s")
    wid = c * NT + s
    pltpu.sync_copy(src_hbm.at[wid], idx_sa)
    for k in range(RPT // CH):
        pltpu.async_copy(zeros_hbm, acc.at[pl.ds(s * RPT + k * CH, CH)], gsem)
    for k in range(RPT // CH):
        pltpu.make_async_copy(zeros_hbm,
                              acc.at[pl.ds(s * RPT + k * CH, CH)], gsem).wait()
    plsc.subcore_barrier()

    def gfire(j, b):
        pltpu.async_copy(h_hbm.at[idx_sa.at[j]], rows[b], gsem)

    def gdrain(j, b):
        pltpu.make_async_copy(h_hbm.at[idx_sa.at[j]], rows[b], gsem).wait()

    def dfire(j, d):
        pltpu.async_copy(dst_hbm.at[pl.ds(wid * EPW + j * CH, CH)],
                         dbufs[d], dsems[d])

    def ddrain(j, d):
        pltpu.make_async_copy(dst_hbm.at[pl.ds(wid * EPW + j * CH, CH)],
                              dbufs[d], dsems[d]).wait()

    def sfire(b, d):
        pltpu.async_copy(rows[b], acc.at[dbufs[d]], ssem, add=True)

    def sdrain(b, d):
        pltpu.make_async_copy(rows[b], acc.at[dbufs[d]], ssem).wait()

    def step(j, b, d, fire_g=True, fire_d=True):
        gdrain(j, b)
        sdrain(1 - b, (d + 3) % 4)
        if fire_g:
            gfire(j + 1, 1 - b)
        if fire_d:
            dfire(j + 3, (d + 3) % 4)
        ddrain(j, d)
        sfire(b, d)

    dfire(0, 0)
    dfire(1, 1)
    dfire(2, 2)
    gfire(0, 0)
    gdrain(0, 0)
    gfire(1, 1)
    dfire(3, 3)
    ddrain(0, 0)
    sfire(0, 0)

    def quad(jj, carry):
        j = 1 + 4 * jj
        step(j, 1, 1)
        step(j + 1, 0, 2)
        step(j + 2, 1, 3)
        step(j + 3, 0, 0)
        return carry

    lax.fori_loop(0, (NCH - 5) // 4, quad, 0)
    j = NCH - 4
    step(j, 1, 1)
    step(j + 1, 0, 2, fire_d=False)
    step(j + 2, 1, 3, fire_d=False)
    step(j + 3, 0, 0, fire_g=False, fire_d=False)
    sdrain(0, 0)

    plsc.subcore_barrier()
    for k in range(RPT // CH):
        r0 = s * RPT + k * CH
        pltpu.sync_copy(acc.at[pl.ds(r0, CH)], rows[0])
        pltpu.sync_copy(rows[0], out_hbm.at[c, pl.ds(r0, CH)])



def _dinv(h0, h1):
    deg = h0 + h1 + 1.0
    return lax.rsqrt(jnp.maximum(deg, 1.0))


def _enca_body(x_ref, we_ref, be_ref, wc1_ref, out_ref):
    henc = jnp.dot(x_ref[...], we_ref[...],
                   preferred_element_type=jnp.float32) + be_ref[...]
    out_ref[...] = jnp.dot(henc, wc1_ref[...],
                           preferred_element_type=jnp.float32)


def _encb_body(h2_ref, h0_ref, h1_ref, out_ref):
    dinv = _dinv(h0_ref[...], h1_ref[...])
    out_ref[...] = h2_ref[...] * dinv


def _mid_body(a0_ref, a1_ref, hp_ref, h0_ref, h1_ref, bc_ref, g_ref, be_ref,
              wn_ref, out_ref):
    dinv = _dinv(h0_ref[...], h1_ref[...])
    ssum = a0_ref[0] + a1_ref[0] + hp_ref[...]
    conv = ssum * dinv + bc_ref[...]
    hbn = conv * (g_ref[...] * BNS) + be_ref[...]
    hr = jnp.maximum(hbn, 0.0)
    out_ref[...] = jnp.dot(hr, wn_ref[...],
                           preferred_element_type=jnp.float32) * dinv


def _fin_body(a0_ref, a1_ref, hp_ref, h0_ref, h1_ref, bc_ref, g_ref, be_ref,
              bt_ref, wl1_ref, bl1_ref, wl2_ref, bl2_ref, out_ref,
              pool_ref, cnt_ref):
    i = pl.program_id(0)
    dinv = _dinv(h0_ref[...], h1_ref[...])
    ssum = a0_ref[0] + a1_ref[0] + hp_ref[...]
    conv = ssum * dinv + bc_ref[...]
    hbn = conv * (g_ref[...] * BNS) + be_ref[...]
    hr = jnp.maximum(hbn, 0.0)

    gid = lax.broadcasted_iota(jnp.int32, (RB, G), 1)
    oh = (bt_ref[...] == gid).astype(jnp.float32)
    pp = lax.dot_general(oh, hr, (((0,), (0,)), ((), ())),
                         preferred_element_type=jnp.float32)
    cc = lax.dot_general(oh, jnp.ones((RB, H), jnp.float32),
                         (((0,), (0,)), ((), ())),
                         preferred_element_type=jnp.float32)

    @pl.when(i == 0)
    def _():
        pool_ref[...] = jnp.zeros_like(pool_ref)
        cnt_ref[...] = jnp.zeros_like(cnt_ref)

    pool_ref[...] += pp
    cnt_ref[...] += cc

    @pl.when(i == GRID - 1)
    def _():
        pooled = pool_ref[...] / jnp.maximum(cnt_ref[...], 1.0)
        z = jnp.maximum(jnp.dot(pooled, wl1_ref[...],
                                preferred_element_type=jnp.float32)
                        + bl1_ref[...], 0.0)
        o = jnp.dot(z, wl2_ref[...],
                    preferred_element_type=jnp.float32) + bl2_ref[...]
        out_ref[...] = 1.0 / (1.0 + jnp.exp(-o))


def _row_spec(width):
    return pl.BlockSpec((RB, width), lambda i: (i, 0))


def _full_spec(r, c):
    return pl.BlockSpec((r, c), lambda i: (0, 0))


def _enca_call(x_p, W_enc, b_enc2, W_c1):
    return pl.pallas_call(
        _enca_body,
        grid=(GRID,),
        in_specs=[_row_spec(D), _full_spec(D, H), _full_spec(1, H),
                  _full_spec(H, H)],
        out_specs=_row_spec(H),
        out_shape=jax.ShapeDtypeStruct((N_PAD, H), jnp.float32),
    )(x_p, W_enc, b_enc2, W_c1)


def _encb_call(h2, h0, h1):
    return pl.pallas_call(
        _encb_body,
        grid=(GRID,),
        in_specs=[_row_spec(H), _row_spec(1), _row_spec(1)],
        out_specs=_row_spec(H),
        out_shape=jax.ShapeDtypeStruct((N_PAD, H), jnp.float32),
    )(h2, h0, h1)


def _acc0_spec():
    return pl.BlockSpec((1, RB, H), lambda i: (0, i, 0))


def _acc1_spec():
    return pl.BlockSpec((1, RB, H), lambda i: (1, i, 0))


def _mid_call(acc, hp, h0, h1, bc, g, be, wn):
    return pl.pallas_call(
        _mid_body,
        grid=(GRID,),
        in_specs=[_acc0_spec(), _acc1_spec(), _row_spec(H),
                  _row_spec(1), _row_spec(1),
                  _full_spec(1, H), _full_spec(1, H), _full_spec(1, H),
                  _full_spec(H, H)],
        out_specs=_row_spec(H),
        out_shape=jax.ShapeDtypeStruct((N_PAD, H), jnp.float32),
    )(acc, acc, hp, h0, h1, bc, g, be, wn)


def _fin_call(acc, hp, h0, h1, bc, g, be, bt, wl1, bl1, wl2, bl2):
    return pl.pallas_call(
        _fin_body,
        grid=(GRID,),
        in_specs=[_acc0_spec(), _acc1_spec(), _row_spec(H),
                  _row_spec(1), _row_spec(1),
                  _full_spec(1, H), _full_spec(1, H), _full_spec(1, H),
                  _row_spec(1),
                  _full_spec(H, G), _full_spec(1, G),
                  _full_spec(G, 1), _full_spec(1, 1)],
        out_specs=_full_spec(G, 1),
        out_shape=jax.ShapeDtypeStruct((G, 1), jnp.float32),
        scratch_shapes=[pltpu.VMEM((G, H), jnp.float32),
                        pltpu.VMEM((G, H), jnp.float32)],
    )(acc, acc, hp, h0, h1, bc, g, be, bt, wl1, bl1, wl2, bl2)



def kernel(x, edge_index, batch, W_enc, b_enc, W_c1, b_c1, g1, be1,
           W_c2, b_c2, g2, be2, W_l1, b_l1, W_l2, b_l2):
    src = edge_index[0]
    dst = edge_index[1]
    pad_e = E_PAD - E
    pad_rows = N + (jnp.arange(pad_e, dtype=jnp.int32) % (N_PAD - N))
    src_p = jnp.concatenate([src, pad_rows]).reshape(NC * NT, NCH, CH)
    dst_flat = jnp.concatenate([dst, pad_rows])
    dst_p = dst_flat.reshape(NC * NT, NCH, CH)
    x_p = jnp.pad(x, ((0, N_PAD - N), (0, 0)))
    batch_p = jnp.concatenate(
        [batch, jnp.full((N_PAD - N,), G, jnp.int32)]).reshape(N_PAD, 1)

    ones_ch = jnp.ones((CH,), jnp.float32)
    zeros_r = jnp.zeros((RPT,), jnp.float32)
    zeros_b = jnp.zeros((CH, H), jnp.float32)

    hist = _sc_hist(dst_p, ones_ch, zeros_r)
    h0 = hist[0].reshape(N_PAD, 1)
    h1 = hist[1].reshape(N_PAD, 1)

    henc2 = _enca_call(x_p, W_enc, b_enc.reshape(1, H), W_c1)
    h1p = _encb_call(henc2, h0, h1)
    acc1 = _sc_spmm(h1p, src_p, dst_flat, zeros_b)
    h2p = _mid_call(acc1, h1p, h0, h1,
                    b_c1.reshape(1, H), g1.reshape(1, H), be1.reshape(1, H),
                    W_c2)
    acc2 = _sc_spmm(h2p, src_p, dst_flat, zeros_b)
    out = _fin_call(acc2, h2p, h0, h1,
                    b_c2.reshape(1, H), g2.reshape(1, H), be2.reshape(1, H),
                    batch_p, W_l1, b_l1.reshape(1, G), W_l2,
                    b_l2.reshape(1, 1))
    return out.reshape(G)

# --- scband reference (transcript-rebuilt; emitter-appended) ---
"""Pipeline reference for scband-gnn-gcn-7275674600531 (READ-ONLY COPY).

The authoritative reference and input builder live on the scoring server;
editing this copy changes nothing except your own understanding.
"""

import jax, jax.numpy as jnp
import numpy as np

N = 10000
E = 320000
D = 128
H = 128
G = 64
EPS = 1e-5


def _init_linear(key, fan_in, fan_out):
    k1, k2 = jax.random.split(key)
    lim = 1.0 / np.sqrt(fan_in)
    W = jax.random.uniform(k1, (fan_in, fan_out), minval=-lim, maxval=lim, dtype=jnp.float32)
    b = jax.random.uniform(k2, (fan_out,), minval=-lim, maxval=lim, dtype=jnp.float32)
    return W, b


def setup_inputs(seed: int = 0):
    key = jax.random.key(seed)
    ks = jax.random.split(key, 10)
    x = jax.random.normal(ks[0], (N, D), dtype=jnp.float32)
    edge_index = jax.random.randint(ks[1], (2, E), 0, N, dtype=jnp.int32)
    batch = jnp.sort(jax.random.randint(ks[2], (N,), 0, G, dtype=jnp.int32))
    W_enc, b_enc = _init_linear(ks[3], D, H)
    W_c1, b_c1 = _init_linear(ks[4], H, H)
    W_c2, b_c2 = _init_linear(ks[5], H, H)
    g1 = jnp.ones((H,), dtype=jnp.float32)
    be1 = jnp.zeros((H,), dtype=jnp.float32)
    g2 = jnp.ones((H,), dtype=jnp.float32)
    be2 = jnp.zeros((H,), dtype=jnp.float32)
    W_l1, b_l1 = _init_linear(ks[6], H, H // 2)
    W_l2, b_l2 = _init_linear(ks[7], H // 2, 1)
    return {
        'x': x, 'edge_index': edge_index, 'batch': batch,
        'W_enc': W_enc, 'b_enc': b_enc,
        'W_c1': W_c1, 'b_c1': b_c1, 'g1': g1, 'be1': be1,
        'W_c2': W_c2, 'b_c2': b_c2, 'g2': g2, 'be2': be2,
        'W_l1': W_l1, 'b_l1': b_l1, 'W_l2': W_l2, 'b_l2': b_l2,
    }


def _gcn_conv(x, src, dst, W, b):
    # PyG-style GCNConv: add self-loops, symmetric normalization, linear transform, scatter-add
    n = x.shape[0]
    loop = jnp.arange(n, dtype=src.dtype)
    src2 = jnp.concatenate([src, loop])
    dst2 = jnp.concatenate([dst, loop])
    deg = jax.ops.segment_sum(jnp.ones_like(src2, dtype=x.dtype), dst2, num_segments=n)
    dinv = jax.lax.rsqrt(jnp.maximum(deg, 1.0))
    norm = dinv[src2] * dinv[dst2]
    h = x @ W
    msg = h[src2] * norm[:, None]
    out = jax.ops.segment_sum(msg, dst2, num_segments=n) + b
    return out


def reference(x, edge_index, batch, W_enc, b_enc, W_c1, b_c1, g1, be1, W_c2, b_c2, g2, be2, W_l1, b_l1, W_l2, b_l2):
    src = edge_index[0]
    dst = edge_index[1]
    h = x @ W_enc + b_enc
    bn_scale = 1.0 / jnp.sqrt(1.0 + EPS)  # eval-mode BN: running_mean=0, running_var=1
    for (W, b, g, be) in ((W_c1, b_c1, g1, be1), (W_c2, b_c2, g2, be2)):
        h = _gcn_conv(h, src, dst, W, b)
        h = h * (g * bn_scale) + be
        h = jax.nn.relu(h)
        # dropout is identity in eval mode
    sums = jax.ops.segment_sum(h, batch, num_segments=G)
    cnt = jax.ops.segment_sum(jnp.ones((h.shape[0],), dtype=h.dtype), batch, num_segments=G)
    pooled = sums / jnp.maximum(cnt, 1.0)[:, None]
    z = jax.nn.relu(pooled @ W_l1 + b_l1)
    out = jax.nn.sigmoid(z @ W_l2 + b_l2)
    return jnp.squeeze(out, axis=-1)

if __name__ == "__main__":
    import jax
    _d = setup_inputs()
    print(jax.jit(kernel)(*tuple(_d.values())))

</pallas_src>

<mosaic_0001>
#map = affine_map<(d0, d1) -> (0, 0, 0)>
#map1 = affine_map<(d0, d1) -> (0)>
#map2 = affine_map<(d0, d1) -> (0, 0)>
module attributes {stable_mosaic.version = 14 : i64} {
  func.func @_sc_hist(%arg0: i32, %arg1: i32, %arg2: memref<32x81x128xi32, #tpu.memory_space<hbm>>, %arg3: memref<128xf32, #tpu.memory_space<hbm>>, %arg4: memref<640xf32, #tpu.memory_space<hbm>>, %arg5: memref<2x10240xf32, #tpu.memory_space<hbm>>, %arg6: memref<81x128xi32, #tpu.memory_space<vmem>>, %arg7: memref<128xf32, #tpu.memory_space<vmem>>, %arg8: memref<640xf32, #tpu.memory_space<vmem>>, %arg9: memref<10240xf32, #tpu.memory_space<vmem_shared>>, %arg10: memref<!tpu.dma_semaphore, #tpu.memory_space<semaphore_mem>>) attributes {dimension_semantics = [#tpu.dimension_semantics<core_parallel>, #tpu.dimension_semantics<subcore_parallel>], iteration_bounds = array<i64: 2, 16>, scalar_prefetch = 0 : i64, scratch_operands = 5 : i64, tpu.core_type = #tpu.core_type<sc_vector_subcore>, window_params = [{transform_indices = #map}, {transform_indices = #map1}, {transform_indices = #map1}, {transform_indices = #map2}]} {
    %mul3A = arith.constant 16 : i32
    %mul3A_0 = arith.muli %arg0, %mul3A : i32
    %add3A = arith.addi %mul3A_0, %arg1 : i32
    "tpu.region"() ({
      %run_scoped3A = tpu.sem_alloc : memref<!tpu.dma_semaphore, #tpu.memory_space<semaphore_mem>>
      %dma_start3A = arith.constant 0 : i32
      %dma_start3A_19 = arith.constant 0 : i32
      %dma_start3A_20 = tpu.memref_slice %arg2[%add3A, %dma_start3A, %dma_start3A_19] : memref<32x81x128xi32, #tpu.memory_space<hbm>> -> memref<1x81x128xi32, #tpu.memory_space<hbm>>
      %dma_start3A_21 = tpu.memref_squeeze %dma_start3A_20 : memref<1x81x128xi32, #tpu.memory_space<hbm>> -> memref<81x128xi32, #tpu.memory_space<hbm>>
      %dma_start3A_22 = arith.constant 0 : i32
      %dma_start3A_23 = arith.constant 0 : i32
      %dma_start3A_24 = tpu.memref_slice %arg2[%add3A, %dma_start3A_22, %dma_start3A_23] : memref<32x81x128xi32, #tpu.memory_space<hbm>> -> memref<1x81x128xi32, #tpu.memory_space<hbm>>
      %dma_start3A_25 = tpu.memref_squeeze %dma_start3A_24 : memref<1x81x128xi32, #tpu.memory_space<hbm>> -> memref<81x128xi32, #tpu.memory_space<hbm>>
      tpu.enqueue_dma source(%dma_start3A_25 : memref<81x128xi32, #tpu.memory_space<hbm>>) target(%arg6 : memref<81x128xi32, #tpu.memory_space<vmem>>) target_semaphore(%run_scoped3A : memref<!tpu.dma_semaphore, #tpu.memory_space<semaphore_mem>>)
      %dma_wait3A = arith.constant 0 : i32
      %dma_wait3A_26 = arith.constant 0 : i32
      %dma_wait3A_27 = tpu.memref_slice %arg2[%add3A, %dma_wait3A, %dma_wait3A_26] : memref<32x81x128xi32, #tpu.memory_space<hbm>> -> memref<1x81x128xi32, #tpu.memory_space<hbm>>
      %dma_wait3A_28 = tpu.memref_squeeze %dma_wait3A_27 : memref<1x81x128xi32, #tpu.memory_space<hbm>> -> memref<81x128xi32, #tpu.memory_space<hbm>>
      %dma_wait3A_29 = arith.constant 0 : i32
      %dma_wait3A_30 = arith.constant 0 : i32
      %dma_wait3A_31 = tpu.memref_slice %arg2[%add3A, %dma_wait3A_29, %dma_wait3A_30] : memref<32x81x128xi32, #tpu.memory_space<hbm>> -> memref<1x81x128xi32, #tpu.memory_space<hbm>>
      %dma_wait3A_32 = tpu.memref_squeeze %dma_wait3A_31 : memref<1x81x128xi32, #tpu.memory_space<hbm>> -> memref<81x128xi32, #tpu.memory_space<hbm>>
      tpu.wait_dma2 semaphore(%run_scoped3A : memref<!tpu.dma_semaphore, #tpu.memory_space<semaphore_mem>>) src(%dma_wait3A_32 : memref<81x128xi32, #tpu.memory_space<hbm>>) dst(%arg6 : memref<81x128xi32, #tpu.memory_space<vmem>>)
      tpu.yield
    }) : () -> ()
    "tpu.region"() ({
      %run_scoped3A = tpu.sem_alloc : memref<!tpu.dma_semaphore, #tpu.memory_space<semaphore_mem>>
      tpu.enqueue_dma source(%arg4 : memref<640xf32, #tpu.memory_space<hbm>>) target(%arg8 : memref<640xf32, #tpu.memory_space<vmem>>) target_semaphore(%run_scoped3A : memref<!tpu.dma_semaphore, #tpu.memory_space<semaphore_mem>>)
      tpu.wait_dma2 semaphore(%run_scoped3A : memref<!tpu.dma_semaphore, #tpu.memory_space<semaphore_mem>>) src(%arg4 : memref<640xf32, #tpu.memory_space<hbm>>) dst(%arg8 : memref<640xf32, #tpu.memory_space<vmem>>)
      tpu.yield
    }) : () -> ()
    %mul3A_1 = arith.constant 640 : i32
    %mul3A_2 = arith.muli %arg1, %mul3A_1 : i32
    "tpu.region"() ({
      %run_scoped3A = tpu.sem_alloc : memref<!tpu.dma_semaphore, #tpu.memory_space<semaphore_mem>>
      %dma_start3A = tpu.memref_slice %arg9[%mul3A_2] : memref<10240xf32, #tpu.memory_space<vmem_shared>> -> memref<640xf32, #tpu.memory_space<vmem_shared>>
      %dma_start3A_19 = tpu.memref_slice %arg9[%mul3A_2] : memref<10240xf32, #tpu.memory_space<vmem_shared>> -> memref<640xf32, #tpu.memory_space<vmem_shared>>
      tpu.enqueue_dma source(%arg8 : memref<640xf32, #tpu.memory_space<vmem>>) target(%dma_start3A_19 : memref<640xf32, #tpu.memory_space<vmem_shared>>) target_semaphore(%run_scoped3A : memref<!tpu.dma_semaphore, #tpu.memory_space<semaphore_mem>>)
      %dma_wait3A = tpu.memref_slice %arg9[%mul3A_2] : memref<10240xf32, #tpu.memory_space<vmem_shared>> -> memref<640xf32, #tpu.memory_space<vmem_shared>>
      %dma_wait3A_20 = tpu.memref_slice %arg9[%mul3A_2] : memref<10240xf32, #tpu.memory_space<vmem_shared>> -> memref<640xf32, #tpu.memory_space<vmem_shared>>
      tpu.wait_dma2 semaphore(%run_scoped3A : memref<!tpu.dma_semaphore, #tpu.memory_space<semaphore_mem>>) src(%arg8 : memref<640xf32, #tpu.memory_space<vmem>>) dst(%dma_wait3A_20 : memref<640xf32, #tpu.memory_space<vmem_shared>>)
      tpu.yield
    }) : () -> ()
    "tpu.region"() ({
      %run_scoped3A = tpu.sem_alloc : memref<!tpu.dma_semaphore, #tpu.memory_space<semaphore_mem>>
      tpu.enqueue_dma source(%arg3 : memref<128xf32, #tpu.memory_space<hbm>>) target(%arg7 : memref<128xf32, #tpu.memory_space<vmem>>) target_semaphore(%run_scoped3A : memref<!tpu.dma_semaphore, #tpu.memory_space<semaphore_mem>>)
      tpu.wait_dma2 semaphore(%run_scoped3A : memref<!tpu.dma_semaphore, #tpu.memory_space<semaphore_mem>>) src(%arg3 : memref<128xf32, #tpu.memory_space<hbm>>) dst(%arg7 : memref<128xf32, #tpu.memory_space<vmem>>)
      tpu.yield
    }) : () -> ()
    %barrier3A = arith.constant 0 : index
    tpu.barrier barrier_id(%barrier3A)
    %scan3A = arith.constant 0 : i32
    %scan3A_3 = arith.constant 0 : i32
    %scan3A_4 = arith.constant 81 : i32
    %scan3A_5 = arith.addi %scan3A_3, %scan3A_4 : i32
    %scan3A_6 = arith.constant 1 : i32
    scf.for %scan3A_19 = %scan3A_3 to %scan3A_5 step %scan3A_6  : i32 {
      %dma_start3A = arith.constant 0 : i32
      %dma_start3A_20 = tpu.memref_slice %arg6[%scan3A_19, %dma_start3A] : memref<81x128xi32, #tpu.memory_space<vmem>> -> memref<1x128xi32, #tpu.memory_space<vmem>>
      %dma_start3A_21 = tpu.memref_squeeze %dma_start3A_20 : memref<1x128xi32, #tpu.memory_space<vmem>> -> memref<128xi32, #tpu.memory_space<vmem>>
      %dma_start3A_22 = arith.constant 0 : i32
      %dma_start3A_23 = tpu.memref_slice %arg9[%dma_start3A_22] : memref<10240xf32, #tpu.memory_space<vmem_shared>> -> memref<10240xf32, #tpu.memory_space<vmem_shared>>
      tpu.enqueue_indirect_dma source(%arg7 : memref<128xf32, #tpu.memory_space<vmem>>) target(%dma_start3A_23 : memref<10240xf32, #tpu.memory_space<vmem_shared>>) offsets(%dma_start3A_21 : memref<128xi32, #tpu.memory_space<vmem>>) semaphore(%arg10 : memref<!tpu.dma_semaphore, #tpu.memory_space<semaphore_mem>>) {add = true}
    }
    %scan3A_7 = arith.constant 81 : i32
    %scan3A_8 = arith.constant 0 : i32
    %scan3A_9 = arith.constant 0 : i32
    %scan3A_10 = arith.constant 81 : i32
    %scan3A_11 = arith.addi %scan3A_9, %scan3A_10 : i32
    %scan3A_12 = arith.constant 1 : i32
    scf.for %scan3A_19 = %scan3A_9 to %scan3A_11 step %scan3A_12  : i32 {
      %dma_wait3A = arith.constant 0 : i32
      %dma_wait3A_20 = tpu.memref_slice %arg6[%scan3A_19, %dma_wait3A] : memref<81x128xi32, #tpu.memory_space<vmem>> -> memref<1x128xi32, #tpu.memory_space<vmem>>
      %dma_wait3A_21 = tpu.memref_squeeze %dma_wait3A_20 : memref<1x128xi32, #tpu.memory_space<vmem>> -> memref<128xi32, #tpu.memory_space<vmem>>
      %dma_wait3A_22 = arith.constant 0 : i32
      %dma_wait3A_23 = tpu.memref_slice %arg9[%dma_wait3A_22] : memref<10240xf32, #tpu.memory_space<vmem_shared>> -> memref<10240xf32, #tpu.memory_space<vmem_shared>>
      tpu.wait_indirect_dma semaphore(%arg10 : memref<!tpu.dma_semaphore, #tpu.memory_space<semaphore_mem>>) src(%arg7 : memref<128xf32, #tpu.memory_space<vmem>>) dst(%dma_wait3A_23 : memref<10240xf32, #tpu.memory_space<vmem_shared>>)
    }
    %scan3A_13 = arith.constant 81 : i32
    %barrier3A_14 = arith.constant 0 : index
    tpu.barrier barrier_id(%barrier3A_14)
    %mul3A_15 = arith.constant 640 : i32
    %mul3A_16 = arith.muli %arg1, %mul3A_15 : i32
    "tpu.region"() ({
      %run_scoped3A = tpu.sem_alloc : memref<!tpu.dma_semaphore, #tpu.memory_space<semaphore_mem>>
      %dma_start3A = tpu.memref_slice %arg9[%mul3A_16] : memref<10240xf32, #tpu.memory_space<vmem_shared>> -> memref<640xf32, #tpu.memory_space<vmem_shared>>
      %dma_start3A_19 = tpu.memref_slice %arg9[%mul3A_16] : memref<10240xf32, #tpu.memory_space<vmem_shared>> -> memref<640xf32, #tpu.memory_space<vmem_shared>>
      tpu.enqueue_dma source(%dma_start3A_19 : memref<640xf32, #tpu.memory_space<vmem_shared>>) target(%arg8 : memref<640xf32, #tpu.memory_space<vmem>>) target_semaphore(%run_scoped3A : memref<!tpu.dma_semaphore, #tpu.memory_space<semaphore_mem>>)
      %dma_wait3A = tpu.memref_slice %arg9[%mul3A_16] : memref<10240xf32, #tpu.memory_space<vmem_shared>> -> memref<640xf32, #tpu.memory_space<vmem_shared>>
      %dma_wait3A_20 = tpu.memref_slice %arg9[%mul3A_16] : memref<10240xf32, #tpu.memory_space<vmem_shared>> -> memref<640xf32, #tpu.memory_space<vmem_shared>>
      tpu.wait_dma2 semaphore(%run_scoped3A : memref<!tpu.dma_semaphore, #tpu.memory_space<semaphore_mem>>) src(%dma_wait3A_20 : memref<640xf32, #tpu.memory_space<vmem_shared>>) dst(%arg8 : memref<640xf32, #tpu.memory_space<vmem>>)
      tpu.yield
    }) : () -> ()
    %mul3A_17 = arith.constant 640 : i32
    %mul3A_18 = arith.muli %arg1, %mul3A_17 : i32
    "tpu.region"() ({
      %run_scoped3A = tpu.sem_alloc : memref<!tpu.dma_semaphore, #tpu.memory_space<semaphore_mem>>
      %dma_start3A = tpu.memref_slice %arg5[%arg0, %mul3A_18] : memref<2x10240xf32, #tpu.memory_space<hbm>> -> memref<1x640xf32, #tpu.memory_space<hbm>>
      %dma_start3A_19 = tpu.memref_squeeze %dma_start3A : memref<1x640xf32, #tpu.memory_space<hbm>> -> memref<640xf32, #tpu.memory_space<hbm>>
      %dma_start3A_20 = tpu.memref_slice %arg5[%arg0, %mul3A_18] : memref<2x10240xf32, #tpu.memory_space<hbm>> -> memref<1x640xf32, #tpu.memory_space<hbm>>
      %dma_start3A_21 = tpu.memref_squeeze %dma_start3A_20 : memref<1x640xf32, #tpu.memory_space<hbm>> -> memref<640xf32, #tpu.memory_space<hbm>>
      tpu.enqueue_dma source(%arg8 : memref<640xf32, #tpu.memory_space<vmem>>) target(%dma_start3A_21 : memref<640xf32, #tpu.memory_space<hbm>>) target_semaphore(%run_scoped3A : memref<!tpu.dma_semaphore, #tpu.memory_space<semaphore_mem>>)
      %dma_wait3A = tpu.memref_slice %arg5[%arg0, %mul3A_18] : memref<2x10240xf32, #tpu.memory_space<hbm>> -> memref<1x640xf32, #tpu.memory_space<hbm>>
      %dma_wait3A_22 = tpu.memref_squeeze %dma_wait3A : memref<1x640xf32, #tpu.memory_space<hbm>> -> memref<640xf32, #tpu.memory_space<hbm>>
      %dma_wait3A_23 = tpu.memref_slice %arg5[%arg0, %mul3A_18] : memref<2x10240xf32, #tpu.memory_space<hbm>> -> memref<1x640xf32, #tpu.memory_space<hbm>>
      %dma_wait3A_24 = tpu.memref_squeeze %dma_wait3A_23 : memref<1x640xf32, #tpu.memory_space<hbm>> -> memref<640xf32, #tpu.memory_space<hbm>>
      tpu.wait_dma2 semaphore(%run_scoped3A : memref<!tpu.dma_semaphore, #tpu.memory_space<semaphore_mem>>) src(%arg8 : memref<640xf32, #tpu.memory_space<vmem>>) dst(%dma_wait3A_24 : memref<640xf32, #tpu.memory_space<hbm>>)
      tpu.yield
    }) : () -> ()
    return
  }
}

#map = affine_map<(d0, d1) -> (0, 0)>
#map1 = affine_map<(d0, d1) -> (0, 0, 0)>
#map2 = affine_map<(d0, d1) -> (0)>
module attributes {stable_mosaic.version = 14 : i64} {
  func.func @_sc_spmm(%arg0: i32, %arg1: i32, %arg2: memref<10240x128xf32, #tpu.memory_space<hbm>>, %arg3: memref<32x81x128xi32, #tpu.memory_space<hbm>>, %arg4: memref<331776xi32, #tpu.memory_space<hbm>>, %arg5: memref<128x128xf32, #tpu.memory_space<hbm>>, %arg6: memref<2x10240x128xf32, #tpu.memory_space<hbm>>, %arg7: memref<81x128xi32, #tpu.memory_space<vmem>>, %arg8: memref<128xi32, #tpu.memory_space<vmem>>, %arg9: memref<128xi32, #tpu.memory_space<vmem>>, %arg10: memref<128xi32, #tpu.memory_space<vmem>>, %arg11: memref<128xi32, #tpu.memory_space<vmem>>, %arg12: memref<128x128xf32, #tpu.memory_space<vmem>>, %arg13: memref<128x128xf32, #tpu.memory_space<vmem>>, %arg14: memref<10240x128xf32, #tpu.memory_space<vmem_shared>>, %arg15: memref<!tpu.dma_semaphore, #tpu.memory_space<semaphore_mem>>, %arg16: memref<!tpu.dma_semaphore, #tpu.memory_space<semaphore_mem>>, %arg17: memref<!tpu.dma_semaphore, #tpu.memory_space<semaphore_mem>>, %arg18: memref<!tpu.dma_semaphore, #tpu.memory_space<semaphore_mem>>, %arg19: memref<!tpu.dma_semaphore, #tpu.memory_space<semaphore_mem>>, %arg20: memref<!tpu.dma_semaphore, #tpu.memory_space<semaphore_mem>>) attributes {dimension_semantics = [#tpu.dimension_semantics<core_parallel>, #tpu.dimension_semantics<subcore_parallel>], iteration_bounds = array<i64: 2, 16>, scalar_prefetch = 0 : i64, scratch_operands = 14 : i64, tpu.core_type = #tpu.core_type<sc_vector_subcore>, window_params = [{transform_indices = #map}, {transform_indices = #map1}, {transform_indices = #map2}, {transform_indices = #map}, {transform_indices = #map1}]} {
    %mul3A = arith.constant 16 : i32
    %mul3A_0 = arith.muli %arg0, %mul3A : i32
    %add3A = arith.addi %mul3A_0, %arg1 : i32
    "tpu.region"() ({
      %run_scoped3A = tpu.sem_alloc : memref<!tpu.dma_semaphore, #tpu.memory_space<semaphore_mem>>
      %dma_start3A_245 = arith.constant 0 : i32
      %dma_start3A_246 = arith.constant 0 : i32
      %dma_start3A_247 = tpu.memref_slice %arg3[%add3A, %dma_start3A_245, %dma_start3A_246] : memref<32x81x128xi32, #tpu.memory_space<hbm>> -> memref<1x81x128xi32, #tpu.memory_space<hbm>>
      %dma_start3A_248 = tpu.memref_squeeze %dma_start3A_247 : memref<1x81x128xi32, #tpu.memory_space<hbm>> -> memref<81x128xi32, #tpu.memory_space<hbm>>
      %dma_start3A_249 = arith.constant 0 : i32
      %dma_start3A_250 = arith.constant 0 : i32
      %dma_start3A_251 = tpu.memref_slice %arg3[%add3A, %dma_start3A_249, %dma_start3A_250] : memref<32x81x128xi32, #tpu.memory_space<hbm>> -> memref<1x81x128xi32, #tpu.memory_space<hbm>>
      %dma_start3A_252 = tpu.memref_squeeze %dma_start3A_251 : memref<1x81x128xi32, #tpu.memory_space<hbm>> -> memref<81x128xi32, #tpu.memory_space<hbm>>
      tpu.enqueue_dma source(%dma_start3A_252 : memref<81x128xi32, #tpu.memory_space<hbm>>) target(%arg7 : memref<81x128xi32, #tpu.memory_space<vmem>>) target_semaphore(%run_scoped3A : memref<!tpu.dma_semaphore, #tpu.memory_space<semaphore_mem>>)
      %dma_wait3A_253 = arith.constant 0 : i32
      %dma_wait3A_254 = arith.constant 0 : i32
      %dma_wait3A_255 = tpu.memref_slice %arg3[%add3A, %dma_wait3A_253, %dma_wait3A_254] : memref<32x81x128xi32, #tpu.memory_space<hbm>> -> memref<1x81x128xi32, #tpu.memory_space<hbm>>
      %dma_wait3A_256 = tpu.memref_squeeze %dma_wait3A_255 : memref<1x81x128xi32, #tpu.memory_space<hbm>> -> memref<81x128xi32, #tpu.memory_space<hbm>>
      %dma_wait3A_257 = arith.constant 0 : i32
      %dma_wait3A_258 = arith.constant 0 : i32
      %dma_wait3A_259 = tpu.memref_slice %arg3[%add3A, %dma_wait3A_257, %dma_wait3A_258] : memref<32x81x128xi32, #tpu.memory_space<hbm>> -> memref<1x81x128xi32, #tpu.memory_space<hbm>>
      %dma_wait3A_260 = tpu.memref_squeeze %dma_wait3A_259 : memref<1x81x128xi32, #tpu.memory_space<hbm>> -> memref<81x128xi32, #tpu.memory_space<hbm>>
      tpu.wait_dma2 semaphore(%run_scoped3A : memref<!tpu.dma_semaphore, #tpu.memory_space<semaphore_mem>>) src(%dma_wait3A_260 : memref<81x128xi32, #tpu.memory_space<hbm>>) dst(%arg7 : memref<81x128xi32, #tpu.memory_space<vmem>>)
      tpu.yield
    }) : () -> ()
    %mul3A_1 = arith.constant 640 : i32
    %mul3A_2 = arith.muli %arg1, %mul3A_1 : i32
    %add3A_3 = arith.constant 0 : i32
    %add3A_4 = arith.addi %mul3A_2, %add3A_3 : i32
    %dma_start3A = arith.constant 0 : i32
    %dma_start3A_5 = tpu.memref_slice %arg14[%add3A_4, %dma_start3A] : memref<10240x128xf32, #tpu.memory_space<vmem_shared>> -> memref<128x128xf32, #tpu.memory_space<vmem_shared>>
    tpu.enqueue_dma source(%arg5 : memref<128x128xf32, #tpu.memory_space<hbm>>) target(%dma_start3A_5 : memref<128x128xf32, #tpu.memory_space<vmem_shared>>) target_semaphore(%arg15 : memref<!tpu.dma_semaphore, #tpu.memory_space<semaphore_mem>>)
    %mul3A_6 = arith.constant 640 : i32
    %mul3A_7 = arith.muli %arg1, %mul3A_6 : i32
    %add3A_8 = arith.constant 128 : i32
    %add3A_9 = arith.addi %mul3A_7, %add3A_8 : i32
    %dma_start3A_10 = arith.constant 0 : i32
    %dma_start3A_11 = tpu.memref_slice %arg14[%add3A_9, %dma_start3A_10] : memref<10240x128xf32, #tpu.memory_space<vmem_shared>> -> memref<128x128xf32, #tpu.memory_space<vmem_shared>>
    tpu.enqueue_dma source(%arg5 : memref<128x128xf32, #tpu.memory_space<hbm>>) target(%dma_start3A_11 : memref<128x128xf32, #tpu.memory_space<vmem_shared>>) target_semaphore(%arg15 : memref<!tpu.dma_semaphore, #tpu.memory_space<semaphore_mem>>)
    %mul3A_12 = arith.constant 640 : i32
    %mul3A_13 = arith.muli %arg1, %mul3A_12 : i32
    %add3A_14 = arith.constant 256 : i32
    %add3A_15 = arith.addi %mul3A_13, %add3A_14 : i32
    %dma_start3A_16 = arith.constant 0 : i32
    %dma_start3A_17 = tpu.memref_slice %arg14[%add3A_15, %dma_start3A_16] : memref<10240x128xf32, #tpu.memory_space<vmem_shared>> -> memref<128x128xf32, #tpu.memory_space<vmem_shared>>
    tpu.enqueue_dma source(%arg5 : memref<128x128xf32, #tpu.memory_space<hbm>>) target(%dma_start3A_17 : memref<128x128xf32, #tpu.memory_space<vmem_shared>>) target_semaphore(%arg15 : memref<!tpu.dma_semaphore, #tpu.memory_space<semaphore_mem>>)
    %mul3A_18 = arith.constant 640 : i32
    %mul3A_19 = arith.muli %arg1, %mul3A_18 : i32
    %add3A_20 = arith.constant 384 : i32
    %add3A_21 = arith.addi %mul3A_19, %add3A_20 : i32
    %dma_start3A_22 = arith.constant 0 : i32
    %dma_start3A_23 = tpu.memref_slice %arg14[%add3A_21, %dma_start3A_22] : memref<10240x128xf32, #tpu.memory_space<vmem_shared>> -> memref<128x128xf32, #tpu.memory_space<vmem_shared>>
    tpu.enqueue_dma source(%arg5 : memref<128x128xf32, #tpu.memory_space<hbm>>) target(%dma_start3A_23 : memref<128x128xf32, #tpu.memory_space<vmem_shared>>) target_semaphore(%arg15 : memref<!tpu.dma_semaphore, #tpu.memory_space<semaphore_mem>>)
    %mul3A_24 = arith.constant 640 : i32
    %mul3A_25 = arith.muli %arg1, %mul3A_24 : i32
    %add3A_26 = arith.constant 512 : i32
    %add3A_27 = arith.addi %mul3A_25, %add3A_26 : i32
    %dma_start3A_28 = arith.constant 0 : i32
    %dma_start3A_29 = tpu.memref_slice %arg14[%add3A_27, %dma_start3A_28] : memref<10240x128xf32, #tpu.memory_space<vmem_shared>> -> memref<128x128xf32, #tpu.memory_space<vmem_shared>>
    tpu.enqueue_dma source(%arg5 : memref<128x128xf32, #tpu.memory_space<hbm>>) target(%dma_start3A_29 : memref<128x128xf32, #tpu.memory_space<vmem_shared>>) target_semaphore(%arg15 : memref<!tpu.dma_semaphore, #tpu.memory_space<semaphore_mem>>)
    %mul3A_30 = arith.constant 640 : i32
    %mul3A_31 = arith.muli %arg1, %mul3A_30 : i32
    %add3A_32 = arith.constant 0 : i32
    %add3A_33 = arith.addi %mul3A_31, %add3A_32 : i32
    %dma_wait3A = arith.constant 0 : i32
    %dma_wait3A_34 = tpu.memref_slice %arg14[%add3A_33, %dma_wait3A] : memref<10240x128xf32, #tpu.memory_space<vmem_shared>> -> memref<128x128xf32, #tpu.memory_space<vmem_shared>>
    tpu.wait_dma2 semaphore(%arg15 : memref<!tpu.dma_semaphore, #tpu.memory_space<semaphore_mem>>) src(%arg5 : memref<128x128xf32, #tpu.memory_space<hbm>>) dst(%dma_wait3A_34 : memref<128x128xf32, #tpu.memory_space<vmem_shared>>)
    %mul3A_35 = arith.constant 640 : i32
    %mul3A_36 = arith.muli %arg1, %mul3A_35 : i32
    %add3A_37 = arith.constant 128 : i32
    %add3A_38 = arith.addi %mul3A_36, %add3A_37 : i32
    %dma_wait3A_39 = arith.constant 0 : i32
    %dma_wait3A_40 = tpu.memref_slice %arg14[%add3A_38, %dma_wait3A_39] : memref<10240x128xf32, #tpu.memory_space<vmem_shared>> -> memref<128x128xf32, #tpu.memory_space<vmem_shared>>
    tpu.wait_dma2 semaphore(%arg15 : memref<!tpu.dma_semaphore, #tpu.memory_space<semaphore_mem>>) src(%arg5 : memref<128x128xf32, #tpu.memory_space<hbm>>) dst(%dma_wait3A_40 : memref<128x128xf32, #tpu.memory_space<vmem_shared>>)
    %mul3A_41 = arith.constant 640 : i32
    %mul3A_42 = arith.muli %arg1, %mul3A_41 : i32
    %add3A_43 = arith.constant 256 : i32
    %add3A_44 = arith.addi %mul3A_42, %add3A_43 : i32
    %dma_wait3A_45 = arith.constant 0 : i32
    %dma_wait3A_46 = tpu.memref_slice %arg14[%add3A_44, %dma_wait3A_45] : memref<10240x128xf32, #tpu.memory_space<vmem_shared>> -> memref<128x128xf32, #tpu.memory_space<vmem_shared>>
    tpu.wait_dma2 semaphore(%arg15 : memref<!tpu.dma_semaphore, #tpu.memory_space<semaphore_mem>>) src(%arg5 : memref<128x128xf32, #tpu.memory_space<hbm>>) dst(%dma_wait3A_46 : memref<128x128xf32, #tpu.memory_space<vmem_shared>>)
    %mul3A_47 = arith.constant 640 : i32
    %mul3A_48 = arith.muli %arg1, %mul3A_47 : i32
    %add3A_49 = arith.constant 384 : i32
    %add3A_50 = arith.addi %mul3A_48, %add3A_49 : i32
    %dma_wait3A_51 = arith.constant 0 : i32
    %dma_wait3A_52 = tpu.memref_slice %arg14[%add3A_50, %dma_wait3A_51] : memref<10240x128xf32, #tpu.memory_space<vmem_shared>> -> memref<128x128xf32, #tpu.memory_space<vmem_shared>>
    tpu.wait_dma2 semaphore(%arg15 : memref<!tpu.dma_semaphore, #tpu.memory_space<semaphore_mem>>) src(%arg5 : memref<128x128xf32, #tpu.memory_space<hbm>>) dst(%dma_wait3A_52 : memref<128x128xf32, #tpu.memory_space<vmem_shared>>)
    %mul3A_53 = arith.constant 640 : i32
    %mul3A_54 = arith.muli %arg1, %mul3A_53 : i32
    %add3A_55 = arith.constant 512 : i32
    %add3A_56 = arith.addi %mul3A_54, %add3A_55 : i32
    %dma_wait3A_57 = arith.constant 0 : i32
    %dma_wait3A_58 = tpu.memref_slice %arg14[%add3A_56, %dma_wait3A_57] : memref<10240x128xf32, #tpu.memory_space<vmem_shared>> -> memref<128x128xf32, #tpu.memory_space<vmem_shared>>
    tpu.wait_dma2 semaphore(%arg15 : memref<!tpu.dma_semaphore, #tpu.memory_space<semaphore_mem>>) src(%arg5 : memref<128x128xf32, #tpu.memory_space<hbm>>) dst(%dma_wait3A_58 : memref<128x128xf32, #tpu.memory_space<vmem_shared>>)
    %barrier3A = arith.constant 0 : index
    tpu.barrier barrier_id(%barrier3A)
    %mul3A_59 = arith.constant 10368 : i32
    %mul3A_60 = arith.muli %add3A, %mul3A_59 : i32
    %add3A_61 = arith.constant 0 : i32
    %add3A_62 = arith.addi %mul3A_60, %add3A_61 : i32
    %dma_start3A_63 = tpu.memref_slice %arg4[%add3A_62] : memref<331776xi32, #tpu.memory_space<hbm>> -> memref<128xi32, #tpu.memory_space<hbm>>
    %dma_start3A_64 = tpu.memref_slice %arg4[%add3A_62] : memref<331776xi32, #tpu.memory_space<hbm>> -> memref<128xi32, #tpu.memory_space<hbm>>
    tpu.enqueue_dma source(%dma_start3A_64 : memref<128xi32, #tpu.memory_space<hbm>>) target(%arg8 : memref<128xi32, #tpu.memory_space<vmem>>) target_semaphore(%arg17 : memref<!tpu.dma_semaphore, #tpu.memory_space<semaphore_mem>>)
    %mul3A_65 = arith.constant 10368 : i32
    %mul3A_66 = arith.muli %add3A, %mul3A_65 : i32
    %add3A_67 = arith.constant 128 : i32
    %add3A_68 = arith.addi %mul3A_66, %add3A_67 : i32
    %dma_start3A_69 = tpu.memref_slice %arg4[%add3A_68] : memref<331776xi32, #tpu.memory_space<hbm>> -> memref<128xi32, #tpu.memory_space<hbm>>
    %dma_start3A_70 = tpu.memref_slice %arg4[%add3A_68] : memref<331776xi32, #tpu.memory_space<hbm>> -> memref<128xi32, #tpu.memory_space<hbm>>
    tpu.enqueue_dma source(%dma_start3A_70 : memref<128xi32, #tpu.memory_space<hbm>>) target(%arg9 : memref<128xi32, #tpu.memory_space<vmem>>) target_semaphore(%arg18 : memref<!tpu.dma_semaphore, #tpu.memory_space<semaphore_mem>>)
    %mul3A_71 = arith.constant 10368 : i32
    %mul3A_72 = arith.muli %add3A, %mul3A_71 : i32
    %add3A_73 = arith.constant 256 : i32
    %add3A_74 = arith.addi %mul3A_72, %add3A_73 : i32
    %dma_start3A_75 = tpu.memref_slice %arg4[%add3A_74] : memref<331776xi32, #tpu.memory_space<hbm>> -> memref<128xi32, #tpu.memory_space<hbm>>
    %dma_start3A_76 = tpu.memref_slice %arg4[%add3A_74] : memref<331776xi32, #tpu.memory_space<hbm>> -> memref<128xi32, #tpu.memory_space<hbm>>
    tpu.enqueue_dma source(%dma_start3A_76 : memref<128xi32, #tpu.memory_space<hbm>>) target(%arg10 : memref<128xi32, #tpu.memory_space<vmem>>) target_semaphore(%arg19 : memref<!tpu.dma_semaphore, #tpu.memory_space<semaphore_mem>>)
    %dma_start3A_77 = arith.constant 0 : i32
    %dma_start3A_78 = arith.constant 0 : i32
    %dma_start3A_79 = tpu.memref_slice %arg7[%dma_start3A_77, %dma_start3A_78] : memref<81x128xi32, #tpu.memory_space<vmem>> -> memref<1x128xi32, #tpu.memory_space<vmem>>
    %dma_start3A_80 = tpu.memref_squeeze %dma_start3A_79 : memref<1x128xi32, #tpu.memory_space<vmem>> -> memref<128xi32, #tpu.memory_space<vmem>>
    %dma_start3A_81 = arith.constant 0 : i32
    %dma_start3A_82 = arith.constant 0 : i32
    %dma_start3A_83 = tpu.memref_slice %arg2[%dma_start3A_81, %dma_start3A_82] : memref<10240x128xf32, #tpu.memory_space<hbm>> -> memref<10240x128xf32, #tpu.memory_space<hbm>>
    tpu.enqueue_indirect_dma source(%dma_start3A_83 : memref<10240x128xf32, #tpu.memory_space<hbm>>) target(%arg12 : memref<128x128xf32, #tpu.memory_space<vmem>>) offsets(%dma_start3A_80 : memref<128xi32, #tpu.memory_space<vmem>>) semaphore(%arg15 : memref<!tpu.dma_semaphore, #tpu.memory_space<semaphore_mem>>)
    %dma_wait3A_84 = arith.constant 0 : i32
    %dma_wait3A_85 = arith.constant 0 : i32
    %dma_wait3A_86 = tpu.memref_slice %arg7[%dma_wait3A_84, %dma_wait3A_85] : memref<81x128xi32, #tpu.memory_space<vmem>> -> memref<1x128xi32, #tpu.memory_space<vmem>>
    %dma_wait3A_87 = tpu.memref_squeeze %dma_wait3A_86 : memref<1x128xi32, #tpu.memory_space<vmem>> -> memref<128xi32, #tpu.memory_space<vmem>>
    %dma_wait3A_88 = arith.constant 0 : i32
    %dma_wait3A_89 = arith.constant 0 : i32
    %dma_wait3A_90 = tpu.memref_slice %arg2[%dma_wait3A_88, %dma_wait3A_89] : memref<10240x128xf32, #tpu.memory_space<hbm>> -> memref<10240x128xf32, #tpu.memory_space<hbm>>
    tpu.wait_indirect_dma semaphore(%arg15 : memref<!tpu.dma_semaphore, #tpu.memory_space<semaphore_mem>>) src(%dma_wait3A_90 : memref<10240x128xf32, #tpu.memory_space<hbm>>) dst(%arg12 : memref<128x128xf32, #tpu.memory_space<vmem>>)
    %dma_start3A_91 = arith.constant 1 : i32
    %dma_start3A_92 = arith.constant 0 : i32
    %dma_start3A_93 = tpu.memref_slice %arg7[%dma_start3A_91, %dma_start3A_92] : memref<81x128xi32, #tpu.memory_space<vmem>> -> memref<1x128xi32, #tpu.memory_space<vmem>>
    %dma_start3A_94 = tpu.memref_squeeze %dma_start3A_93 : memref<1x128xi32, #tpu.memory_space<vmem>> -> memref<128xi32, #tpu.memory_space<vmem>>
    %dma_start3A_95 = arith.constant 0 : i32
    %dma_start3A_96 = arith.constant 0 : i32
    %dma_start3A_97 = tpu.memref_slice %arg2[%dma_start3A_95, %dma_start3A_96] : memref<10240x128xf32, #tpu.memory_space<hbm>> -> memref<10240x128xf32, #tpu.memory_space<hbm>>
    tpu.enqueue_indirect_dma source(%dma_start3A_97 : memref<10240x128xf32, #tpu.memory_space<hbm>>) target(%arg13 : memref<128x128xf32, #tpu.memory_space<vmem>>) offsets(%dma_start3A_94 : memref<128xi32, #tpu.memory_space<vmem>>) semaphore(%arg15 : memref<!tpu.dma_semaphore, #tpu.memory_space<semaphore_mem>>)
    %mul3A_98 = arith.constant 10368 : i32
    %mul3A_99 = arith.muli %add3A, %mul3A_98 : i32
    %add3A_100 = arith.constant 384 : i32
    %add3A_101 = arith.addi %mul3A_99, %add3A_100 : i32
    %dma_start3A_102 = tpu.memref_slice %arg4[%add3A_101] : memref<331776xi32, #tpu.memory_space<hbm>> -> memref<128xi32, #tpu.memory_space<hbm>>
    %dma_start3A_103 = tpu.memref_slice %arg4[%add3A_101] : memref<331776xi32, #tpu.memory_space<hbm>> -> memref<128xi32, #tpu.memory_space<hbm>>
    tpu.enqueue_dma source(%dma_start3A_103 : memref<128xi32, #tpu.memory_space<hbm>>) target(%arg11 : memref<128xi32, #tpu.memory_space<vmem>>) target_semaphore(%arg20 : memref<!tpu.dma_semaphore, #tpu.memory_space<semaphore_mem>>)
    %mul3A_104 = arith.constant 10368 : i32
    %mul3A_105 = arith.muli %add3A, %mul3A_104 : i32
    %add3A_106 = arith.constant 0 : i32
    %add3A_107 = arith.addi %mul3A_105, %add3A_106 : i32
    %dma_wait3A_108 = tpu.memref_slice %arg4[%add3A_107] : memref<331776xi32, #tpu.memory_space<hbm>> -> memref<128xi32, #tpu.memory_space<hbm>>
    %dma_wait3A_109 = tpu.memref_slice %arg4[%add3A_107] : memref<331776xi32, #tpu.memory_space<hbm>> -> memref<128xi32, #tpu.memory_space<hbm>>
    tpu.wait_dma2 semaphore(%arg17 : memref<!tpu.dma_semaphore, #tpu.memory_space<semaphore_mem>>) src(%dma_wait3A_109 : memref<128xi32, #tpu.memory_space<hbm>>) dst(%arg8 : memref<128xi32, #tpu.memory_space<vmem>>)
    %dma_start3A_110 = arith.constant 0 : i32
    %dma_start3A_111 = arith.constant 0 : i32
    %dma_start3A_112 = tpu.memref_slice %arg14[%dma_start3A_110, %dma_start3A_111] : memref<10240x128xf32, #tpu.memory_space<vmem_shared>> -> memref<10240x128xf32, #tpu.memory_space<vmem_shared>>
    tpu.enqueue_indirect_dma source(%arg12 : memref<128x128xf32, #tpu.memory_space<vmem>>) target(%dma_start3A_112 : memref<10240x128xf32, #tpu.memory_space<vmem_shared>>) offsets(%arg8 : memref<128xi32, #tpu.memory_space<vmem>>) semaphore(%arg16 : memref<!tpu.dma_semaphore, #tpu.memory_space<semaphore_mem>>) {add = true}
    %scan3A = arith.constant 0 : i32
    %scan3A_113 = arith.constant 0 : i32
    %scan3A_114 = arith.constant 19 : i32
    %scan3A_115 = arith.addi %scan3A_113, %scan3A_114 : i32
    %scan3A_116 = arith.constant 1 : i32
    scf.for %scan3A_245 = %scan3A_113 to %scan3A_115 step %scan3A_116  : i32 {
      %mul3A_246 = arith.constant 4 : i32
      %mul3A_247 = arith.muli %mul3A_246, %scan3A_245 : i32
      %add3A_248 = arith.constant 1 : i32
      %add3A_249 = arith.addi %add3A_248, %mul3A_247 : i32
      %dma_wait3A_250 = arith.constant 0 : i32
      %dma_wait3A_251 = tpu.memref_slice %arg7[%add3A_249, %dma_wait3A_250] : memref<81x128xi32, #tpu.memory_space<vmem>> -> memref<1x128xi32, #tpu.memory_space<vmem>>
      %dma_wait3A_252 = tpu.memref_squeeze %dma_wait3A_251 : memref<1x128xi32, #tpu.memory_space<vmem>> -> memref<128xi32, #tpu.memory_space<vmem>>
      %dma_wait3A_253 = arith.constant 0 : i32
      %dma_wait3A_254 = arith.constant 0 : i32
      %dma_wait3A_255 = tpu.memref_slice %arg2[%dma_wait3A_253, %dma_wait3A_254] : memref<10240x128xf32, #tpu.memory_space<hbm>> -> memref<10240x128xf32, #tpu.memory_space<hbm>>
      tpu.wait_indirect_dma semaphore(%arg15 : memref<!tpu.dma_semaphore, #tpu.memory_space<semaphore_mem>>) src(%dma_wait3A_255 : memref<10240x128xf32, #tpu.memory_space<hbm>>) dst(%arg13 : memref<128x128xf32, #tpu.memory_space<vmem>>)
      %dma_wait3A_256 = arith.constant 0 : i32
      %dma_wait3A_257 = arith.constant 0 : i32
      %dma_wait3A_258 = tpu.memref_slice %arg14[%dma_wait3A_256, %dma_wait3A_257] : memref<10240x128xf32, #tpu.memory_space<vmem_shared>> -> memref<10240x128xf32, #tpu.memory_space<vmem_shared>>
      tpu.wait_indirect_dma semaphore(%arg16 : memref<!tpu.dma_semaphore, #tpu.memory_space<semaphore_mem>>) src(%arg12 : memref<128x128xf32, #tpu.memory_space<vmem>>) dst(%dma_wait3A_258 : memref<10240x128xf32, #tpu.memory_space<vmem_shared>>)
      %add3A_259 = arith.constant 1 : i32
      %add3A_260 = arith.addi %add3A_249, %add3A_259 : i32
      %dma_start3A_261 = arith.constant 0 : i32
      %dma_start3A_262 = tpu.memref_slice %arg7[%add3A_260, %dma_start3A_261] : memref<81x128xi32, #tpu.memory_space<vmem>> -> memref<1x128xi32, #tpu.memory_space<vmem>>
      %dma_start3A_263 = tpu.memref_squeeze %dma_start3A_262 : memref<1x128xi32, #tpu.memory_space<vmem>> -> memref<128xi32, #tpu.memory_space<vmem>>
      %dma_start3A_264 = arith.constant 0 : i32
      %dma_start3A_265 = arith.constant 0 : i32
      %dma_start3A_266 = tpu.memref_slice %arg2[%dma_start3A_264, %dma_start3A_265] : memref<10240x128xf32, #tpu.memory_space<hbm>> -> memref<10240x128xf32, #tpu.memory_space<hbm>>
      tpu.enqueue_indirect_dma source(%dma_start3A_266 : memref<10240x128xf32, #tpu.memory_space<hbm>>) target(%arg12 : memref<128x128xf32, #tpu.memory_space<vmem>>) offsets(%dma_start3A_263 : memref<128xi32, #tpu.memory_space<vmem>>) semaphore(%arg15 : memref<!tpu.dma_semaphore, #tpu.memory_space<semaphore_mem>>)
      %add3A_267 = arith.constant 3 : i32
      %add3A_268 = arith.addi %add3A_249, %add3A_267 : i32
      %mul3A_269 = arith.constant 10368 : i32
      %mul3A_270 = arith.muli %add3A, %mul3A_269 : i32
      %mul3A_271 = arith.constant 128 : i32
      %mul3A_272 = arith.muli %add3A_268, %mul3A_271 : i32
      %add3A_273 = arith.addi %mul3A_270, %mul3A_272 : i32
      %dma_start3A_274 = tpu.memref_slice %arg4[%add3A_273] : memref<331776xi32, #tpu.memory_space<hbm>> -> memref<128xi32, #tpu.memory_space<hbm>>
      %dma_start3A_275 = tpu.memref_slice %arg4[%add3A_273] : memref<331776xi32, #tpu.memory_space<hbm>> -> memref<128xi32, #tpu.memory_space<hbm>>
      tpu.enqueue_dma source(%dma_start3A_275 : memref<128xi32, #tpu.memory_space<hbm>>) target(%arg8 : memref<128xi32, #tpu.memory_space<vmem>>) target_semaphore(%arg17 : memref<!tpu.dma_semaphore, #tpu.memory_space<semaphore_mem>>)
      %mul3A_276 = arith.constant 10368 : i32
      %mul3A_277 = arith.muli %add3A, %mul3A_276 : i32
      %mul3A_278 = arith.constant 128 : i32
      %mul3A_279 = arith.muli %add3A_249, %mul3A_278 : i32
      %add3A_280 = arith.addi %mul3A_277, %mul3A_279 : i32
      %dma_wait3A_281 = tpu.memref_slice %arg4[%add3A_280] : memref<331776xi32, #tpu.memory_space<hbm>> -> memref<128xi32, #tpu.memory_space<hbm>>
      %dma_wait3A_282 = tpu.memref_slice %arg4[%add3A_280] : memref<331776xi32, #tpu.memory_space<hbm>> -> memref<128xi32, #tpu.memory_space<hbm>>
      tpu.wait_dma2 semaphore(%arg18 : memref<!tpu.dma_semaphore, #tpu.memory_space<semaphore_mem>>) src(%dma_wait3A_282 : memref<128xi32, #tpu.memory_space<hbm>>) dst(%arg9 : memref<128xi32, #tpu.memory_space<vmem>>)
      %dma_start3A_283 = arith.constant 0 : i32
      %dma_start3A_284 = arith.constant 0 : i32
      %dma_start3A_285 = tpu.memref_slice %arg14[%dma_start3A_283, %dma_start3A_284] : memref<10240x128xf32, #tpu.memory_space<vmem_shared>> -> memref<10240x128xf32, #tpu.memory_space<vmem_shared>>
      tpu.enqueue_indirect_dma source(%arg13 : memref<128x128xf32, #tpu.memory_space<vmem>>) target(%dma_start3A_285 : memref<10240x128xf32, #tpu.memory_space<vmem_shared>>) offsets(%arg9 : memref<128xi32, #tpu.memory_space<vmem>>) semaphore(%arg16 : memref<!tpu.dma_semaphore, #tpu.memory_space<semaphore_mem>>) {add = true}
      %add3A_286 = arith.constant 1 : i32
      %add3A_287 = arith.addi %add3A_249, %add3A_286 : i32
      %dma_wait3A_288 = arith.constant 0 : i32
      %dma_wait3A_289 = tpu.memref_slice %arg7[%add3A_287, %dma_wait3A_288] : memref<81x128xi32, #tpu.memory_space<vmem>> -> memref<1x128xi32, #tpu.memory_space<vmem>>
      %dma_wait3A_290 = tpu.memref_squeeze %dma_wait3A_289 : memref<1x128xi32, #tpu.memory_space<vmem>> -> memref<128xi32, #tpu.memory_space<vmem>>
      %dma_wait3A_291 = arith.constant 0 : i32
      %dma_wait3A_292 = arith.constant 0 : i32
      %dma_wait3A_293 = tpu.memref_slice %arg2[%dma_wait3A_291, %dma_wait3A_292] : memref<10240x128xf32, #tpu.memory_space<hbm>> -> memref<10240x128xf32, #tpu.memory_space<hbm>>
      tpu.wait_indirect_dma semaphore(%arg15 : memref<!tpu.dma_semaphore, #tpu.memory_space<semaphore_mem>>) src(%dma_wait3A_293 : memref<10240x128xf32, #tpu.memory_space<hbm>>) dst(%arg12 : memref<128x128xf32, #tpu.memory_space<vmem>>)
      %dma_wait3A_294 = arith.constant 0 : i32
      %dma_wait3A_295 = arith.constant 0 : i32
      %dma_wait3A_296 = tpu.memref_slice %arg14[%dma_wait3A_294, %dma_wait3A_295] : memref<10240x128xf32, #tpu.memory_space<vmem_shared>> -> memref<10240x128xf32, #tpu.memory_space<vmem_shared>>
      tpu.wait_indirect_dma semaphore(%arg16 : memref<!tpu.dma_semaphore, #tpu.memory_space<semaphore_mem>>) src(%arg13 : memref<128x128xf32, #tpu.memory_space<vmem>>) dst(%dma_wait3A_296 : memref<10240x128xf32, #tpu.memory_space<vmem_shared>>)
      %add3A_297 = arith.constant 1 : i32
      %add3A_298 = arith.addi %add3A_287, %add3A_297 : i32
      %dma_start3A_299 = arith.constant 0 : i32
      %dma_start3A_300 = tpu.memref_slice %arg7[%add3A_298, %dma_start3A_299] : memref<81x128xi32, #tpu.memory_space<vmem>> -> memref<1x128xi32, #tpu.memory_space<vmem>>
      %dma_start3A_301 = tpu.memref_squeeze %dma_start3A_300 : memref<1x128xi32, #tpu.memory_space<vmem>> -> memref<128xi32, #tpu.memory_space<vmem>>
      %dma_start3A_302 = arith.constant 0 : i32
      %dma_start3A_303 = arith.constant 0 : i32
      %dma_start3A_304 = tpu.memref_slice %arg2[%dma_start3A_302, %dma_start3A_303] : memref<10240x128xf32, #tpu.memory_space<hbm>> -> memref<10240x128xf32, #tpu.memory_space<hbm>>
      tpu.enqueue_indirect_dma source(%dma_start3A_304 : memref<10240x128xf32, #tpu.memory_space<hbm>>) target(%arg13 : memref<128x128xf32, #tpu.memory_space<vmem>>) offsets(%dma_start3A_301 : memref<128xi32, #tpu.memory_space<vmem>>) semaphore(%arg15 : memref<!tpu.dma_semaphore, #tpu.memory_space<semaphore_mem>>)
      %add3A_305 = arith.constant 3 : i32
      %add3A_306 = arith.addi %add3A_287, %add3A_305 : i32
      %mul3A_307 = arith.constant 10368 : i32
      %mul3A_308 = arith.muli %add3A, %mul3A_307 : i32
      %mul3A_309 = arith.constant 128 : i32
      %mul3A_310 = arith.muli %add3A_306, %mul3A_309 : i32
      %add3A_311 = arith.addi %mul3A_308, %mul3A_310 : i32
      %dma_start3A_312 = tpu.memref_slice %arg4[%add3A_311] : memref<331776xi32, #tpu.memory_space<hbm>> -> memref<128xi32, #tpu.memory_space<hbm>>
      %dma_start3A_313 = tpu.memref_slice %arg4[%add3A_311] : memref<331776xi32, #tpu.memory_space<hbm>> -> memref<128xi32, #tpu.memory_space<hbm>>
      tpu.enqueue_dma source(%dma_start3A_313 : memref<128xi32, #tpu.memory_space<hbm>>) target(%arg9 : memref<128xi32, #tpu.memory_space<vmem>>) target_semaphore(%arg18 : memref<!tpu.dma_semaphore, #tpu.memory_space<semaphore_mem>>)
      %mul3A_314 = arith.constant 10368 : i32
      %mul3A_315 = arith.muli %add3A, %mul3A_314 : i32
      %mul3A_316 = arith.constant 128 : i32
      %mul3A_317 = arith.muli %add3A_287, %mul3A_316 : i32
      %add3A_318 = arith.addi %mul3A_315, %mul3A_317 : i32
      %dma_wait3A_319 = tpu.memref_slice %arg4[%add3A_318] : memref<331776xi32, #tpu.memory_space<hbm>> -> memref<128xi32, #tpu.memory_space<hbm>>
      %dma_wait3A_320 = tpu.memref_slice %arg4[%add3A_318] : memref<331776xi32, #tpu.memory_space<hbm>> -> memref<128xi32, #tpu.memory_space<hbm>>
      tpu.wait_dma2 semaphore(%arg19 : memref<!tpu.dma_semaphore, #tpu.memory_space<semaphore_mem>>) src(%dma_wait3A_320 : memref<128xi32, #tpu.memory_space<hbm>>) dst(%arg10 : memref<128xi32, #tpu.memory_space<vmem>>)
      %dma_start3A_321 = arith.constant 0 : i32
      %dma_start3A_322 = arith.constant 0 : i32
      %dma_start3A_323 = tpu.memref_slice %arg14[%dma_start3A_321, %dma_start3A_322] : memref<10240x128xf32, #tpu.memory_space<vmem_shared>> -> memref<10240x128xf32, #tpu.memory_space<vmem_shared>>
      tpu.enqueue_indirect_dma source(%arg12 : memref<128x128xf32, #tpu.memory_space<vmem>>) target(%dma_start3A_323 : memref<10240x128xf32, #tpu.memory_space<vmem_shared>>) offsets(%arg10 : memref<128xi32, #tpu.memory_space<vmem>>) semaphore(%arg16 : memref<!tpu.dma_semaphore, #tpu.memory_space<semaphore_mem>>) {add = true}
      %add3A_324 = arith.constant 2 : i32
      %add3A_325 = arith.addi %add3A_249, %add3A_324 : i32
      %dma_wait3A_326 = arith.constant 0 : i32
      %dma_wait3A_327 = tpu.memref_slice %arg7[%add3A_325, %dma_wait3A_326] : memref<81x128xi32, #tpu.memory_space<vmem>> -> memref<1x128xi32, #tpu.memory_space<vmem>>
      %dma_wait3A_328 = tpu.memref_squeeze %dma_wait3A_327 : memref<1x128xi32, #tpu.memory_space<vmem>> -> memref<128xi32, #tpu.memory_space<vmem>>
      %dma_wait3A_329 = arith.constant 0 : i32
      %dma_wait3A_330 = arith.constant 0 : i32
      %dma_wait3A_331 = tpu.memref_slice %arg2[%dma_wait3A_329, %dma_wait3A_330] : memref<10240x128xf32, #tpu.memory_space<hbm>> -> memref<10240x128xf32, #tpu.memory_space<hbm>>
      tpu.wait_indirect_dma semaphore(%arg15 : memref<!tpu.dma_semaphore, #tpu.memory_space<semaphore_mem>>) src(%dma_wait3A_331 : memref<10240x128xf32, #tpu.memory_space<hbm>>) dst(%arg13 : memref<128x128xf32, #tpu.memory_space<vmem>>)
      %dma_wait3A_332 = arith.constant 0 : i32
      %dma_wait3A_333 = arith.constant 0 : i32
      %dma_wait3A_334 = tpu.memref_slice %arg14[%dma_wait3A_332, %dma_wait3A_333] : memref<10240x128xf32, #tpu.memory_space<vmem_shared>> -> memref<10240x128xf32, #tpu.memory_space<vmem_shared>>
      tpu.wait_indirect_dma semaphore(%arg16 : memref<!tpu.dma_semaphore, #tpu.memory_space<semaphore_mem>>) src(%arg12 : memref<128x128xf32, #tpu.memory_space<vmem>>) dst(%dma_wait3A_334 : memref<10240x128xf32, #tpu.memory_space<vmem_shared>>)
      %add3A_335 = arith.constant 1 : i32
      %add3A_336 = arith.addi %add3A_325, %add3A_335 : i32
      %dma_start3A_337 = arith.constant 0 : i32
      %dma_start3A_338 = tpu.memref_slice %arg7[%add3A_336, %dma_start3A_337] : memref<81x128xi32, #tpu.memory_space<vmem>> -> memref<1x128xi32, #tpu.memory_space<vmem>>
      %dma_start3A_339 = tpu.memref_squeeze %dma_start3A_338 : memref<1x128xi32, #tpu.memory_space<vmem>> -> memref<128xi32, #tpu.memory_space<vmem>>
      %dma_start3A_340 = arith.constant 0 : i32
      %dma_start3A_341 = arith.constant 0 : i32
      %dma_start3A_342 = tpu.memref_slice %arg2[%dma_start3A_340, %dma_start3A_341] : memref<10240x128xf32, #tpu.memory_space<hbm>> -> memref<10240x128xf32, #tpu.memory_space<hbm>>
      tpu.enqueue_indirect_dma source(%dma_start3A_342 : memref<10240x128xf32, #tpu.memory_space<hbm>>) target(%arg12 : memref<128x128xf32, #tpu.memory_space<vmem>>) offsets(%dma_start3A_339 : memref<128xi32, #tpu.memory_space<vmem>>) semaphore(%arg15 : memref<!tpu.dma_semaphore, #tpu.memory_space<semaphore_mem>>)
      %add3A_343 = arith.constant 3 : i32
      %add3A_344 = arith.addi %add3A_325, %add3A_343 : i32
      %mul3A_345 = arith.constant 10368 : i32
      %mul3A_346 = arith.muli %add3A, %mul3A_345 : i32
      %mul3A_347 = arith.constant 128 : i32
      %mul3A_348 = arith.muli %add3A_344, %mul3A_347 : i32
      %add3A_349 = arith.addi %mul3A_346, %mul3A_348 : i32
      %dma_start3A_350 = tpu.memref_slice %arg4[%add3A_349] : memref<331776xi32, #tpu.memory_space<hbm>> -> memref<128xi32, #tpu.memory_space<hbm>>
      %dma_start3A_351 = tpu.memref_slice %arg4[%add3A_349] : memref<331776xi32, #tpu.memory_space<hbm>> -> memref<128xi32, #tpu.memory_space<hbm>>
      tpu.enqueue_dma source(%dma_start3A_351 : memref<128xi32, #tpu.memory_space<hbm>>) target(%arg10 : memref<128xi32, #tpu.memory_space<vmem>>) target_semaphore(%arg19 : memref<!tpu.dma_semaphore, #tpu.memory_space<semaphore_mem>>)
      %mul3A_352 = arith.constant 10368 : i32
      %mul3A_353 = arith.muli %add3A, %mul3A_352 : i32
      %mul3A_354 = arith.constant 128 : i32
      %mul3A_355 = arith.muli %add3A_325, %mul3A_354 : i32
      %add3A_356 = arith.addi %mul3A_353, %mul3A_355 : i32
      %dma_wait3A_357 = tpu.memref_slice %arg4[%add3A_356] : memref<331776xi32, #tpu.memory_space<hbm>> -> memref<128xi32, #tpu.memory_space<hbm>>
      %dma_wait3A_358 = tpu.memref_slice %arg4[%add3A_356] : memref<331776xi32, #tpu.memory_space<hbm>> -> memref<128xi32, #tpu.memory_space<hbm>>
      tpu.wait_dma2 semaphore(%arg20 : memref<!tpu.dma_semaphore, #tpu.memory_space<semaphore_mem>>) src(%dma_wait3A_358 : memref<128xi32, #tpu.memory_space<hbm>>) dst(%arg11 : memref<128xi32, #tpu.memory_space<vmem>>)
      %dma_start3A_359 = arith.constant 0 : i32
      %dma_start3A_360 = arith.constant 0 : i32
      %dma_start3A_361 = tpu.memref_slice %arg14[%dma_start3A_359, %dma_start3A_360] : memref<10240x128xf32, #tpu.memory_space<vmem_shared>> -> memref<10240x128xf32, #tpu.memory_space<vmem_shared>>
      tpu.enqueue_indirect_dma source(%arg13 : memref<128x128xf32, #tpu.memory_space<vmem>>) target(%dma_start3A_361 : memref<10240x128xf32, #tpu.memory_space<vmem_shared>>) offsets(%arg11 : memref<128xi32, #tpu.memory_space<vmem>>) semaphore(%arg16 : memref<!tpu.dma_semaphore, #tpu.memory_space<semaphore_mem>>) {add = true}
      %add3A_362 = arith.constant 3 : i32
      %add3A_363 = arith.addi %add3A_249, %add3A_362 : i32
      %dma_wait3A_364 = arith.constant 0 : i32
      %dma_wait3A_365 = tpu.memref_slice %arg7[%add3A_363, %dma_wait3A_364] : memref<81x128xi32, #tpu.memory_space<vmem>> -> memref<1x128xi32, #tpu.memory_space<vmem>>
      %dma_wait3A_366 = tpu.memref_squeeze %dma_wait3A_365 : memref<1x128xi32, #tpu.memory_space<vmem>> -> memref<128xi32, #tpu.memory_space<vmem>>
      %dma_wait3A_367 = arith.constant 0 : i32
      %dma_wait3A_368 = arith.constant 0 : i32
      %dma_wait3A_369 = tpu.memref_slice %arg2[%dma_wait3A_367, %dma_wait3A_368] : memref<10240x128xf32, #tpu.memory_space<hbm>> -> memref<10240x128xf32, #tpu.memory_space<hbm>>
      tpu.wait_indirect_dma semaphore(%arg15 : memref<!tpu.dma_semaphore, #tpu.memory_space<semaphore_mem>>) src(%dma_wait3A_369 : memref<10240x128xf32, #tpu.memory_space<hbm>>) dst(%arg12 : memref<128x128xf32, #tpu.memory_space<vmem>>)
      %dma_wait3A_370 = arith.constant 0 : i32
      %dma_wait3A_371 = arith.constant 0 : i32
      %dma_wait3A_372 = tpu.memref_slice %arg14[%dma_wait3A_370, %dma_wait3A_371] : memref<10240x128xf32, #tpu.memory_space<vmem_shared>> -> memref<10240x128xf32, #tpu.memory_space<vmem_shared>>
      tpu.wait_indirect_dma semaphore(%arg16 : memref<!tpu.dma_semaphore, #tpu.memory_space<semaphore_mem>>) src(%arg13 : memref<128x128xf32, #tpu.memory_space<vmem>>) dst(%dma_wait3A_372 : memref<10240x128xf32, #tpu.memory_space<vmem_shared>>)
      %add3A_373 = arith.constant 1 : i32
      %add3A_374 = arith.addi %add3A_363, %add3A_373 : i32
      %dma_start3A_375 = arith.constant 0 : i32
      %dma_start3A_376 = tpu.memref_slice %arg7[%add3A_374, %dma_start3A_375] : memref<81x128xi32, #tpu.memory_space<vmem>> -> memref<1x128xi32, #tpu.memory_space<vmem>>
      %dma_start3A_377 = tpu.memref_squeeze %dma_start3A_376 : memref<1x128xi32, #tpu.memory_space<vmem>> -> memref<128xi32, #tpu.memory_space<vmem>>
      %dma_start3A_378 = arith.constant 0 : i32
      %dma_start3A_379 = arith.constant 0 : i32
      %dma_start3A_380 = tpu.memref_slice %arg2[%dma_start3A_378, %dma_start3A_379] : memref<10240x128xf32, #tpu.memory_space<hbm>> -> memref<10240x128xf32, #tpu.memory_space<hbm>>
      tpu.enqueue_indirect_dma source(%dma_start3A_380 : memref<10240x128xf32, #tpu.memory_space<hbm>>) target(%arg13 : memref<128x128xf32, #tpu.memory_space<vmem>>) offsets(%dma_start3A_377 : memref<128xi32, #tpu.memory_space<vmem>>) semaphore(%arg15 : memref<!tpu.dma_semaphore, #tpu.memory_space<semaphore_mem>>)
      %add3A_381 = arith.constant 3 : i32
      %add3A_382 = arith.addi %add3A_363, %add3A_381 : i32
      %mul3A_383 = arith.constant 10368 : i32
      %mul3A_384 = arith.muli %add3A, %mul3A_383 : i32
      %mul3A_385 = arith.constant 128 : i32
      %mul3A_386 = arith.muli %add3A_382, %mul3A_385 : i32
      %add3A_387 = arith.addi %mul3A_384, %mul3A_386 : i32
      %dma_start3A_388 = tpu.memref_slice %arg4[%add3A_387] : memref<331776xi32, #tpu.memory_space<hbm>> -> memref<128xi32, #tpu.memory_space<hbm>>
      %dma_start3A_389 = tpu.memref_slice %arg4[%add3A_387] : memref<331776xi32, #tpu.memory_space<hbm>> -> memref<128xi32, #tpu.memory_space<hbm>>
      tpu.enqueue_dma source(%dma_start3A_389 : memref<128xi32, #tpu.memory_space<hbm>>) target(%arg11 : memref<128xi32, #tpu.memory_space<vmem>>) target_semaphore(%arg20 : memref<!tpu.dma_semaphore, #tpu.memory_space<semaphore_mem>>)
      %mul3A_390 = arith.constant 10368 : i32
      %mul3A_391 = arith.muli %add3A, %mul3A_390 : i32
      %mul3A_392 = arith.constant 128 : i32
      %mul3A_393 = arith.muli %add3A_363, %mul3A_392 : i32
      %add3A_394 = arith.addi %mul3A_391, %mul3A_393 : i32
      %dma_wait3A_395 = tpu.memref_slice %arg4[%add3A_394] : memref<331776xi32, #tpu.memory_space<hbm>> -> memref<128xi32, #tpu.memory_space<hbm>>
      %dma_wait3A_396 = tpu.memref_slice %arg4[%add3A_394] : memref<331776xi32, #tpu.memory_space<hbm>> -> memref<128xi32, #tpu.memory_space<hbm>>
      tpu.wait_dma2 semaphore(%arg17 : memref<!tpu.dma_semaphore, #tpu.memory_space<semaphore_mem>>) src(%dma_wait3A_396 : memref<128xi32, #tpu.memory_space<hbm>>) dst(%arg8 : memref<128xi32, #tpu.memory_space<vmem>>)
      %dma_start3A_397 = arith.constant 0 : i32
      %dma_start3A_398 = arith.constant 0 : i32
      %dma_start3A_399 = tpu.memref_slice %arg14[%dma_start3A_397, %dma_start3A_398] : memref<10240x128xf32, #tpu.memory_space<vmem_shared>> -> memref<10240x128xf32, #tpu.memory_space<vmem_shared>>
      tpu.enqueue_indirect_dma source(%arg12 : memref<128x128xf32, #tpu.memory_space<vmem>>) target(%dma_start3A_399 : memref<10240x128xf32, #tpu.memory_space<vmem_shared>>) offsets(%arg8 : memref<128xi32, #tpu.memory_space<vmem>>) semaphore(%arg16 : memref<!tpu.dma_semaphore, #tpu.memory_space<semaphore_mem>>) {add = true}
    }
    %scan3A_117 = arith.constant 19 : i32
    %dma_wait3A_118 = arith.constant 77 : i32
    %dma_wait3A_119 = arith.constant 0 : i32
    %dma_wait3A_120 = tpu.memref_slice %arg7[%dma_wait3A_118, %dma_wait3A_119] : memref<81x128xi32, #tpu.memory_space<vmem>> -> memref<1x128xi32, #tpu.memory_space<vmem>>
    %dma_wait3A_121 = tpu.memref_squeeze %dma_wait3A_120 : memref<1x128xi32, #tpu.memory_space<vmem>> -> memref<128xi32, #tpu.memory_space<vmem>>
    %dma_wait3A_122 = arith.constant 0 : i32
    %dma_wait3A_123 = arith.constant 0 : i32
    %dma_wait3A_124 = tpu.memref_slice %arg2[%dma_wait3A_122, %dma_wait3A_123] : memref<10240x128xf32, #tpu.memory_space<hbm>> -> memref<10240x128xf32, #tpu.memory_space<hbm>>
    tpu.wait_indirect_dma semaphore(%arg15 : memref<!tpu.dma_semaphore, #tpu.memory_space<semaphore_mem>>) src(%dma_wait3A_124 : memref<10240x128xf32, #tpu.memory_space<hbm>>) dst(%arg13 : memref<128x128xf32, #tpu.memory_space<vmem>>)
    %dma_wait3A_125 = arith.constant 0 : i32
    %dma_wait3A_126 = arith.constant 0 : i32
    %dma_wait3A_127 = tpu.memref_slice %arg14[%dma_wait3A_125, %dma_wait3A_126] : memref<10240x128xf32, #tpu.memory_space<vmem_shared>> -> memref<10240x128xf32, #tpu.memory_space<vmem_shared>>
    tpu.wait_indirect_dma semaphore(%arg16 : memref<!tpu.dma_semaphore, #tpu.memory_space<semaphore_mem>>) src(%arg12 : memref<128x128xf32, #tpu.memory_space<vmem>>) dst(%dma_wait3A_127 : memref<10240x128xf32, #tpu.memory_space<vmem_shared>>)
    %dma_start3A_128 = arith.constant 78 : i32
    %dma_start3A_129 = arith.constant 0 : i32
    %dma_start3A_130 = tpu.memref_slice %arg7[%dma_start3A_128, %dma_start3A_129] : memref<81x128xi32, #tpu.memory_space<vmem>> -> memref<1x128xi32, #tpu.memory_space<vmem>>
    %dma_start3A_131 = tpu.memref_squeeze %dma_start3A_130 : memref<1x128xi32, #tpu.memory_space<vmem>> -> memref<128xi32, #tpu.memory_space<vmem>>
    %dma_start3A_132 = arith.constant 0 : i32
    %dma_start3A_133 = arith.constant 0 : i32
    %dma_start3A_134 = tpu.memref_slice %arg2[%dma_start3A_132, %dma_start3A_133] : memref<10240x128xf32, #tpu.memory_space<hbm>> -> memref<10240x128xf32, #tpu.memory_space<hbm>>
    tpu.enqueue_indirect_dma source(%dma_start3A_134 : memref<10240x128xf32, #tpu.memory_space<hbm>>) target(%arg12 : memref<128x128xf32, #tpu.memory_space<vmem>>) offsets(%dma_start3A_131 : memref<128xi32, #tpu.memory_space<vmem>>) semaphore(%arg15 : memref<!tpu.dma_semaphore, #tpu.memory_space<semaphore_mem>>)
    %mul3A_135 = arith.constant 10368 : i32
    %mul3A_136 = arith.muli %add3A, %mul3A_135 : i32
    %add3A_137 = arith.constant 10240 : i32
    %add3A_138 = arith.addi %mul3A_136, %add3A_137 : i32
    %dma_start3A_139 = tpu.memref_slice %arg4[%add3A_138] : memref<331776xi32, #tpu.memory_space<hbm>> -> memref<128xi32, #tpu.memory_space<hbm>>
    %dma_start3A_140 = tpu.memref_slice %arg4[%add3A_138] : memref<331776xi32, #tpu.memory_space<hbm>> -> memref<128xi32, #tpu.memory_space<hbm>>
    tpu.enqueue_dma source(%dma_start3A_140 : memref<128xi32, #tpu.memory_space<hbm>>) target(%arg8 : memref<128xi32, #tpu.memory_space<vmem>>) target_semaphore(%arg17 : memref<!tpu.dma_semaphore, #tpu.memory_space<semaphore_mem>>)
    %mul3A_141 = arith.constant 10368 : i32
    %mul3A_142 = arith.muli %add3A, %mul3A_141 : i32
    %add3A_143 = arith.constant 9856 : i32
    %add3A_144 = arith.addi %mul3A_142, %add3A_143 : i32
    %dma_wait3A_145 = tpu.memref_slice %arg4[%add3A_144] : memref<331776xi32, #tpu.memory_space<hbm>> -> memref<128xi32, #tpu.memory_space<hbm>>
    %dma_wait3A_146 = tpu.memref_slice %arg4[%add3A_144] : memref<331776xi32, #tpu.memory_space<hbm>> -> memref<128xi32, #tpu.memory_space<hbm>>
    tpu.wait_dma2 semaphore(%arg18 : memref<!tpu.dma_semaphore, #tpu.memory_space<semaphore_mem>>) src(%dma_wait3A_146 : memref<128xi32, #tpu.memory_space<hbm>>) dst(%arg9 : memref<128xi32, #tpu.memory_space<vmem>>)
    %dma_start3A_147 = arith.constant 0 : i32
    %dma_start3A_148 = arith.constant 0 : i32
    %dma_start3A_149 = tpu.memref_slice %arg14[%dma_start3A_147, %dma_start3A_148] : memref<10240x128xf32, #tpu.memory_space<vmem_shared>> -> memref<10240x128xf32, #tpu.memory_space<vmem_shared>>
    tpu.enqueue_indirect_dma source(%arg13 : memref<128x128xf32, #tpu.memory_space<vmem>>) target(%dma_start3A_149 : memref<10240x128xf32, #tpu.memory_space<vmem_shared>>) offsets(%arg9 : memref<128xi32, #tpu.memory_space<vmem>>) semaphore(%arg16 : memref<!tpu.dma_semaphore, #tpu.memory_space<semaphore_mem>>) {add = true}
    %dma_wait3A_150 = arith.constant 78 : i32
    %dma_wait3A_151 = arith.constant 0 : i32
    %dma_wait3A_152 = tpu.memref_slice %arg7[%dma_wait3A_150, %dma_wait3A_151] : memref<81x128xi32, #tpu.memory_space<vmem>> -> memref<1x128xi32, #tpu.memory_space<vmem>>
    %dma_wait3A_153 = tpu.memref_squeeze %dma_wait3A_152 : memref<1x128xi32, #tpu.memory_space<vmem>> -> memref<128xi32, #tpu.memory_space<vmem>>
    %dma_wait3A_154 = arith.constant 0 : i32
    %dma_wait3A_155 = arith.constant 0 : i32
    %dma_wait3A_156 = tpu.memref_slice %arg2[%dma_wait3A_154, %dma_wait3A_155] : memref<10240x128xf32, #tpu.memory_space<hbm>> -> memref<10240x128xf32, #tpu.memory_space<hbm>>
    tpu.wait_indirect_dma semaphore(%arg15 : memref<!tpu.dma_semaphore, #tpu.memory_space<semaphore_mem>>) src(%dma_wait3A_156 : memref<10240x128xf32, #tpu.memory_space<hbm>>) dst(%arg12 : memref<128x128xf32, #tpu.memory_space<vmem>>)
    %dma_wait3A_157 = arith.constant 0 : i32
    %dma_wait3A_158 = arith.constant 0 : i32
    %dma_wait3A_159 = tpu.memref_slice %arg14[%dma_wait3A_157, %dma_wait3A_158] : memref<10240x128xf32, #tpu.memory_space<vmem_shared>> -> memref<10240x128xf32, #tpu.memory_space<vmem_shared>>
    tpu.wait_indirect_dma semaphore(%arg16 : memref<!tpu.dma_semaphore, #tpu.memory_space<semaphore_mem>>) src(%arg13 : memref<128x128xf32, #tpu.memory_space<vmem>>) dst(%dma_wait3A_159 : memref<10240x128xf32, #tpu.memory_space<vmem_shared>>)
    %dma_start3A_160 = arith.constant 79 : i32
    %dma_start3A_161 = arith.constant 0 : i32
    %dma_start3A_162 = tpu.memref_slice %arg7[%dma_start3A_160, %dma_start3A_161] : memref<81x128xi32, #tpu.memory_space<vmem>> -> memref<1x128xi32, #tpu.memory_space<vmem>>
    %dma_start3A_163 = tpu.memref_squeeze %dma_start3A_162 : memref<1x128xi32, #tpu.memory_space<vmem>> -> memref<128xi32, #tpu.memory_space<vmem>>
    %dma_start3A_164 = arith.constant 0 : i32
    %dma_start3A_165 = arith.constant 0 : i32
    %dma_start3A_166 = tpu.memref_slice %arg2[%dma_start3A_164, %dma_start3A_165] : memref<10240x128xf32, #tpu.memory_space<hbm>> -> memref<10240x128xf32, #tpu.memory_space<hbm>>
    tpu.enqueue_indirect_dma source(%dma_start3A_166 : memref<10240x128xf32, #tpu.memory_space<hbm>>) target(%arg13 : memref<128x128xf32, #tpu.memory_space<vmem>>) offsets(%dma_start3A_163 : memref<128xi32, #tpu.memory_space<vmem>>) semaphore(%arg15 : memref<!tpu.dma_semaphore, #tpu.memory_space<semaphore_mem>>)
    %mul3A_167 = arith.constant 10368 : i32
    %mul3A_168 = arith.muli %add3A, %mul3A_167 : i32
    %add3A_169 = arith.constant 9984 : i32
    %add3A_170 = arith.addi %mul3A_168, %add3A_169 : i32
    %dma_wait3A_171 = tpu.memref_slice %arg4[%add3A_170] : memref<331776xi32, #tpu.memory_space<hbm>> -> memref<128xi32, #tpu.memory_space<hbm>>
    %dma_wait3A_172 = tpu.memref_slice %arg4[%add3A_170] : memref<331776xi32, #tpu.memory_space<hbm>> -> memref<128xi32, #tpu.memory_space<hbm>>
    tpu.wait_dma2 semaphore(%arg19 : memref<!tpu.dma_semaphore, #tpu.memory_space<semaphore_mem>>) src(%dma_wait3A_172 : memref<128xi32, #tpu.memory_space<hbm>>) dst(%arg10 : memref<128xi32, #tpu.memory_space<vmem>>)
    %dma_start3A_173 = arith.constant 0 : i32
    %dma_start3A_174 = arith.constant 0 : i32
    %dma_start3A_175 = tpu.memref_slice %arg14[%dma_start3A_173, %dma_start3A_174] : memref<10240x128xf32, #tpu.memory_space<vmem_shared>> -> memref<10240x128xf32, #tpu.memory_space<vmem_shared>>
    tpu.enqueue_indirect_dma source(%arg12 : memref<128x128xf32, #tpu.memory_space<vmem>>) target(%dma_start3A_175 : memref<10240x128xf32, #tpu.memory_space<vmem_shared>>) offsets(%arg10 : memref<128xi32, #tpu.memory_space<vmem>>) semaphore(%arg16 : memref<!tpu.dma_semaphore, #tpu.memory_space<semaphore_mem>>) {add = true}
    %dma_wait3A_176 = arith.constant 79 : i32
    %dma_wait3A_177 = arith.constant 0 : i32
    %dma_wait3A_178 = tpu.memref_slice %arg7[%dma_wait3A_176, %dma_wait3A_177] : memref<81x128xi32, #tpu.memory_space<vmem>> -> memref<1x128xi32, #tpu.memory_space<vmem>>
    %dma_wait3A_179 = tpu.memref_squeeze %dma_wait3A_178 : memref<1x128xi32, #tpu.memory_space<vmem>> -> memref<128xi32, #tpu.memory_space<vmem>>
    %dma_wait3A_180 = arith.constant 0 : i32
    %dma_wait3A_181 = arith.constant 0 : i32
    %dma_wait3A_182 = tpu.memref_slice %arg2[%dma_wait3A_180, %dma_wait3A_181] : memref<10240x128xf32, #tpu.memory_space<hbm>> -> memref<10240x128xf32, #tpu.memory_space<hbm>>
    tpu.wait_indirect_dma semaphore(%arg15 : memref<!tpu.dma_semaphore, #tpu.memory_space<semaphore_mem>>) src(%dma_wait3A_182 : memref<10240x128xf32, #tpu.memory_space<hbm>>) dst(%arg13 : memref<128x128xf32, #tpu.memory_space<vmem>>)
    %dma_wait3A_183 = arith.constant 0 : i32
    %dma_wait3A_184 = arith.constant 0 : i32
    %dma_wait3A_185 = tpu.memref_slice %arg14[%dma_wait3A_183, %dma_wait3A_184] : memref<10240x128xf32, #tpu.memory_space<vmem_shared>> -> memref<10240x128xf32, #tpu.memory_space<vmem_shared>>
    tpu.wait_indirect_dma semaphore(%arg16 : memref<!tpu.dma_semaphore, #tpu.memory_space<semaphore_mem>>) src(%arg12 : memref<128x128xf32, #tpu.memory_space<vmem>>) dst(%dma_wait3A_185 : memref<10240x128xf32, #tpu.memory_space<vmem_shared>>)
    %dma_start3A_186 = arith.constant 80 : i32
    %dma_start3A_187 = arith.constant 0 : i32
    %dma_start3A_188 = tpu.memref_slice %arg7[%dma_start3A_186, %dma_start3A_187] : memref<81x128xi32, #tpu.memory_space<vmem>> -> memref<1x128xi32, #tpu.memory_space<vmem>>
    %dma_start3A_189 = tpu.memref_squeeze %dma_start3A_188 : memref<1x128xi32, #tpu.memory_space<vmem>> -> memref<128xi32, #tpu.memory_space<vmem>>
    %dma_start3A_190 = arith.constant 0 : i32
    %dma_start3A_191 = arith.constant 0 : i32
    %dma_start3A_192 = tpu.memref_slice %arg2[%dma_start3A_190, %dma_start3A_191] : memref<10240x128xf32, #tpu.memory_space<hbm>> -> memref<10240x128xf32, #tpu.memory_space<hbm>>
    tpu.enqueue_indirect_dma source(%dma_start3A_192 : memref<10240x128xf32, #tpu.memory_space<hbm>>) target(%arg12 : memref<128x128xf32, #tpu.memory_space<vmem>>) offsets(%dma_start3A_189 : memref<128xi32, #tpu.memory_space<vmem>>) semaphore(%arg15 : memref<!tpu.dma_semaphore, #tpu.memory_space<semaphore_mem>>)
    %mul3A_193 = arith.constant 10368 : i32
    %mul3A_194 = arith.muli %add3A, %mul3A_193 : i32
    %add3A_195 = arith.constant 10112 : i32
    %add3A_196 = arith.addi %mul3A_194, %add3A_195 : i32
    %dma_wait3A_197 = tpu.memref_slice %arg4[%add3A_196] : memref<331776xi32, #tpu.memory_space<hbm>> -> memref<128xi32, #tpu.memory_space<hbm>>
    %dma_wait3A_198 = tpu.memref_slice %arg4[%add3A_196] : memref<331776xi32, #tpu.memory_space<hbm>> -> memref<128xi32, #tpu.memory_space<hbm>>
    tpu.wait_dma2 semaphore(%arg20 : memref<!tpu.dma_semaphore, #tpu.memory_space<semaphore_mem>>) src(%dma_wait3A_198 : memref<128xi32, #tpu.memory_space<hbm>>) dst(%arg11 : memref<128xi32, #tpu.memory_space<vmem>>)
    %dma_start3A_199 = arith.constant 0 : i32
    %dma_start3A_200 = arith.constant 0 : i32
    %dma_start3A_201 = tpu.memref_slice %arg14[%dma_start3A_199, %dma_start3A_200] : memref<10240x128xf32, #tpu.memory_space<vmem_shared>> -> memref<10240x128xf32, #tpu.memory_space<vmem_shared>>
    tpu.enqueue_indirect_dma source(%arg13 : memref<128x128xf32, #tpu.memory_space<vmem>>) target(%dma_start3A_201 : memref<10240x128xf32, #tpu.memory_space<vmem_shared>>) offsets(%arg11 : memref<128xi32, #tpu.memory_space<vmem>>) semaphore(%arg16 : memref<!tpu.dma_semaphore, #tpu.memory_space<semaphore_mem>>) {add = true}
    %dma_wait3A_202 = arith.constant 80 : i32
    %dma_wait3A_203 = arith.constant 0 : i32
    %dma_wait3A_204 = tpu.memref_slice %arg7[%dma_wait3A_202, %dma_wait3A_203] : memref<81x128xi32, #tpu.memory_space<vmem>> -> memref<1x128xi32, #tpu.memory_space<vmem>>
    %dma_wait3A_205 = tpu.memref_squeeze %dma_wait3A_204 : memref<1x128xi32, #tpu.memory_space<vmem>> -> memref<128xi32, #tpu.memory_space<vmem>>
    %dma_wait3A_206 = arith.constant 0 : i32
    %dma_wait3A_207 = arith.constant 0 : i32
    %dma_wait3A_208 = tpu.memref_slice %arg2[%dma_wait3A_206, %dma_wait3A_207] : memref<10240x128xf32, #tpu.memory_space<hbm>> -> memref<10240x128xf32, #tpu.memory_space<hbm>>
    tpu.wait_indirect_dma semaphore(%arg15 : memref<!tpu.dma_semaphore, #tpu.memory_space<semaphore_mem>>) src(%dma_wait3A_208 : memref<10240x128xf32, #tpu.memory_space<hbm>>) dst(%arg12 : memref<128x128xf32, #tpu.memory_space<vmem>>)
    %dma_wait3A_209 = arith.constant 0 : i32
    %dma_wait3A_210 = arith.constant 0 : i32
    %dma_wait3A_211 = tpu.memref_slice %arg14[%dma_wait3A_209, %dma_wait3A_210] : memref<10240x128xf32, #tpu.memory_space<vmem_shared>> -> memref<10240x128xf32, #tpu.memory_space<vmem_shared>>
    tpu.wait_indirect_dma semaphore(%arg16 : memref<!tpu.dma_semaphore, #tpu.memory_space<semaphore_mem>>) src(%arg13 : memref<128x128xf32, #tpu.memory_space<vmem>>) dst(%dma_wait3A_211 : memref<10240x128xf32, #tpu.memory_space<vmem_shared>>)
    %mul3A_212 = arith.constant 10368 : i32
    %mul3A_213 = arith.muli %add3A, %mul3A_212 : i32
    %add3A_214 = arith.constant 10240 : i32
    %add3A_215 = arith.addi %mul3A_213, %add3A_214 : i32
    %dma_wait3A_216 = tpu.memref_slice %arg4[%add3A_215] : memref<331776xi32, #tpu.memory_space<hbm>> -> memref<128xi32, #tpu.memory_space<hbm>>
    %dma_wait3A_217 = tpu.memref_slice %arg4[%add3A_215] : memref<331776xi32, #tpu.memory_space<hbm>> -> memref<128xi32, #tpu.memory_space<hbm>>
    tpu.wait_dma2 semaphore(%arg17 : memref<!tpu.dma_semaphore, #tpu.memory_space<semaphore_mem>>) src(%dma_wait3A_217 : memref<128xi32, #tpu.memory_space<hbm>>) dst(%arg8 : memref<128xi32, #tpu.memory_space<vmem>>)
    %dma_start3A_218 = arith.constant 0 : i32
    %dma_start3A_219 = arith.constant 0 : i32
    %dma_start3A_220 = tpu.memref_slice %arg14[%dma_start3A_218, %dma_start3A_219] : memref<10240x128xf32, #tpu.memory_space<vmem_shared>> -> memref<10240x128xf32, #tpu.memory_space<vmem_shared>>
    tpu.enqueue_indirect_dma source(%arg12 : memref<128x128xf32, #tpu.memory_space<vmem>>) target(%dma_start3A_220 : memref<10240x128xf32, #tpu.memory_space<vmem_shared>>) offsets(%arg8 : memref<128xi32, #tpu.memory_space<vmem>>) semaphore(%arg16 : memref<!tpu.dma_semaphore, #tpu.memory_space<semaphore_mem>>) {add = true}
    %dma_wait3A_221 = arith.constant 0 : i32
    %dma_wait3A_222 = arith.constant 0 : i32
    %dma_wait3A_223 = tpu.memref_slice %arg14[%dma_wait3A_221, %dma_wait3A_222] : memref<10240x128xf32, #tpu.memory_space<vmem_shared>> -> memref<10240x128xf32, #tpu.memory_space<vmem_shared>>
    tpu.wait_indirect_dma semaphore(%arg16 : memref<!tpu.dma_semaphore, #tpu.memory_space<semaphore_mem>>) src(%arg12 : memref<128x128xf32, #tpu.memory_space<vmem>>) dst(%dma_wait3A_223 : memref<10240x128xf32, #tpu.memory_space<vmem_shared>>)
    %barrier3A_224 = arith.constant 0 : index
    tpu.barrier barrier_id(%barrier3A_224)
    %mul3A_225 = arith.constant 640 : i32
    %mul3A_226 = arith.muli %arg1, %mul3A_225 : i32
    %add3A_227 = arith.constant 0 : i32
    %add3A_228 = arith.addi %mul3A_226, %add3A_227 : i32
    "tpu.region"() ({
      %run_scoped3A = tpu.sem_alloc : memref<!tpu.dma_semaphore, #tpu.memory_space<semaphore_mem>>
      %dma_start3A_245 = arith.constant 0 : i32
      %dma_start3A_246 = tpu.memref_slice %arg14[%add3A_228, %dma_start3A_245] : memref<10240x128xf32, #tpu.memory_space<vmem_shared>> -> memref<128x128xf32, #tpu.memory_space<vmem_shared>>
      %dma_start3A_247 = arith.constant 0 : i32
      %dma_start3A_248 = tpu.memref_slice %arg14[%add3A_228, %dma_start3A_247] : memref<10240x128xf32, #tpu.memory_space<vmem_shared>> -> memref<128x128xf32, #tpu.memory_space<vmem_shared>>
      tpu.enqueue_dma source(%dma_start3A_248 : memref<128x128xf32, #tpu.memory_space<vmem_shared>>) target(%arg12 : memref<128x128xf32, #tpu.memory_space<vmem>>) target_semaphore(%run_scoped3A : memref<!tpu.dma_semaphore, #tpu.memory_space<semaphore_mem>>)
      %dma_wait3A_249 = arith.constant 0 : i32
      %dma_wait3A_250 = tpu.memref_slice %arg14[%add3A_228, %dma_wait3A_249] : memref<10240x128xf32, #tpu.memory_space<vmem_shared>> -> memref<128x128xf32, #tpu.memory_space<vmem_shared>>
      %dma_wait3A_251 = arith.constant 0 : i32
      %dma_wait3A_252 = tpu.memref_slice %arg14[%add3A_228, %dma_wait3A_251] : memref<10240x128xf32, #tpu.memory_space<vmem_shared>> -> memref<128x128xf32, #tpu.memory_space<vmem_shared>>
      tpu.wait_dma2 semaphore(%run_scoped3A : memref<!tpu.dma_semaphore, #tpu.memory_space<semaphore_mem>>) src(%dma_wait3A_252 : memref<128x128xf32, #tpu.memory_space<vmem_shared>>) dst(%arg12 : memref<128x128xf32, #tpu.memory_space<vmem>>)
      tpu.yield
    }) : () -> ()
    "tpu.region"() ({
      %run_scoped3A = tpu.sem_alloc : memref<!tpu.dma_semaphore, #tpu.memory_space<semaphore_mem>>
      %dma_start3A_245 = arith.constant 0 : i32
      %dma_start3A_246 = tpu.memref_slice %arg6[%arg0, %add3A_228, %dma_start3A_245] : memref<2x10240x128xf32, #tpu.memory_space<hbm>> -> memref<1x128x128xf32, #tpu.memory_space<hbm>>
      %dma_start3A_247 = tpu.memref_squeeze %dma_start3A_246 : memref<1x128x128xf32, #tpu.memory_space<hbm>> -> memref<128x128xf32, #tpu.memory_space<hbm>>
      %dma_start3A_248 = arith.constant 0 : i32
      %dma_start3A_249 = tpu.memref_slice %arg6[%arg0, %add3A_228, %dma_start3A_248] : memref<2x10240x128xf32, #tpu.memory_space<hbm>> -> memref<1x128x128xf32, #tpu.memory_space<hbm>>
      %dma_start3A_250 = tpu.memref_squeeze %dma_start3A_249 : memref<1x128x128xf32, #tpu.memory_space<hbm>> -> memref<128x128xf32, #tpu.memory_space<hbm>>
      tpu.enqueue_dma source(%arg12 : memref<128x128xf32, #tpu.memory_space<vmem>>) target(%dma_start3A_250 : memref<128x128xf32, #tpu.memory_space<hbm>>) target_semaphore(%run_scoped3A : memref<!tpu.dma_semaphore, #tpu.memory_space<semaphore_mem>>)
      %dma_wait3A_251 = arith.constant 0 : i32
      %dma_wait3A_252 = tpu.memref_slice %arg6[%arg0, %add3A_228, %dma_wait3A_251] : memref<2x10240x128xf32, #tpu.memory_space<hbm>> -> memref<1x128x128xf32, #tpu.memory_space<hbm>>
      %dma_wait3A_253 = tpu.memref_squeeze %dma_wait3A_252 : memref<1x128x128xf32, #tpu.memory_space<hbm>> -> memref<128x128xf32, #tpu.memory_space<hbm>>
      %dma_wait3A_254 = arith.constant 0 : i32
      %dma_wait3A_255 = tpu.memref_slice %arg6[%arg0, %add3A_228, %dma_wait3A_254] : memref<2x10240x128xf32, #tpu.memory_space<hbm>> -> memref<1x128x128xf32, #tpu.memory_space<hbm>>
      %dma_wait3A_256 = tpu.memref_squeeze %dma_wait3A_255 : memref<1x128x128xf32, #tpu.memory_space<hbm>> -> memref<128x128xf32, #tpu.memory_space<hbm>>
      tpu.wait_dma2 semaphore(%run_scoped3A : memref<!tpu.dma_semaphore, #tpu.memory_space<semaphore_mem>>) src(%arg12 : memref<128x128xf32, #tpu.memory_space<vmem>>) dst(%dma_wait3A_256 : memref<128x128xf32, #tpu.memory_space<hbm>>)
      tpu.yield
    }) : () -> ()
    %mul3A_229 = arith.constant 640 : i32
    %mul3A_230 = arith.muli %arg1, %mul3A_229 : i32
    %add3A_231 = arith.constant 128 : i32
    %add3A_232 = arith.addi %mul3A_230, %add3A_231 : i32
    "tpu.region"() ({
      %run_scoped3A = tpu.sem_alloc : memref<!tpu.dma_semaphore, #tpu.memory_space<semaphore_mem>>
      %dma_start3A_245 = arith.constant 0 : i32
      %dma_start3A_246 = tpu.memref_slice %arg14[%add3A_232, %dma_start3A_245] : memref<10240x128xf32, #tpu.memory_space<vmem_shared>> -> memref<128x128xf32, #tpu.memory_space<vmem_shared>>
      %dma_start3A_247 = arith.constant 0 : i32
      %dma_start3A_248 = tpu.memref_slice %arg14[%add3A_232, %dma_start3A_247] : memref<10240x128xf32, #tpu.memory_space<vmem_shared>> -> memref<128x128xf32, #tpu.memory_space<vmem_shared>>
      tpu.enqueue_dma source(%dma_start3A_248 : memref<128x128xf32, #tpu.memory_space<vmem_shared>>) target(%arg12 : memref<128x128xf32, #tpu.memory_space<vmem>>) target_semaphore(%run_scoped3A : memref<!tpu.dma_semaphore, #tpu.memory_space<semaphore_mem>>)
      %dma_wait3A_249 = arith.constant 0 : i32
      %dma_wait3A_250 = tpu.memref_slice %arg14[%add3A_232, %dma_wait3A_249] : memref<10240x128xf32, #tpu.memory_space<vmem_shared>> -> memref<128x128xf32, #tpu.memory_space<vmem_shared>>
      %dma_wait3A_251 = arith.constant 0 : i32
      %dma_wait3A_252 = tpu.memref_slice %arg14[%add3A_232, %dma_wait3A_251] : memref<10240x128xf32, #tpu.memory_space<vmem_shared>> -> memref<128x128xf32, #tpu.memory_space<vmem_shared>>
      tpu.wait_dma2 semaphore(%run_scoped3A : memref<!tpu.dma_semaphore, #tpu.memory_space<semaphore_mem>>) src(%dma_wait3A_252 : memref<128x128xf32, #tpu.memory_space<vmem_shared>>) dst(%arg12 : memref<128x128xf32, #tpu.memory_space<vmem>>)
      tpu.yield
    }) : () -> ()
    "tpu.region"() ({
      %run_scoped3A = tpu.sem_alloc : memref<!tpu.dma_semaphore, #tpu.memory_space<semaphore_mem>>
      %dma_start3A_245 = arith.constant 0 : i32
      %dma_start3A_246 = tpu.memref_slice %arg6[%arg0, %add3A_232, %dma_start3A_245] : memref<2x10240x128xf32, #tpu.memory_space<hbm>> -> memref<1x128x128xf32, #tpu.memory_space<hbm>>
      %dma_start3A_247 = tpu.memref_squeeze %dma_start3A_246 : memref<1x128x128xf32, #tpu.memory_space<hbm>> -> memref<128x128xf32, #tpu.memory_space<hbm>>
      %dma_start3A_248 = arith.constant 0 : i32
      %dma_start3A_249 = tpu.memref_slice %arg6[%arg0, %add3A_232, %dma_start3A_248] : memref<2x10240x128xf32, #tpu.memory_space<hbm>> -> memref<1x128x128xf32, #tpu.memory_space<hbm>>
      %dma_start3A_250 = tpu.memref_squeeze %dma_start3A_249 : memref<1x128x128xf32, #tpu.memory_space<hbm>> -> memref<128x128xf32, #tpu.memory_space<hbm>>
      tpu.enqueue_dma source(%arg12 : memref<128x128xf32, #tpu.memory_space<vmem>>) target(%dma_start3A_250 : memref<128x128xf32, #tpu.memory_space<hbm>>) target_semaphore(%run_scoped3A : memref<!tpu.dma_semaphore, #tpu.memory_space<semaphore_mem>>)
      %dma_wait3A_251 = arith.constant 0 : i32
      %dma_wait3A_252 = tpu.memref_slice %arg6[%arg0, %add3A_232, %dma_wait3A_251] : memref<2x10240x128xf32, #tpu.memory_space<hbm>> -> memref<1x128x128xf32, #tpu.memory_space<hbm>>
      %dma_wait3A_253 = tpu.memref_squeeze %dma_wait3A_252 : memref<1x128x128xf32, #tpu.memory_space<hbm>> -> memref<128x128xf32, #tpu.memory_space<hbm>>
      %dma_wait3A_254 = arith.constant 0 : i32
      %dma_wait3A_255 = tpu.memref_slice %arg6[%arg0, %add3A_232, %dma_wait3A_254] : memref<2x10240x128xf32, #tpu.memory_space<hbm>> -> memref<1x128x128xf32, #tpu.memory_space<hbm>>
      %dma_wait3A_256 = tpu.memref_squeeze %dma_wait3A_255 : memref<1x128x128xf32, #tpu.memory_space<hbm>> -> memref<128x128xf32, #tpu.memory_space<hbm>>
      tpu.wait_dma2 semaphore(%run_scoped3A : memref<!tpu.dma_semaphore, #tpu.memory_space<semaphore_mem>>) src(%arg12 : memref<128x128xf32, #tpu.memory_space<vmem>>) dst(%dma_wait3A_256 : memref<128x128xf32, #tpu.memory_space<hbm>>)
      tpu.yield
    }) : () -> ()
    %mul3A_233 = arith.constant 640 : i32
    %mul3A_234 = arith.muli %arg1, %mul3A_233 : i32
    %add3A_235 = arith.constant 256 : i32
    %add3A_236 = arith.addi %mul3A_234, %add3A_235 : i32
    "tpu.region"() ({
      %run_scoped3A = tpu.sem_alloc : memref<!tpu.dma_semaphore, #tpu.memory_space<semaphore_mem>>
      %dma_start3A_245 = arith.constant 0 : i32
      %dma_start3A_246 = tpu.memref_slice %arg14[%add3A_236, %dma_start3A_245] : memref<10240x128xf32, #tpu.memory_space<vmem_shared>> -> memref<128x128xf32, #tpu.memory_space<vmem_shared>>
      %dma_start3A_247 = arith.constant 0 : i32
      %dma_start3A_248 = tpu.memref_slice %arg14[%add3A_236, %dma_start3A_247] : memref<10240x128xf32, #tpu.memory_space<vmem_shared>> -> memref<128x128xf32, #tpu.memory_space<vmem_shared>>
      tpu.enqueue_dma source(%dma_start3A_248 : memref<128x128xf32, #tpu.memory_space<vmem_shared>>) target(%arg12 : memref<128x128xf32, #tpu.memory_space<vmem>>) target_semaphore(%run_scoped3A : memref<!tpu.dma_semaphore, #tpu.memory_space<semaphore_mem>>)
      %dma_wait3A_249 = arith.constant 0 : i32
      %dma_wait3A_250 = tpu.memref_slice %arg14[%add3A_236, %dma_wait3A_249] : memref<10240x128xf32, #tpu.memory_space<vmem_shared>> -> memref<128x128xf32, #tpu.memory_space<vmem_shared>>
      %dma_wait3A_251 = arith.constant 0 : i32
      %dma_wait3A_252 = tpu.memref_slice %arg14[%add3A_236, %dma_wait3A_251] : memref<10240x128xf32, #tpu.memory_space<vmem_shared>> -> memref<128x128xf32, #tpu.memory_space<vmem_shared>>
      tpu.wait_dma2 semaphore(%run_scoped3A : memref<!tpu.dma_semaphore, #tpu.memory_space<semaphore_mem>>) src(%dma_wait3A_252 : memref<128x128xf32, #tpu.memory_space<vmem_shared>>) dst(%arg12 : memref<128x128xf32, #tpu.memory_space<vmem>>)
      tpu.yield
    }) : () -> ()
    "tpu.region"() ({
      %run_scoped3A = tpu.sem_alloc : memref<!tpu.dma_semaphore, #tpu.memory_space<semaphore_mem>>
      %dma_start3A_245 = arith.constant 0 : i32
      %dma_start3A_246 = tpu.memref_slice %arg6[%arg0, %add3A_236, %dma_start3A_245] : memref<2x10240x128xf32, #tpu.memory_space<hbm>> -> memref<1x128x128xf32, #tpu.memory_space<hbm>>
      %dma_start3A_247 = tpu.memref_squeeze %dma_start3A_246 : memref<1x128x128xf32, #tpu.memory_space<hbm>> -> memref<128x128xf32, #tpu.memory_space<hbm>>
      %dma_start3A_248 = arith.constant 0 : i32
      %dma_start3A_249 = tpu.memref_slice %arg6[%arg0, %add3A_236, %dma_start3A_248] : memref<2x10240x128xf32, #tpu.memory_space<hbm>> -> memref<1x128x128xf32, #tpu.memory_space<hbm>>
      %dma_start3A_250 = tpu.memref_squeeze %dma_start3A_249 : memref<1x128x128xf32, #tpu.memory_space<hbm>> -> memref<128x128xf32, #tpu.memory_space<hbm>>
      tpu.enqueue_dma source(%arg12 : memref<128x128xf32, #tpu.memory_space<vmem>>) target(%dma_start3A_250 : memref<128x128xf32, #tpu.memory_space<hbm>>) target_semaphore(%run_scoped3A : memref<!tpu.dma_semaphore, #tpu.memory_space<semaphore_mem>>)
      %dma_wait3A_251 = arith.constant 0 : i32
      %dma_wait3A_252 = tpu.memref_slice %arg6[%arg0, %add3A_236, %dma_wait3A_251] : memref<2x10240x128xf32, #tpu.memory_space<hbm>> -> memref<1x128x128xf32, #tpu.memory_space<hbm>>
      %dma_wait3A_253 = tpu.memref_squeeze %dma_wait3A_252 : memref<1x128x128xf32, #tpu.memory_space<hbm>> -> memref<128x128xf32, #tpu.memory_space<hbm>>
      %dma_wait3A_254 = arith.constant 0 : i32
      %dma_wait3A_255 = tpu.memref_slice %arg6[%arg0, %add3A_236, %dma_wait3A_254] : memref<2x10240x128xf32, #tpu.memory_space<hbm>> -> memref<1x128x128xf32, #tpu.memory_space<hbm>>
      %dma_wait3A_256 = tpu.memref_squeeze %dma_wait3A_255 : memref<1x128x128xf32, #tpu.memory_space<hbm>> -> memref<128x128xf32, #tpu.memory_space<hbm>>
      tpu.wait_dma2 semaphore(%run_scoped3A : memref<!tpu.dma_semaphore, #tpu.memory_space<semaphore_mem>>) src(%arg12 : memref<128x128xf32, #tpu.memory_space<vmem>>) dst(%dma_wait3A_256 : memref<128x128xf32, #tpu.memory_space<hbm>>)
      tpu.yield
    }) : () -> ()
    %mul3A_237 = arith.constant 640 : i32
    %mul3A_238 = arith.muli %arg1, %mul3A_237 : i32
    %add3A_239 = arith.constant 384 : i32
    %add3A_240 = arith.addi %mul3A_238, %add3A_239 : i32
    "tpu.region"() ({
      %run_scoped3A = tpu.sem_alloc : memref<!tpu.dma_semaphore, #tpu.memory_space<semaphore_mem>>
      %dma_start3A_245 = arith.constant 0 : i32
      %dma_start3A_246 = tpu.memref_slice %arg14[%add3A_240, %dma_start3A_245] : memref<10240x128xf32, #tpu.memory_space<vmem_shared>> -> memref<128x128xf32, #tpu.memory_space<vmem_shared>>
      %dma_start3A_247 = arith.constant 0 : i32
      %dma_start3A_248 = tpu.memref_slice %arg14[%add3A_240, %dma_start3A_247] : memref<10240x128xf32, #tpu.memory_space<vmem_shared>> -> memref<128x128xf32, #tpu.memory_space<vmem_shared>>
      tpu.enqueue_dma source(%dma_start3A_248 : memref<128x128xf32, #tpu.memory_space<vmem_shared>>) target(%arg12 : memref<128x128xf32, #tpu.memory_space<vmem>>) target_semaphore(%run_scoped3A : memref<!tpu.dma_semaphore, #tpu.memory_space<semaphore_mem>>)
      %dma_wait3A_249 = arith.constant 0 : i32
      %dma_wait3A_250 = tpu.memref_slice %arg14[%add3A_240, %dma_wait3A_249] : memref<10240x128xf32, #tpu.memory_space<vmem_shared>> -> memref<128x128xf32, #tpu.memory_space<vmem_shared>>
      %dma_wait3A_251 = arith.constant 0 : i32
      %dma_wait3A_252 = tpu.memref_slice %arg14[%add3A_240, %dma_wait3A_251] : memref<10240x128xf32, #tpu.memory_space<vmem_shared>> -> memref<128x128xf32, #tpu.memory_space<vmem_shared>>
      tpu.wait_dma2 semaphore(%run_scoped3A : memref<!tpu.dma_semaphore, #tpu.memory_space<semaphore_mem>>) src(%dma_wait3A_252 : memref<128x128xf32, #tpu.memory_space<vmem_shared>>) dst(%arg12 : memref<128x128xf32, #tpu.memory_space<vmem>>)
      tpu.yield
    }) : () -> ()
    "tpu.region"() ({
      %run_scoped3A = tpu.sem_alloc : memref<!tpu.dma_semaphore, #tpu.memory_space<semaphore_mem>>
      %dma_start3A_245 = arith.constant 0 : i32
      %dma_start3A_246 = tpu.memref_slice %arg6[%arg0, %add3A_240, %dma_start3A_245] : memref<2x10240x128xf32, #tpu.memory_space<hbm>> -> memref<1x128x128xf32, #tpu.memory_space<hbm>>
      %dma_start3A_247 = tpu.memref_squeeze %dma_start3A_246 : memref<1x128x128xf32, #tpu.memory_space<hbm>> -> memref<128x128xf32, #tpu.memory_space<hbm>>
      %dma_start3A_248 = arith.constant 0 : i32
      %dma_start3A_249 = tpu.memref_slice %arg6[%arg0, %add3A_240, %dma_start3A_248] : memref<2x10240x128xf32, #tpu.memory_space<hbm>> -> memref<1x128x128xf32, #tpu.memory_space<hbm>>
      %dma_start3A_250 = tpu.memref_squeeze %dma_start3A_249 : memref<1x128x128xf32, #tpu.memory_space<hbm>> -> memref<128x128xf32, #tpu.memory_space<hbm>>
      tpu.enqueue_dma source(%arg12 : memref<128x128xf32, #tpu.memory_space<vmem>>) target(%dma_start3A_250 : memref<128x128xf32, #tpu.memory_space<hbm>>) target_semaphore(%run_scoped3A : memref<!tpu.dma_semaphore, #tpu.memory_space<semaphore_mem>>)
      %dma_wait3A_251 = arith.constant 0 : i32
      %dma_wait3A_252 = tpu.memref_slice %arg6[%arg0, %add3A_240, %dma_wait3A_251] : memref<2x10240x128xf32, #tpu.memory_space<hbm>> -> memref<1x128x128xf32, #tpu.memory_space<hbm>>
      %dma_wait3A_253 = tpu.memref_squeeze %dma_wait3A_252 : memref<1x128x128xf32, #tpu.memory_space<hbm>> -> memref<128x128xf32, #tpu.memory_space<hbm>>
      %dma_wait3A_254 = arith.constant 0 : i32
      %dma_wait3A_255 = tpu.memref_slice %arg6[%arg0, %add3A_240, %dma_wait3A_254] : memref<2x10240x128xf32, #tpu.memory_space<hbm>> -> memref<1x128x128xf32, #tpu.memory_space<hbm>>
      %dma_wait3A_256 = tpu.memref_squeeze %dma_wait3A_255 : memref<1x128x128xf32, #tpu.memory_space<hbm>> -> memref<128x128xf32, #tpu.memory_space<hbm>>
      tpu.wait_dma2 semaphore(%run_scoped3A : memref<!tpu.dma_semaphore, #tpu.memory_space<semaphore_mem>>) src(%arg12 : memref<128x128xf32, #tpu.memory_space<vmem>>) dst(%dma_wait3A_256 : memref<128x128xf32, #tpu.memory_space<hbm>>)
      tpu.yield
    }) : () -> ()
    %mul3A_241 = arith.constant 640 : i32
    %mul3A_242 = arith.muli %arg1, %mul3A_241 : i32
    %add3A_243 = arith.constant 512 : i32
    %add3A_244 = arith.addi %mul3A_242, %add3A_243 : i32
    "tpu.region"() ({
      %run_scoped3A = tpu.sem_alloc : memref<!tpu.dma_semaphore, #tpu.memory_space<semaphore_mem>>
      %dma_start3A_245 = arith.constant 0 : i32
      %dma_start3A_246 = tpu.memref_slice %arg14[%add3A_244, %dma_start3A_245] : memref<10240x128xf32, #tpu.memory_space<vmem_shared>> -> memref<128x128xf32, #tpu.memory_space<vmem_shared>>
      %dma_start3A_247 = arith.constant 0 : i32
      %dma_start3A_248 = tpu.memref_slice %arg14[%add3A_244, %dma_start3A_247] : memref<10240x128xf32, #tpu.memory_space<vmem_shared>> -> memref<128x128xf32, #tpu.memory_space<vmem_shared>>
      tpu.enqueue_dma source(%dma_start3A_248 : memref<128x128xf32, #tpu.memory_space<vmem_shared>>) target(%arg12 : memref<128x128xf32, #tpu.memory_space<vmem>>) target_semaphore(%run_scoped3A : memref<!tpu.dma_semaphore, #tpu.memory_space<semaphore_mem>>)
      %dma_wait3A_249 = arith.constant 0 : i32
      %dma_wait3A_250 = tpu.memref_slice %arg14[%add3A_244, %dma_wait3A_249] : memref<10240x128xf32, #tpu.memory_space<vmem_shared>> -> memref<128x128xf32, #tpu.memory_space<vmem_shared>>
      %dma_wait3A_251 = arith.constant 0 : i32
      %dma_wait3A_252 = tpu.memref_slice %arg14[%add3A_244, %dma_wait3A_251] : memref<10240x128xf32, #tpu.memory_space<vmem_shared>> -> memref<128x128xf32, #tpu.memory_space<vmem_shared>>
      tpu.wait_dma2 semaphore(%run_scoped3A : memref<!tpu.dma_semaphore, #tpu.memory_space<semaphore_mem>>) src(%dma_wait3A_252 : memref<128x128xf32, #tpu.memory_space<vmem_shared>>) dst(%arg12 : memref<128x128xf32, #tpu.memory_space<vmem>>)
      tpu.yield
    }) : () -> ()
    "tpu.region"() ({
      %run_scoped3A = tpu.sem_alloc : memref<!tpu.dma_semaphore, #tpu.memory_space<semaphore_mem>>
      %dma_start3A_245 = arith.constant 0 : i32
      %dma_start3A_246 = tpu.memref_slice %arg6[%arg0, %add3A_244, %dma_start3A_245] : memref<2x10240x128xf32, #tpu.memory_space<hbm>> -> memref<1x128x128xf32, #tpu.memory_space<hbm>>
      %dma_start3A_247 = tpu.memref_squeeze %dma_start3A_246 : memref<1x128x128xf32, #tpu.memory_space<hbm>> -> memref<128x128xf32, #tpu.memory_space<hbm>>
      %dma_start3A_248 = arith.constant 0 : i32
      %dma_start3A_249 = tpu.memref_slice %arg6[%arg0, %add3A_244, %dma_start3A_248] : memref<2x10240x128xf32, #tpu.memory_space<hbm>> -> memref<1x128x128xf32, #tpu.memory_space<hbm>>
      %dma_start3A_250 = tpu.memref_squeeze %dma_start3A_249 : memref<1x128x128xf32, #tpu.memory_space<hbm>> -> memref<128x128xf32, #tpu.memory_space<hbm>>
      tpu.enqueue_dma source(%arg12 : memref<128x128xf32, #tpu.memory_space<vmem>>) target(%dma_start3A_250 : memref<128x128xf32, #tpu.memory_space<hbm>>) target_semaphore(%run_scoped3A : memref<!tpu.dma_semaphore, #tpu.memory_space<semaphore_mem>>)
      %dma_wait3A_251 = arith.constant 0 : i32
      %dma_wait3A_252 = tpu.memref_slice %arg6[%arg0, %add3A_244, %dma_wait3A_251] : memref<2x10240x128xf32, #tpu.memory_space<hbm>> -> memref<1x128x128xf32, #tpu.memory_space<hbm>>
      %dma_wait3A_253 = tpu.memref_squeeze %dma_wait3A_252 : memref<1x128x128xf32, #tpu.memory_space<hbm>> -> memref<128x128xf32, #tpu.memory_space<hbm>>
      %dma_wait3A_254 = arith.constant 0 : i32
      %dma_wait3A_255 = tpu.memref_slice %arg6[%arg0, %add3A_244, %dma_wait3A_254] : memref<2x10240x128xf32, #tpu.memory_space<hbm>> -> memref<1x128x128xf32, #tpu.memory_space<hbm>>
      %dma_wait3A_256 = tpu.memref_squeeze %dma_wait3A_255 : memref<1x128x128xf32, #tpu.memory_space<hbm>> -> memref<128x128xf32, #tpu.memory_space<hbm>>
      tpu.wait_dma2 semaphore(%run_scoped3A : memref<!tpu.dma_semaphore, #tpu.memory_space<semaphore_mem>>) src(%arg12 : memref<128x128xf32, #tpu.memory_space<vmem>>) dst(%dma_wait3A_256 : memref<128x128xf32, #tpu.memory_space<hbm>>)
      tpu.yield
    }) : () -> ()
    return
  }
}

#map = affine_map<(d0, d1) -> (0, 0)>
#map1 = affine_map<(d0, d1) -> (0, 0, 0)>
#map2 = affine_map<(d0, d1) -> (0)>
module attributes {stable_mosaic.version = 14 : i64} {
  func.func @_sc_spmm(%arg0: i32, %arg1: i32, %arg2: memref<10240x128xf32, #tpu.memory_space<hbm>>, %arg3: memref<32x81x128xi32, #tpu.memory_space<hbm>>, %arg4: memref<331776xi32, #tpu.memory_space<hbm>>, %arg5: memref<128x128xf32, #tpu.memory_space<hbm>>, %arg6: memref<2x10240x128xf32, #tpu.memory_space<hbm>>, %arg7: memref<81x128xi32, #tpu.memory_space<vmem>>, %arg8: memref<128xi32, #tpu.memory_space<vmem>>, %arg9: memref<128xi32, #tpu.memory_space<vmem>>, %arg10: memref<128xi32, #tpu.memory_space<vmem>>, %arg11: memref<128xi32, #tpu.memory_space<vmem>>, %arg12: memref<128x128xf32, #tpu.memory_space<vmem>>, %arg13: memref<128x128xf32, #tpu.memory_space<vmem>>, %arg14: memref<10240x128xf32, #tpu.memory_space<vmem_shared>>, %arg15: memref<!tpu.dma_semaphore, #tpu.memory_space<semaphore_mem>>, %arg16: memref<!tpu.dma_semaphore, #tpu.memory_space<semaphore_mem>>, %arg17: memref<!tpu.dma_semaphore, #tpu.memory_space<semaphore_mem>>, %arg18: memref<!tpu.dma_semaphore, #tpu.memory_space<semaphore_mem>>, %arg19: memref<!tpu.dma_semaphore, #tpu.memory_space<semaphore_mem>>, %arg20: memref<!tpu.dma_semaphore, #tpu.memory_space<semaphore_mem>>) attributes {dimension_semantics = [#tpu.dimension_semantics<core_parallel>, #tpu.dimension_semantics<subcore_parallel>], iteration_bounds = array<i64: 2, 16>, scalar_prefetch = 0 : i64, scratch_operands = 14 : i64, tpu.core_type = #tpu.core_type<sc_vector_subcore>, window_params = [{transform_indices = #map}, {transform_indices = #map1}, {transform_indices = #map2}, {transform_indices = #map}, {transform_indices = #map1}]} {
    %mul3A = arith.constant 16 : i32
    %mul3A_0 = arith.muli %arg0, %mul3A : i32
    %add3A = arith.addi %mul3A_0, %arg1 : i32
    "tpu.region"() ({
      %run_scoped3A = tpu.sem_alloc : memref<!tpu.dma_semaphore, #tpu.memory_space<semaphore_mem>>
      %dma_start3A_245 = arith.constant 0 : i32
      %dma_start3A_246 = arith.constant 0 : i32
      %dma_start3A_247 = tpu.memref_slice %arg3[%add3A, %dma_start3A_245, %dma_start3A_246] : memref<32x81x128xi32, #tpu.memory_space<hbm>> -> memref<1x81x128xi32, #tpu.memory_space<hbm>>
      %dma_start3A_248 = tpu.memref_squeeze %dma_start3A_247 : memref<1x81x128xi32, #tpu.memory_space<hbm>> -> memref<81x128xi32, #tpu.memory_space<hbm>>
      %dma_start3A_249 = arith.constant 0 : i32
      %dma_start3A_250 = arith.constant 0 : i32
      %dma_start3A_251 = tpu.memref_slice %arg3[%add3A, %dma_start3A_249, %dma_start3A_250] : memref<32x81x128xi32, #tpu.memory_space<hbm>> -> memref<1x81x128xi32, #tpu.memory_space<hbm>>
      %dma_start3A_252 = tpu.memref_squeeze %dma_start3A_251 : memref<1x81x128xi32, #tpu.memory_space<hbm>> -> memref<81x128xi32, #tpu.memory_space<hbm>>
      tpu.enqueue_dma source(%dma_start3A_252 : memref<81x128xi32, #tpu.memory_space<hbm>>) target(%arg7 : memref<81x128xi32, #tpu.memory_space<vmem>>) target_semaphore(%run_scoped3A : memref<!tpu.dma_semaphore, #tpu.memory_space<semaphore_mem>>)
      %dma_wait3A_253 = arith.constant 0 : i32
      %dma_wait3A_254 = arith.constant 0 : i32
      %dma_wait3A_255 = tpu.memref_slice %arg3[%add3A, %dma_wait3A_253, %dma_wait3A_254] : memref<32x81x128xi32, #tpu.memory_space<hbm>> -> memref<1x81x128xi32, #tpu.memory_space<hbm>>
      %dma_wait3A_256 = tpu.memref_squeeze %dma_wait3A_255 : memref<1x81x128xi32, #tpu.memory_space<hbm>> -> memref<81x128xi32, #tpu.memory_space<hbm>>
      %dma_wait3A_257 = arith.constant 0 : i32
      %dma_wait3A_258 = arith.constant 0 : i32
      %dma_wait3A_259 = tpu.memref_slice %arg3[%add3A, %dma_wait3A_257, %dma_wait3A_258] : memref<32x81x128xi32, #tpu.memory_space<hbm>> -> memref<1x81x128xi32, #tpu.memory_space<hbm>>
      %dma_wait3A_260 = tpu.memref_squeeze %dma_wait3A_259 : memref<1x81x128xi32, #tpu.memory_space<hbm>> -> memref<81x128xi32, #tpu.memory_space<hbm>>
      tpu.wait_dma2 semaphore(%run_scoped3A : memref<!tpu.dma_semaphore, #tpu.memory_space<semaphore_mem>>) src(%dma_wait3A_260 : memref<81x128xi32, #tpu.memory_space<hbm>>) dst(%arg7 : memref<81x128xi32, #tpu.memory_space<vmem>>)
      tpu.yield
    }) : () -> ()
    %mul3A_1 = arith.constant 640 : i32
    %mul3A_2 = arith.muli %arg1, %mul3A_1 : i32
    %add3A_3 = arith.constant 0 : i32
    %add3A_4 = arith.addi %mul3A_2, %add3A_3 : i32
    %dma_start3A = arith.constant 0 : i32
    %dma_start3A_5 = tpu.memref_slice %arg14[%add3A_4, %dma_start3A] : memref<10240x128xf32, #tpu.memory_space<vmem_shared>> -> memref<128x128xf32, #tpu.memory_space<vmem_shared>>
    tpu.enqueue_dma source(%arg5 : memref<128x128xf32, #tpu.memory_space<hbm>>) target(%dma_start3A_5 : memref<128x128xf32, #tpu.memory_space<vmem_shared>>) target_semaphore(%arg15 : memref<!tpu.dma_semaphore, #tpu.memory_space<semaphore_mem>>)
    %mul3A_6 = arith.constant 640 : i32
    %mul3A_7 = arith.muli %arg1, %mul3A_6 : i32
    %add3A_8 = arith.constant 128 : i32
    %add3A_9 = arith.addi %mul3A_7, %add3A_8 : i32
    %dma_start3A_10 = arith.constant 0 : i32
    %dma_start3A_11 = tpu.memref_slice %arg14[%add3A_9, %dma_start3A_10] : memref<10240x128xf32, #tpu.memory_space<vmem_shared>> -> memref<128x128xf32, #tpu.memory_space<vmem_shared>>
    tpu.enqueue_dma source(%arg5 : memref<128x128xf32, #tpu.memory_space<hbm>>) target(%dma_start3A_11 : memref<128x128xf32, #tpu.memory_space<vmem_shared>>) target_semaphore(%arg15 : memref<!tpu.dma_semaphore, #tpu.memory_space<semaphore_mem>>)
    %mul3A_12 = arith.constant 640 : i32
    %mul3A_13 = arith.muli %arg1, %mul3A_12 : i32
    %add3A_14 = arith.constant 256 : i32
    %add3A_15 = arith.addi %mul3A_13, %add3A_14 : i32
    %dma_start3A_16 = arith.constant 0 : i32
    %dma_start3A_17 = tpu.memref_slice %arg14[%add3A_15, %dma_start3A_16] : memref<10240x128xf32, #tpu.memory_space<vmem_shared>> -> memref<128x128xf32, #tpu.memory_space<vmem_shared>>
    tpu.enqueue_dma source(%arg5 : memref<128x128xf32, #tpu.memory_space<hbm>>) target(%dma_start3A_17 : memref<128x128xf32, #tpu.memory_space<vmem_shared>>) target_semaphore(%arg15 : memref<!tpu.dma_semaphore, #tpu.memory_space<semaphore_mem>>)
    %mul3A_18 = arith.constant 640 : i32
    %mul3A_19 = arith.muli %arg1, %mul3A_18 : i32
    %add3A_20 = arith.constant 384 : i32
    %add3A_21 = arith.addi %mul3A_19, %add3A_20 : i32
    %dma_start3A_22 = arith.constant 0 : i32
    %dma_start3A_23 = tpu.memref_slice %arg14[%add3A_21, %dma_start3A_22] : memref<10240x128xf32, #tpu.memory_space<vmem_shared>> -> memref<128x128xf32, #tpu.memory_space<vmem_shared>>
    tpu.enqueue_dma source(%arg5 : memref<128x128xf32, #tpu.memory_space<hbm>>) target(%dma_start3A_23 : memref<128x128xf32, #tpu.memory_space<vmem_shared>>) target_semaphore(%arg15 : memref<!tpu.dma_semaphore, #tpu.memory_space<semaphore_mem>>)
    %mul3A_24 = arith.constant 640 : i32
    %mul3A_25 = arith.muli %arg1, %mul3A_24 : i32
    %add3A_26 = arith.constant 512 : i32
    %add3A_27 = arith.addi %mul3A_25, %add3A_26 : i32
    %dma_start3A_28 = arith.constant 0 : i32
    %dma_start3A_29 = tpu.memref_slice %arg14[%add3A_27, %dma_start3A_28] : memref<10240x128xf32, #tpu.memory_space<vmem_shared>> -> memref<128x128xf32, #tpu.memory_space<vmem_shared>>
    tpu.enqueue_dma source(%arg5 : memref<128x128xf32, #tpu.memory_space<hbm>>) target(%dma_start3A_29 : memref<128x128xf32, #tpu.memory_space<vmem_shared>>) target_semaphore(%arg15 : memref<!tpu.dma_semaphore, #tpu.memory_space<semaphore_mem>>)
    %mul3A_30 = arith.constant 640 : i32
    %mul3A_31 = arith.muli %arg1, %mul3A_30 : i32
    %add3A_32 = arith.constant 0 : i32
    %add3A_33 = arith.addi %mul3A_31, %add3A_32 : i32
    %dma_wait3A = arith.constant 0 : i32
    %dma_wait3A_34 = tpu.memref_slice %arg14[%add3A_33, %dma_wait3A] : memref<10240x128xf32, #tpu.memory_space<vmem_shared>> -> memref<128x128xf32, #tpu.memory_space<vmem_shared>>
    tpu.wait_dma2 semaphore(%arg15 : memref<!tpu.dma_semaphore, #tpu.memory_space<semaphore_mem>>) src(%arg5 : memref<128x128xf32, #tpu.memory_space<hbm>>) dst(%dma_wait3A_34 : memref<128x128xf32, #tpu.memory_space<vmem_shared>>)
    %mul3A_35 = arith.constant 640 : i32
    %mul3A_36 = arith.muli %arg1, %mul3A_35 : i32
    %add3A_37 = arith.constant 128 : i32
    %add3A_38 = arith.addi %mul3A_36, %add3A_37 : i32
    %dma_wait3A_39 = arith.constant 0 : i32
    %dma_wait3A_40 = tpu.memref_slice %arg14[%add3A_38, %dma_wait3A_39] : memref<10240x128xf32, #tpu.memory_space<vmem_shared>> -> memref<128x128xf32, #tpu.memory_space<vmem_shared>>
    tpu.wait_dma2 semaphore(%arg15 : memref<!tpu.dma_semaphore, #tpu.memory_space<semaphore_mem>>) src(%arg5 : memref<128x128xf32, #tpu.memory_space<hbm>>) dst(%dma_wait3A_40 : memref<128x128xf32, #tpu.memory_space<vmem_shared>>)
    %mul3A_41 = arith.constant 640 : i32
    %mul3A_42 = arith.muli %arg1, %mul3A_41 : i32
    %add3A_43 = arith.constant 256 : i32
    %add3A_44 = arith.addi %mul3A_42, %add3A_43 : i32
    %dma_wait3A_45 = arith.constant 0 : i32
    %dma_wait3A_46 = tpu.memref_slice %arg14[%add3A_44, %dma_wait3A_45] : memref<10240x128xf32, #tpu.memory_space<vmem_shared>> -> memref<128x128xf32, #tpu.memory_space<vmem_shared>>
    tpu.wait_dma2 semaphore(%arg15 : memref<!tpu.dma_semaphore, #tpu.memory_space<semaphore_mem>>) src(%arg5 : memref<128x128xf32, #tpu.memory_space<hbm>>) dst(%dma_wait3A_46 : memref<128x128xf32, #tpu.memory_space<vmem_shared>>)
    %mul3A_47 = arith.constant 640 : i32
    %mul3A_48 = arith.muli %arg1, %mul3A_47 : i32
    %add3A_49 = arith.constant 384 : i32
    %add3A_50 = arith.addi %mul3A_48, %add3A_49 : i32
    %dma_wait3A_51 = arith.constant 0 : i32
    %dma_wait3A_52 = tpu.memref_slice %arg14[%add3A_50, %dma_wait3A_51] : memref<10240x128xf32, #tpu.memory_space<vmem_shared>> -> memref<128x128xf32, #tpu.memory_space<vmem_shared>>
    tpu.wait_dma2 semaphore(%arg15 : memref<!tpu.dma_semaphore, #tpu.memory_space<semaphore_mem>>) src(%arg5 : memref<128x128xf32, #tpu.memory_space<hbm>>) dst(%dma_wait3A_52 : memref<128x128xf32, #tpu.memory_space<vmem_shared>>)
    %mul3A_53 = arith.constant 640 : i32
    %mul3A_54 = arith.muli %arg1, %mul3A_53 : i32
    %add3A_55 = arith.constant 512 : i32
    %add3A_56 = arith.addi %mul3A_54, %add3A_55 : i32
    %dma_wait3A_57 = arith.constant 0 : i32
    %dma_wait3A_58 = tpu.memref_slice %arg14[%add3A_56, %dma_wait3A_57] : memref<10240x128xf32, #tpu.memory_space<vmem_shared>> -> memref<128x128xf32, #tpu.memory_space<vmem_shared>>
    tpu.wait_dma2 semaphore(%arg15 : memref<!tpu.dma_semaphore, #tpu.memory_space<semaphore_mem>>) src(%arg5 : memref<128x128xf32, #tpu.memory_space<hbm>>) dst(%dma_wait3A_58 : memref<128x128xf32, #tpu.memory_space<vmem_shared>>)
    %barrier3A = arith.constant 0 : index
    tpu.barrier barrier_id(%barrier3A)
    %mul3A_59 = arith.constant 10368 : i32
    %mul3A_60 = arith.muli %add3A, %mul3A_59 : i32
    %add3A_61 = arith.constant 0 : i32
    %add3A_62 = arith.addi %mul3A_60, %add3A_61 : i32
    %dma_start3A_63 = tpu.memref_slice %arg4[%add3A_62] : memref<331776xi32, #tpu.memory_space<hbm>> -> memref<128xi32, #tpu.memory_space<hbm>>
    %dma_start3A_64 = tpu.memref_slice %arg4[%add3A_62] : memref<331776xi32, #tpu.memory_space<hbm>> -> memref<128xi32, #tpu.memory_space<hbm>>
    tpu.enqueue_dma source(%dma_start3A_64 : memref<128xi32, #tpu.memory_space<hbm>>) target(%arg8 : memref<128xi32, #tpu.memory_space<vmem>>) target_semaphore(%arg17 : memref<!tpu.dma_semaphore, #tpu.memory_space<semaphore_mem>>)
    %mul3A_65 = arith.constant 10368 : i32
    %mul3A_66 = arith.muli %add3A, %mul3A_65 : i32
    %add3A_67 = arith.constant 128 : i32
    %add3A_68 = arith.addi %mul3A_66, %add3A_67 : i32
    %dma_start3A_69 = tpu.memref_slice %arg4[%add3A_68] : memref<331776xi32, #tpu.memory_space<hbm>> -> memref<128xi32, #tpu.memory_space<hbm>>
    %dma_start3A_70 = tpu.memref_slice %arg4[%add3A_68] : memref<331776xi32, #tpu.memory_space<hbm>> -> memref<128xi32, #tpu.memory_space<hbm>>
    tpu.enqueue_dma source(%dma_start3A_70 : memref<128xi32, #tpu.memory_space<hbm>>) target(%arg9 : memref<128xi32, #tpu.memory_space<vmem>>) target_semaphore(%arg18 : memref<!tpu.dma_semaphore, #tpu.memory_space<semaphore_mem>>)
    %mul3A_71 = arith.constant 10368 : i32
    %mul3A_72 = arith.muli %add3A, %mul3A_71 : i32
    %add3A_73 = arith.constant 256 : i32
    %add3A_74 = arith.addi %mul3A_72, %add3A_73 : i32
    %dma_start3A_75 = tpu.memref_slice %arg4[%add3A_74] : memref<331776xi32, #tpu.memory_space<hbm>> -> memref<128xi32, #tpu.memory_space<hbm>>
    %dma_start3A_76 = tpu.memref_slice %arg4[%add3A_74] : memref<331776xi32, #tpu.memory_space<hbm>> -> memref<128xi32, #tpu.memory_space<hbm>>
    tpu.enqueue_dma source(%dma_start3A_76 : memref<128xi32, #tpu.memory_space<hbm>>) target(%arg10 : memref<128xi32, #tpu.memory_space<vmem>>) target_semaphore(%arg19 : memref<!tpu.dma_semaphore, #tpu.memory_space<semaphore_mem>>)
    %dma_start3A_77 = arith.constant 0 : i32
    %dma_start3A_78 = arith.constant 0 : i32
    %dma_start3A_79 = tpu.memref_slice %arg7[%dma_start3A_77, %dma_start3A_78] : memref<81x128xi32, #tpu.memory_space<vmem>> -> memref<1x128xi32, #tpu.memory_space<vmem>>
    %dma_start3A_80 = tpu.memref_squeeze %dma_start3A_79 : memref<1x128xi32, #tpu.memory_space<vmem>> -> memref<128xi32, #tpu.memory_space<vmem>>
    %dma_start3A_81 = arith.constant 0 : i32
    %dma_start3A_82 = arith.constant 0 : i32
    %dma_start3A_83 = tpu.memref_slice %arg2[%dma_start3A_81, %dma_start3A_82] : memref<10240x128xf32, #tpu.memory_space<hbm>> -> memref<10240x128xf32, #tpu.memory_space<hbm>>
    tpu.enqueue_indirect_dma source(%dma_start3A_83 : memref<10240x128xf32, #tpu.memory_space<hbm>>) target(%arg12 : memref<128x128xf32, #tpu.memory_space<vmem>>) offsets(%dma_start3A_80 : memref<128xi32, #tpu.memory_space<vmem>>) semaphore(%arg15 : memref<!tpu.dma_semaphore, #tpu.memory_space<semaphore_mem>>)
    %dma_wait3A_84 = arith.constant 0 : i32
    %dma_wait3A_85 = arith.constant 0 : i32
    %dma_wait3A_86 = tpu.memref_slice %arg7[%dma_wait3A_84, %dma_wait3A_85] : memref<81x128xi32, #tpu.memory_space<vmem>> -> memref<1x128xi32, #tpu.memory_space<vmem>>
    %dma_wait3A_87 = tpu.memref_squeeze %dma_wait3A_86 : memref<1x128xi32, #tpu.memory_space<vmem>> -> memref<128xi32, #tpu.memory_space<vmem>>
    %dma_wait3A_88 = arith.constant 0 : i32
    %dma_wait3A_89 = arith.constant 0 : i32
    %dma_wait3A_90 = tpu.memref_slice %arg2[%dma_wait3A_88, %dma_wait3A_89] : memref<10240x128xf32, #tpu.memory_space<hbm>> -> memref<10240x128xf32, #tpu.memory_space<hbm>>
    tpu.wait_indirect_dma semaphore(%arg15 : memref<!tpu.dma_semaphore, #tpu.memory_space<semaphore_mem>>) src(%dma_wait3A_90 : memref<10240x128xf32, #tpu.memory_space<hbm>>) dst(%arg12 : memref<128x128xf32, #tpu.memory_space<vmem>>)
    %dma_start3A_91 = arith.constant 1 : i32
    %dma_start3A_92 = arith.constant 0 : i32
    %dma_start3A_93 = tpu.memref_slice %arg7[%dma_start3A_91, %dma_start3A_92] : memref<81x128xi32, #tpu.memory_space<vmem>> -> memref<1x128xi32, #tpu.memory_space<vmem>>
    %dma_start3A_94 = tpu.memref_squeeze %dma_start3A_93 : memref<1x128xi32, #tpu.memory_space<vmem>> -> memref<128xi32, #tpu.memory_space<vmem>>
    %dma_start3A_95 = arith.constant 0 : i32
    %dma_start3A_96 = arith.constant 0 : i32
    %dma_start3A_97 = tpu.memref_slice %arg2[%dma_start3A_95, %dma_start3A_96] : memref<10240x128xf32, #tpu.memory_space<hbm>> -> memref<10240x128xf32, #tpu.memory_space<hbm>>
    tpu.enqueue_indirect_dma source(%dma_start3A_97 : memref<10240x128xf32, #tpu.memory_space<hbm>>) target(%arg13 : memref<128x128xf32, #tpu.memory_space<vmem>>) offsets(%dma_start3A_94 : memref<128xi32, #tpu.memory_space<vmem>>) semaphore(%arg15 : memref<!tpu.dma_semaphore, #tpu.memory_space<semaphore_mem>>)
    %mul3A_98 = arith.constant 10368 : i32
    %mul3A_99 = arith.muli %add3A, %mul3A_98 : i32
    %add3A_100 = arith.constant 384 : i32
    %add3A_101 = arith.addi %mul3A_99, %add3A_100 : i32
    %dma_start3A_102 = tpu.memref_slice %arg4[%add3A_101] : memref<331776xi32, #tpu.memory_space<hbm>> -> memref<128xi32, #tpu.memory_space<hbm>>
    %dma_start3A_103 = tpu.memref_slice %arg4[%add3A_101] : memref<331776xi32, #tpu.memory_space<hbm>> -> memref<128xi32, #tpu.memory_space<hbm>>
    tpu.enqueue_dma source(%dma_start3A_103 : memref<128xi32, #tpu.memory_space<hbm>>) target(%arg11 : memref<128xi32, #tpu.memory_space<vmem>>) target_semaphore(%arg20 : memref<!tpu.dma_semaphore, #tpu.memory_space<semaphore_mem>>)
    %mul3A_104 = arith.constant 10368 : i32
    %mul3A_105 = arith.muli %add3A, %mul3A_104 : i32
    %add3A_106 = arith.constant 0 : i32
    %add3A_107 = arith.addi %mul3A_105, %add3A_106 : i32
    %dma_wait3A_108 = tpu.memref_slice %arg4[%add3A_107] : memref<331776xi32, #tpu.memory_space<hbm>> -> memref<128xi32, #tpu.memory_space<hbm>>
    %dma_wait3A_109 = tpu.memref_slice %arg4[%add3A_107] : memref<331776xi32, #tpu.memory_space<hbm>> -> memref<128xi32, #tpu.memory_space<hbm>>
    tpu.wait_dma2 semaphore(%arg17 : memref<!tpu.dma_semaphore, #tpu.memory_space<semaphore_mem>>) src(%dma_wait3A_109 : memref<128xi32, #tpu.memory_space<hbm>>) dst(%arg8 : memref<128xi32, #tpu.memory_space<vmem>>)
    %dma_start3A_110 = arith.constant 0 : i32
    %dma_start3A_111 = arith.constant 0 : i32
    %dma_start3A_112 = tpu.memref_slice %arg14[%dma_start3A_110, %dma_start3A_111] : memref<10240x128xf32, #tpu.memory_space<vmem_shared>> -> memref<10240x128xf32, #tpu.memory_space<vmem_shared>>
    tpu.enqueue_indirect_dma source(%arg12 : memref<128x128xf32, #tpu.memory_space<vmem>>) target(%dma_start3A_112 : memref<10240x128xf32, #tpu.memory_space<vmem_shared>>) offsets(%arg8 : memref<128xi32, #tpu.memory_space<vmem>>) semaphore(%arg16 : memref<!tpu.dma_semaphore, #tpu.memory_space<semaphore_mem>>) {add = true}
    %scan3A = arith.constant 0 : i32
    %scan3A_113 = arith.constant 0 : i32
    %scan3A_114 = arith.constant 19 : i32
    %scan3A_115 = arith.addi %scan3A_113, %scan3A_114 : i32
    %scan3A_116 = arith.constant 1 : i32
    scf.for %scan3A_245 = %scan3A_113 to %scan3A_115 step %scan3A_116  : i32 {
      %mul3A_246 = arith.constant 4 : i32
      %mul3A_247 = arith.muli %mul3A_246, %scan3A_245 : i32
      %add3A_248 = arith.constant 1 : i32
      %add3A_249 = arith.addi %add3A_248, %mul3A_247 : i32
      %dma_wait3A_250 = arith.constant 0 : i32
      %dma_wait3A_251 = tpu.memref_slice %arg7[%add3A_249, %dma_wait3A_250] : memref<81x128xi32, #tpu.memory_space<vmem>> -> memref<1x128xi32, #tpu.memory_space<vmem>>
      %dma_wait3A_252 = tpu.memref_squeeze %dma_wait3A_251 : memref<1x128xi32, #tpu.memory_space<vmem>> -> memref<128xi32, #tpu.memory_space<vmem>>
      %dma_wait3A_253 = arith.constant 0 : i32
      %dma_wait3A_254 = arith.constant 0 : i32
      %dma_wait3A_255 = tpu.memref_slice %arg2[%dma_wait3A_253, %dma_wait3A_254] : memref<10240x128xf32, #tpu.memory_space<hbm>> -> memref<10240x128xf32, #tpu.memory_space<hbm>>
      tpu.wait_indirect_dma semaphore(%arg15 : memref<!tpu.dma_semaphore, #tpu.memory_space<semaphore_mem>>) src(%dma_wait3A_255 : memref<10240x128xf32, #tpu.memory_space<hbm>>) dst(%arg13 : memref<128x128xf32, #tpu.memory_space<vmem>>)
      %dma_wait3A_256 = arith.constant 0 : i32
      %dma_wait3A_257 = arith.constant 0 : i32
      %dma_wait3A_258 = tpu.memref_slice %arg14[%dma_wait3A_256, %dma_wait3A_257] : memref<10240x128xf32, #tpu.memory_space<vmem_shared>> -> memref<10240x128xf32, #tpu.memory_space<vmem_shared>>
      tpu.wait_indirect_dma semaphore(%arg16 : memref<!tpu.dma_semaphore, #tpu.memory_space<semaphore_mem>>) src(%arg12 : memref<128x128xf32, #tpu.memory_space<vmem>>) dst(%dma_wait3A_258 : memref<10240x128xf32, #tpu.memory_space<vmem_shared>>)
      %add3A_259 = arith.constant 1 : i32
      %add3A_260 = arith.addi %add3A_249, %add3A_259 : i32
      %dma_start3A_261 = arith.constant 0 : i32
      %dma_start3A_262 = tpu.memref_slice %arg7[%add3A_260, %dma_start3A_261] : memref<81x128xi32, #tpu.memory_space<vmem>> -> memref<1x128xi32, #tpu.memory_space<vmem>>
      %dma_start3A_263 = tpu.memref_squeeze %dma_start3A_262 : memref<1x128xi32, #tpu.memory_space<vmem>> -> memref<128xi32, #tpu.memory_space<vmem>>
      %dma_start3A_264 = arith.constant 0 : i32
      %dma_start3A_265 = arith.constant 0 : i32
      %dma_start3A_266 = tpu.memref_slice %arg2[%dma_start3A_264, %dma_start3A_265] : memref<10240x128xf32, #tpu.memory_space<hbm>> -> memref<10240x128xf32, #tpu.memory_space<hbm>>
      tpu.enqueue_indirect_dma source(%dma_start3A_266 : memref<10240x128xf32, #tpu.memory_space<hbm>>) target(%arg12 : memref<128x128xf32, #tpu.memory_space<vmem>>) offsets(%dma_start3A_263 : memref<128xi32, #tpu.memory_space<vmem>>) semaphore(%arg15 : memref<!tpu.dma_semaphore, #tpu.memory_space<semaphore_mem>>)
      %add3A_267 = arith.constant 3 : i32
      %add3A_268 = arith.addi %add3A_249, %add3A_267 : i32
      %mul3A_269 = arith.constant 10368 : i32
      %mul3A_270 = arith.muli %add3A, %mul3A_269 : i32
      %mul3A_271 = arith.constant 128 : i32
      %mul3A_272 = arith.muli %add3A_268, %mul3A_271 : i32
      %add3A_273 = arith.addi %mul3A_270, %mul3A_272 : i32
      %dma_start3A_274 = tpu.memref_slice %arg4[%add3A_273] : memref<331776xi32, #tpu.memory_space<hbm>> -> memref<128xi32, #tpu.memory_space<hbm>>
      %dma_start3A_275 = tpu.memref_slice %arg4[%add3A_273] : memref<331776xi32, #tpu.memory_space<hbm>> -> memref<128xi32, #tpu.memory_space<hbm>>
      tpu.enqueue_dma source(%dma_start3A_275 : memref<128xi32, #tpu.memory_space<hbm>>) target(%arg8 : memref<128xi32, #tpu.memory_space<vmem>>) target_semaphore(%arg17 : memref<!tpu.dma_semaphore, #tpu.memory_space<semaphore_mem>>)
      %mul3A_276 = arith.constant 10368 : i32
      %mul3A_277 = arith.muli %add3A, %mul3A_276 : i32
      %mul3A_278 = arith.constant 128 : i32
      %mul3A_279 = arith.muli %add3A_249, %mul3A_278 : i32
      %add3A_280 = arith.addi %mul3A_277, %mul3A_279 : i32
      %dma_wait3A_281 = tpu.memref_slice %arg4[%add3A_280] : memref<331776xi32, #tpu.memory_space<hbm>> -> memref<128xi32, #tpu.memory_space<hbm>>
      %dma_wait3A_282 = tpu.memref_slice %arg4[%add3A_280] : memref<331776xi32, #tpu.memory_space<hbm>> -> memref<128xi32, #tpu.memory_space<hbm>>
      tpu.wait_dma2 semaphore(%arg18 : memref<!tpu.dma_semaphore, #tpu.memory_space<semaphore_mem>>) src(%dma_wait3A_282 : memref<128xi32, #tpu.memory_space<hbm>>) dst(%arg9 : memref<128xi32, #tpu.memory_space<vmem>>)
      %dma_start3A_283 = arith.constant 0 : i32
      %dma_start3A_284 = arith.constant 0 : i32
      %dma_start3A_285 = tpu.memref_slice %arg14[%dma_start3A_283, %dma_start3A_284] : memref<10240x128xf32, #tpu.memory_space<vmem_shared>> -> memref<10240x128xf32, #tpu.memory_space<vmem_shared>>
      tpu.enqueue_indirect_dma source(%arg13 : memref<128x128xf32, #tpu.memory_space<vmem>>) target(%dma_start3A_285 : memref<10240x128xf32, #tpu.memory_space<vmem_shared>>) offsets(%arg9 : memref<128xi32, #tpu.memory_space<vmem>>) semaphore(%arg16 : memref<!tpu.dma_semaphore, #tpu.memory_space<semaphore_mem>>) {add = true}
      %add3A_286 = arith.constant 1 : i32
      %add3A_287 = arith.addi %add3A_249, %add3A_286 : i32
      %dma_wait3A_288 = arith.constant 0 : i32
      %dma_wait3A_289 = tpu.memref_slice %arg7[%add3A_287, %dma_wait3A_288] : memref<81x128xi32, #tpu.memory_space<vmem>> -> memref<1x128xi32, #tpu.memory_space<vmem>>
      %dma_wait3A_290 = tpu.memref_squeeze %dma_wait3A_289 : memref<1x128xi32, #tpu.memory_space<vmem>> -> memref<128xi32, #tpu.memory_space<vmem>>
      %dma_wait3A_291 = arith.constant 0 : i32
      %dma_wait3A_292 = arith.constant 0 : i32
      %dma_wait3A_293 = tpu.memref_slice %arg2[%dma_wait3A_291, %dma_wait3A_292] : memref<10240x128xf32, #tpu.memory_space<hbm>> -> memref<10240x128xf32, #tpu.memory_space<hbm>>
      tpu.wait_indirect_dma semaphore(%arg15 : memref<!tpu.dma_semaphore, #tpu.memory_space<semaphore_mem>>) src(%dma_wait3A_293 : memref<10240x128xf32, #tpu.memory_space<hbm>>) dst(%arg12 : memref<128x128xf32, #tpu.memory_space<vmem>>)
      %dma_wait3A_294 = arith.constant 0 : i32
      %dma_wait3A_295 = arith.constant 0 : i32
      %dma_wait3A_296 = tpu.memref_slice %arg14[%dma_wait3A_294, %dma_wait3A_295] : memref<10240x128xf32, #tpu.memory_space<vmem_shared>> -> memref<10240x128xf32, #tpu.memory_space<vmem_shared>>
      tpu.wait_indirect_dma semaphore(%arg16 : memref<!tpu.dma_semaphore, #tpu.memory_space<semaphore_mem>>) src(%arg13 : memref<128x128xf32, #tpu.memory_space<vmem>>) dst(%dma_wait3A_296 : memref<10240x128xf32, #tpu.memory_space<vmem_shared>>)
      %add3A_297 = arith.constant 1 : i32
      %add3A_298 = arith.addi %add3A_287, %add3A_297 : i32
      %dma_start3A_299 = arith.constant 0 : i32
      %dma_start3A_300 = tpu.memref_slice %arg7[%add3A_298, %dma_start3A_299] : memref<81x128xi32, #tpu.memory_space<vmem>> -> memref<1x128xi32, #tpu.memory_space<vmem>>
      %dma_start3A_301 = tpu.memref_squeeze %dma_start3A_300 : memref<1x128xi32, #tpu.memory_space<vmem>> -> memref<128xi32, #tpu.memory_space<vmem>>
      %dma_start3A_302 = arith.constant 0 : i32
      %dma_start3A_303 = arith.constant 0 : i32
      %dma_start3A_304 = tpu.memref_slice %arg2[%dma_start3A_302, %dma_start3A_303] : memref<10240x128xf32, #tpu.memory_space<hbm>> -> memref<10240x128xf32, #tpu.memory_space<hbm>>
      tpu.enqueue_indirect_dma source(%dma_start3A_304 : memref<10240x128xf32, #tpu.memory_space<hbm>>) target(%arg13 : memref<128x128xf32, #tpu.memory_space<vmem>>) offsets(%dma_start3A_301 : memref<128xi32, #tpu.memory_space<vmem>>) semaphore(%arg15 : memref<!tpu.dma_semaphore, #tpu.memory_space<semaphore_mem>>)
      %add3A_305 = arith.constant 3 : i32
      %add3A_306 = arith.addi %add3A_287, %add3A_305 : i32
      %mul3A_307 = arith.constant 10368 : i32
      %mul3A_308 = arith.muli %add3A, %mul3A_307 : i32
      %mul3A_309 = arith.constant 128 : i32
      %mul3A_310 = arith.muli %add3A_306, %mul3A_309 : i32
      %add3A_311 = arith.addi %mul3A_308, %mul3A_310 : i32
      %dma_start3A_312 = tpu.memref_slice %arg4[%add3A_311] : memref<331776xi32, #tpu.memory_space<hbm>> -> memref<128xi32, #tpu.memory_space<hbm>>
      %dma_start3A_313 = tpu.memref_slice %arg4[%add3A_311] : memref<331776xi32, #tpu.memory_space<hbm>> -> memref<128xi32, #tpu.memory_space<hbm>>
      tpu.enqueue_dma source(%dma_start3A_313 : memref<128xi32, #tpu.memory_space<hbm>>) target(%arg9 : memref<128xi32, #tpu.memory_space<vmem>>) target_semaphore(%arg18 : memref<!tpu.dma_semaphore, #tpu.memory_space<semaphore_mem>>)
      %mul3A_314 = arith.constant 10368 : i32
      %mul3A_315 = arith.muli %add3A, %mul3A_314 : i32
      %mul3A_316 = arith.constant 128 : i32
      %mul3A_317 = arith.muli %add3A_287, %mul3A_316 : i32
      %add3A_318 = arith.addi %mul3A_315, %mul3A_317 : i32
      %dma_wait3A_319 = tpu.memref_slice %arg4[%add3A_318] : memref<331776xi32, #tpu.memory_space<hbm>> -> memref<128xi32, #tpu.memory_space<hbm>>
      %dma_wait3A_320 = tpu.memref_slice %arg4[%add3A_318] : memref<331776xi32, #tpu.memory_space<hbm>> -> memref<128xi32, #tpu.memory_space<hbm>>
      tpu.wait_dma2 semaphore(%arg19 : memref<!tpu.dma_semaphore, #tpu.memory_space<semaphore_mem>>) src(%dma_wait3A_320 : memref<128xi32, #tpu.memory_space<hbm>>) dst(%arg10 : memref<128xi32, #tpu.memory_space<vmem>>)
      %dma_start3A_321 = arith.constant 0 : i32
      %dma_start3A_322 = arith.constant 0 : i32
      %dma_start3A_323 = tpu.memref_slice %arg14[%dma_start3A_321, %dma_start3A_322] : memref<10240x128xf32, #tpu.memory_space<vmem_shared>> -> memref<10240x128xf32, #tpu.memory_space<vmem_shared>>
      tpu.enqueue_indirect_dma source(%arg12 : memref<128x128xf32, #tpu.memory_space<vmem>>) target(%dma_start3A_323 : memref<10240x128xf32, #tpu.memory_space<vmem_shared>>) offsets(%arg10 : memref<128xi32, #tpu.memory_space<vmem>>) semaphore(%arg16 : memref<!tpu.dma_semaphore, #tpu.memory_space<semaphore_mem>>) {add = true}
      %add3A_324 = arith.constant 2 : i32
      %add3A_325 = arith.addi %add3A_249, %add3A_324 : i32
      %dma_wait3A_326 = arith.constant 0 : i32
      %dma_wait3A_327 = tpu.memref_slice %arg7[%add3A_325, %dma_wait3A_326] : memref<81x128xi32, #tpu.memory_space<vmem>> -> memref<1x128xi32, #tpu.memory_space<vmem>>
      %dma_wait3A_328 = tpu.memref_squeeze %dma_wait3A_327 : memref<1x128xi32, #tpu.memory_space<vmem>> -> memref<128xi32, #tpu.memory_space<vmem>>
      %dma_wait3A_329 = arith.constant 0 : i32
      %dma_wait3A_330 = arith.constant 0 : i32
      %dma_wait3A_331 = tpu.memref_slice %arg2[%dma_wait3A_329, %dma_wait3A_330] : memref<10240x128xf32, #tpu.memory_space<hbm>> -> memref<10240x128xf32, #tpu.memory_space<hbm>>
      tpu.wait_indirect_dma semaphore(%arg15 : memref<!tpu.dma_semaphore, #tpu.memory_space<semaphore_mem>>) src(%dma_wait3A_331 : memref<10240x128xf32, #tpu.memory_space<hbm>>) dst(%arg13 : memref<128x128xf32, #tpu.memory_space<vmem>>)
      %dma_wait3A_332 = arith.constant 0 : i32
      %dma_wait3A_333 = arith.constant 0 : i32
      %dma_wait3A_334 = tpu.memref_slice %arg14[%dma_wait3A_332, %dma_wait3A_333] : memref<10240x128xf32, #tpu.memory_space<vmem_shared>> -> memref<10240x128xf32, #tpu.memory_space<vmem_shared>>
      tpu.wait_indirect_dma semaphore(%arg16 : memref<!tpu.dma_semaphore, #tpu.memory_space<semaphore_mem>>) src(%arg12 : memref<128x128xf32, #tpu.memory_space<vmem>>) dst(%dma_wait3A_334 : memref<10240x128xf32, #tpu.memory_space<vmem_shared>>)
      %add3A_335 = arith.constant 1 : i32
      %add3A_336 = arith.addi %add3A_325, %add3A_335 : i32
      %dma_start3A_337 = arith.constant 0 : i32
      %dma_start3A_338 = tpu.memref_slice %arg7[%add3A_336, %dma_start3A_337] : memref<81x128xi32, #tpu.memory_space<vmem>> -> memref<1x128xi32, #tpu.memory_space<vmem>>
      %dma_start3A_339 = tpu.memref_squeeze %dma_start3A_338 : memref<1x128xi32, #tpu.memory_space<vmem>> -> memref<128xi32, #tpu.memory_space<vmem>>
      %dma_start3A_340 = arith.constant 0 : i32
      %dma_start3A_341 = arith.constant 0 : i32
      %dma_start3A_342 = tpu.memref_slice %arg2[%dma_start3A_340, %dma_start3A_341] : memref<10240x128xf32, #tpu.memory_space<hbm>> -> memref<10240x128xf32, #tpu.memory_space<hbm>>
      tpu.enqueue_indirect_dma source(%dma_start3A_342 : memref<10240x128xf32, #tpu.memory_space<hbm>>) target(%arg12 : memref<128x128xf32, #tpu.memory_space<vmem>>) offsets(%dma_start3A_339 : memref<128xi32, #tpu.memory_space<vmem>>) semaphore(%arg15 : memref<!tpu.dma_semaphore, #tpu.memory_space<semaphore_mem>>)
      %add3A_343 = arith.constant 3 : i32
      %add3A_344 = arith.addi %add3A_325, %add3A_343 : i32
      %mul3A_345 = arith.constant 10368 : i32
      %mul3A_346 = arith.muli %add3A, %mul3A_345 : i32
      %mul3A_347 = arith.constant 128 : i32
      %mul3A_348 = arith.muli %add3A_344, %mul3A_347 : i32
      %add3A_349 = arith.addi %mul3A_346, %mul3A_348 : i32
      %dma_start3A_350 = tpu.memref_slice %arg4[%add3A_349] : memref<331776xi32, #tpu.memory_space<hbm>> -> memref<128xi32, #tpu.memory_space<hbm>>
      %dma_start3A_351 = tpu.memref_slice %arg4[%add3A_349] : memref<331776xi32, #tpu.memory_space<hbm>> -> memref<128xi32, #tpu.memory_space<hbm>>
      tpu.enqueue_dma source(%dma_start3A_351 : memref<128xi32, #tpu.memory_space<hbm>>) target(%arg10 : memref<128xi32, #tpu.memory_space<vmem>>) target_semaphore(%arg19 : memref<!tpu.dma_semaphore, #tpu.memory_space<semaphore_mem>>)
      %mul3A_352 = arith.constant 10368 : i32
      %mul3A_353 = arith.muli %add3A, %mul3A_352 : i32
      %mul3A_354 = arith.constant 128 : i32
      %mul3A_355 = arith.muli %add3A_325, %mul3A_354 : i32
      %add3A_356 = arith.addi %mul3A_353, %mul3A_355 : i32
      %dma_wait3A_357 = tpu.memref_slice %arg4[%add3A_356] : memref<331776xi32, #tpu.memory_space<hbm>> -> memref<128xi32, #tpu.memory_space<hbm>>
      %dma_wait3A_358 = tpu.memref_slice %arg4[%add3A_356] : memref<331776xi32, #tpu.memory_space<hbm>> -> memref<128xi32, #tpu.memory_space<hbm>>
      tpu.wait_dma2 semaphore(%arg20 : memref<!tpu.dma_semaphore, #tpu.memory_space<semaphore_mem>>) src(%dma_wait3A_358 : memref<128xi32, #tpu.memory_space<hbm>>) dst(%arg11 : memref<128xi32, #tpu.memory_space<vmem>>)
      %dma_start3A_359 = arith.constant 0 : i32
      %dma_start3A_360 = arith.constant 0 : i32
      %dma_start3A_361 = tpu.memref_slice %arg14[%dma_start3A_359, %dma_start3A_360] : memref<10240x128xf32, #tpu.memory_space<vmem_shared>> -> memref<10240x128xf32, #tpu.memory_space<vmem_shared>>
      tpu.enqueue_indirect_dma source(%arg13 : memref<128x128xf32, #tpu.memory_space<vmem>>) target(%dma_start3A_361 : memref<10240x128xf32, #tpu.memory_space<vmem_shared>>) offsets(%arg11 : memref<128xi32, #tpu.memory_space<vmem>>) semaphore(%arg16 : memref<!tpu.dma_semaphore, #tpu.memory_space<semaphore_mem>>) {add = true}
      %add3A_362 = arith.constant 3 : i32
      %add3A_363 = arith.addi %add3A_249, %add3A_362 : i32
      %dma_wait3A_364 = arith.constant 0 : i32
      %dma_wait3A_365 = tpu.memref_slice %arg7[%add3A_363, %dma_wait3A_364] : memref<81x128xi32, #tpu.memory_space<vmem>> -> memref<1x128xi32, #tpu.memory_space<vmem>>
      %dma_wait3A_366 = tpu.memref_squeeze %dma_wait3A_365 : memref<1x128xi32, #tpu.memory_space<vmem>> -> memref<128xi32, #tpu.memory_space<vmem>>
      %dma_wait3A_367 = arith.constant 0 : i32
      %dma_wait3A_368 = arith.constant 0 : i32
      %dma_wait3A_369 = tpu.memref_slice %arg2[%dma_wait3A_367, %dma_wait3A_368] : memref<10240x128xf32, #tpu.memory_space<hbm>> -> memref<10240x128xf32, #tpu.memory_space<hbm>>
      tpu.wait_indirect_dma semaphore(%arg15 : memref<!tpu.dma_semaphore, #tpu.memory_space<semaphore_mem>>) src(%dma_wait3A_369 : memref<10240x128xf32, #tpu.memory_space<hbm>>) dst(%arg12 : memref<128x128xf32, #tpu.memory_space<vmem>>)
      %dma_wait3A_370 = arith.constant 0 : i32
      %dma_wait3A_371 = arith.constant 0 : i32
      %dma_wait3A_372 = tpu.memref_slice %arg14[%dma_wait3A_370, %dma_wait3A_371] : memref<10240x128xf32, #tpu.memory_space<vmem_shared>> -> memref<10240x128xf32, #tpu.memory_space<vmem_shared>>
      tpu.wait_indirect_dma semaphore(%arg16 : memref<!tpu.dma_semaphore, #tpu.memory_space<semaphore_mem>>) src(%arg13 : memref<128x128xf32, #tpu.memory_space<vmem>>) dst(%dma_wait3A_372 : memref<10240x128xf32, #tpu.memory_space<vmem_shared>>)
      %add3A_373 = arith.constant 1 : i32
      %add3A_374 = arith.addi %add3A_363, %add3A_373 : i32
      %dma_start3A_375 = arith.constant 0 : i32
      %dma_start3A_376 = tpu.memref_slice %arg7[%add3A_374, %dma_start3A_375] : memref<81x128xi32, #tpu.memory_space<vmem>> -> memref<1x128xi32, #tpu.memory_space<vmem>>
      %dma_start3A_377 = tpu.memref_squeeze %dma_start3A_376 : memref<1x128xi32, #tpu.memory_space<vmem>> -> memref<128xi32, #tpu.memory_space<vmem>>
      %dma_start3A_378 = arith.constant 0 : i32
      %dma_start3A_379 = arith.constant 0 : i32
      %dma_start3A_380 = tpu.memref_slice %arg2[%dma_start3A_378, %dma_start3A_379] : memref<10240x128xf32, #tpu.memory_space<hbm>> -> memref<10240x128xf32, #tpu.memory_space<hbm>>
      tpu.enqueue_indirect_dma source(%dma_start3A_380 : memref<10240x128xf32, #tpu.memory_space<hbm>>) target(%arg13 : memref<128x128xf32, #tpu.memory_space<vmem>>) offsets(%dma_start3A_377 : memref<128xi32, #tpu.memory_space<vmem>>) semaphore(%arg15 : memref<!tpu.dma_semaphore, #tpu.memory_space<semaphore_mem>>)
      %add3A_381 = arith.constant 3 : i32
      %add3A_382 = arith.addi %add3A_363, %add3A_381 : i32
      %mul3A_383 = arith.constant 10368 : i32
      %mul3A_384 = arith.muli %add3A, %mul3A_383 : i32
      %mul3A_385 = arith.constant 128 : i32
      %mul3A_386 = arith.muli %add3A_382, %mul3A_385 : i32
      %add3A_387 = arith.addi %mul3A_384, %mul3A_386 : i32
      %dma_start3A_388 = tpu.memref_slice %arg4[%add3A_387] : memref<331776xi32, #tpu.memory_space<hbm>> -> memref<128xi32, #tpu.memory_space<hbm>>
      %dma_start3A_389 = tpu.memref_slice %arg4[%add3A_387] : memref<331776xi32, #tpu.memory_space<hbm>> -> memref<128xi32, #tpu.memory_space<hbm>>
      tpu.enqueue_dma source(%dma_start3A_389 : memref<128xi32, #tpu.memory_space<hbm>>) target(%arg11 : memref<128xi32, #tpu.memory_space<vmem>>) target_semaphore(%arg20 : memref<!tpu.dma_semaphore, #tpu.memory_space<semaphore_mem>>)
      %mul3A_390 = arith.constant 10368 : i32
      %mul3A_391 = arith.muli %add3A, %mul3A_390 : i32
      %mul3A_392 = arith.constant 128 : i32
      %mul3A_393 = arith.muli %add3A_363, %mul3A_392 : i32
      %add3A_394 = arith.addi %mul3A_391, %mul3A_393 : i32
      %dma_wait3A_395 = tpu.memref_slice %arg4[%add3A_394] : memref<331776xi32, #tpu.memory_space<hbm>> -> memref<128xi32, #tpu.memory_space<hbm>>
      %dma_wait3A_396 = tpu.memref_slice %arg4[%add3A_394] : memref<331776xi32, #tpu.memory_space<hbm>> -> memref<128xi32, #tpu.memory_space<hbm>>
      tpu.wait_dma2 semaphore(%arg17 : memref<!tpu.dma_semaphore, #tpu.memory_space<semaphore_mem>>) src(%dma_wait3A_396 : memref<128xi32, #tpu.memory_space<hbm>>) dst(%arg8 : memref<128xi32, #tpu.memory_space<vmem>>)
      %dma_start3A_397 = arith.constant 0 : i32
      %dma_start3A_398 = arith.constant 0 : i32
      %dma_start3A_399 = tpu.memref_slice %arg14[%dma_start3A_397, %dma_start3A_398] : memref<10240x128xf32, #tpu.memory_space<vmem_shared>> -> memref<10240x128xf32, #tpu.memory_space<vmem_shared>>
      tpu.enqueue_indirect_dma source(%arg12 : memref<128x128xf32, #tpu.memory_space<vmem>>) target(%dma_start3A_399 : memref<10240x128xf32, #tpu.memory_space<vmem_shared>>) offsets(%arg8 : memref<128xi32, #tpu.memory_space<vmem>>) semaphore(%arg16 : memref<!tpu.dma_semaphore, #tpu.memory_space<semaphore_mem>>) {add = true}
    }
    %scan3A_117 = arith.constant 19 : i32
    %dma_wait3A_118 = arith.constant 77 : i32
    %dma_wait3A_119 = arith.constant 0 : i32
    %dma_wait3A_120 = tpu.memref_slice %arg7[%dma_wait3A_118, %dma_wait3A_119] : memref<81x128xi32, #tpu.memory_space<vmem>> -> memref<1x128xi32, #tpu.memory_space<vmem>>
    %dma_wait3A_121 = tpu.memref_squeeze %dma_wait3A_120 : memref<1x128xi32, #tpu.memory_space<vmem>> -> memref<128xi32, #tpu.memory_space<vmem>>
    %dma_wait3A_122 = arith.constant 0 : i32
    %dma_wait3A_123 = arith.constant 0 : i32
    %dma_wait3A_124 = tpu.memref_slice %arg2[%dma_wait3A_122, %dma_wait3A_123] : memref<10240x128xf32, #tpu.memory_space<hbm>> -> memref<10240x128xf32, #tpu.memory_space<hbm>>
    tpu.wait_indirect_dma semaphore(%arg15 : memref<!tpu.dma_semaphore, #tpu.memory_space<semaphore_mem>>) src(%dma_wait3A_124 : memref<10240x128xf32, #tpu.memory_space<hbm>>) dst(%arg13 : memref<128x128xf32, #tpu.memory_space<vmem>>)
    %dma_wait3A_125 = arith.constant 0 : i32
    %dma_wait3A_126 = arith.constant 0 : i32
    %dma_wait3A_127 = tpu.memref_slice %arg14[%dma_wait3A_125, %dma_wait3A_126] : memref<10240x128xf32, #tpu.memory_space<vmem_shared>> -> memref<10240x128xf32, #tpu.memory_space<vmem_shared>>
    tpu.wait_indirect_dma semaphore(%arg16 : memref<!tpu.dma_semaphore, #tpu.memory_space<semaphore_mem>>) src(%arg12 : memref<128x128xf32, #tpu.memory_space<vmem>>) dst(%dma_wait3A_127 : memref<10240x128xf32, #tpu.memory_space<vmem_shared>>)
    %dma_start3A_128 = arith.constant 78 : i32
    %dma_start3A_129 = arith.constant 0 : i32
    %dma_start3A_130 = tpu.memref_slice %arg7[%dma_start3A_128, %dma_start3A_129] : memref<81x128xi32, #tpu.memory_space<vmem>> -> memref<1x128xi32, #tpu.memory_space<vmem>>
    %dma_start3A_131 = tpu.memref_squeeze %dma_start3A_130 : memref<1x128xi32, #tpu.memory_space<vmem>> -> memref<128xi32, #tpu.memory_space<vmem>>
    %dma_start3A_132 = arith.constant 0 : i32
    %dma_start3A_133 = arith.constant 0 : i32
    %dma_start3A_134 = tpu.memref_slice %arg2[%dma_start3A_132, %dma_start3A_133] : memref<10240x128xf32, #tpu.memory_space<hbm>> -> memref<10240x128xf32, #tpu.memory_space<hbm>>
    tpu.enqueue_indirect_dma source(%dma_start3A_134 : memref<10240x128xf32, #tpu.memory_space<hbm>>) target(%arg12 : memref<128x128xf32, #tpu.memory_space<vmem>>) offsets(%dma_start3A_131 : memref<128xi32, #tpu.memory_space<vmem>>) semaphore(%arg15 : memref<!tpu.dma_semaphore, #tpu.memory_space<semaphore_mem>>)
    %mul3A_135 = arith.constant 10368 : i32
    %mul3A_136 = arith.muli %add3A, %mul3A_135 : i32
    %add3A_137 = arith.constant 10240 : i32
    %add3A_138 = arith.addi %mul3A_136, %add3A_137 : i32
    %dma_start3A_139 = tpu.memref_slice %arg4[%add3A_138] : memref<331776xi32, #tpu.memory_space<hbm>> -> memref<128xi32, #tpu.memory_space<hbm>>
    %dma_start3A_140 = tpu.memref_slice %arg4[%add3A_138] : memref<331776xi32, #tpu.memory_space<hbm>> -> memref<128xi32, #tpu.memory_space<hbm>>
    tpu.enqueue_dma source(%dma_start3A_140 : memref<128xi32, #tpu.memory_space<hbm>>) target(%arg8 : memref<128xi32, #tpu.memory_space<vmem>>) target_semaphore(%arg17 : memref<!tpu.dma_semaphore, #tpu.memory_space<semaphore_mem>>)
    %mul3A_141 = arith.constant 10368 : i32
    %mul3A_142 = arith.muli %add3A, %mul3A_141 : i32
    %add3A_143 = arith.constant 9856 : i32
    %add3A_144 = arith.addi %mul3A_142, %add3A_143 : i32
    %dma_wait3A_145 = tpu.memref_slice %arg4[%add3A_144] : memref<331776xi32, #tpu.memory_space<hbm>> -> memref<128xi32, #tpu.memory_space<hbm>>
    %dma_wait3A_146 = tpu.memref_slice %arg4[%add3A_144] : memref<331776xi32, #tpu.memory_space<hbm>> -> memref<128xi32, #tpu.memory_space<hbm>>
    tpu.wait_dma2 semaphore(%arg18 : memref<!tpu.dma_semaphore, #tpu.memory_space<semaphore_mem>>) src(%dma_wait3A_146 : memref<128xi32, #tpu.memory_space<hbm>>) dst(%arg9 : memref<128xi32, #tpu.memory_space<vmem>>)
    %dma_start3A_147 = arith.constant 0 : i32
    %dma_start3A_148 = arith.constant 0 : i32
    %dma_start3A_149 = tpu.memref_slice %arg14[%dma_start3A_147, %dma_start3A_148] : memref<10240x128xf32, #tpu.memory_space<vmem_shared>> -> memref<10240x128xf32, #tpu.memory_space<vmem_shared>>
    tpu.enqueue_indirect_dma source(%arg13 : memref<128x128xf32, #tpu.memory_space<vmem>>) target(%dma_start3A_149 : memref<10240x128xf32, #tpu.memory_space<vmem_shared>>) offsets(%arg9 : memref<128xi32, #tpu.memory_space<vmem>>) semaphore(%arg16 : memref<!tpu.dma_semaphore, #tpu.memory_space<semaphore_mem>>) {add = true}
    %dma_wait3A_150 = arith.constant 78 : i32
    %dma_wait3A_151 = arith.constant 0 : i32
    %dma_wait3A_152 = tpu.memref_slice %arg7[%dma_wait3A_150, %dma_wait3A_151] : memref<81x128xi32, #tpu.memory_space<vmem>> -> memref<1x128xi32, #tpu.memory_space<vmem>>
    %dma_wait3A_153 = tpu.memref_squeeze %dma_wait3A_152 : memref<1x128xi32, #tpu.memory_space<vmem>> -> memref<128xi32, #tpu.memory_space<vmem>>
    %dma_wait3A_154 = arith.constant 0 : i32
    %dma_wait3A_155 = arith.constant 0 : i32
    %dma_wait3A_156 = tpu.memref_slice %arg2[%dma_wait3A_154, %dma_wait3A_155] : memref<10240x128xf32, #tpu.memory_space<hbm>> -> memref<10240x128xf32, #tpu.memory_space<hbm>>
    tpu.wait_indirect_dma semaphore(%arg15 : memref<!tpu.dma_semaphore, #tpu.memory_space<semaphore_mem>>) src(%dma_wait3A_156 : memref<10240x128xf32, #tpu.memory_space<hbm>>) dst(%arg12 : memref<128x128xf32, #tpu.memory_space<vmem>>)
    %dma_wait3A_157 = arith.constant 0 : i32
    %dma_wait3A_158 = arith.constant 0 : i32
    %dma_wait3A_159 = tpu.memref_slice %arg14[%dma_wait3A_157, %dma_wait3A_158] : memref<10240x128xf32, #tpu.memory_space<vmem_shared>> -> memref<10240x128xf32, #tpu.memory_space<vmem_shared>>
    tpu.wait_indirect_dma semaphore(%arg16 : memref<!tpu.dma_semaphore, #tpu.memory_space<semaphore_mem>>) src(%arg13 : memref<128x128xf32, #tpu.memory_space<vmem>>) dst(%dma_wait3A_159 : memref<10240x128xf32, #tpu.memory_space<vmem_shared>>)
    %dma_start3A_160 = arith.constant 79 : i32
    %dma_start3A_161 = arith.constant 0 : i32
    %dma_start3A_162 = tpu.memref_slice %arg7[%dma_start3A_160, %dma_start3A_161] : memref<81x128xi32, #tpu.memory_space<vmem>> -> memref<1x128xi32, #tpu.memory_space<vmem>>
    %dma_start3A_163 = tpu.memref_squeeze %dma_start3A_162 : memref<1x128xi32, #tpu.memory_space<vmem>> -> memref<128xi32, #tpu.memory_space<vmem>>
    %dma_start3A_164 = arith.constant 0 : i32
    %dma_start3A_165 = arith.constant 0 : i32
    %dma_start3A_166 = tpu.memref_slice %arg2[%dma_start3A_164, %dma_start3A_165] : memref<10240x128xf32, #tpu.memory_space<hbm>> -> memref<10240x128xf32, #tpu.memory_space<hbm>>
    tpu.enqueue_indirect_dma source(%dma_start3A_166 : memref<10240x128xf32, #tpu.memory_space<hbm>>) target(%arg13 : memref<128x128xf32, #tpu.memory_space<vmem>>) offsets(%dma_start3A_163 : memref<128xi32, #tpu.memory_space<vmem>>) semaphore(%arg15 : memref<!tpu.dma_semaphore, #tpu.memory_space<semaphore_mem>>)
    %mul3A_167 = arith.constant 10368 : i32
    %mul3A_168 = arith.muli %add3A, %mul3A_167 : i32
    %add3A_169 = arith.constant 9984 : i32
    %add3A_170 = arith.addi %mul3A_168, %add3A_169 : i32
    %dma_wait3A_171 = tpu.memref_slice %arg4[%add3A_170] : memref<331776xi32, #tpu.memory_space<hbm>> -> memref<128xi32, #tpu.memory_space<hbm>>
    %dma_wait3A_172 = tpu.memref_slice %arg4[%add3A_170] : memref<331776xi32, #tpu.memory_space<hbm>> -> memref<128xi32, #tpu.memory_space<hbm>>
    tpu.wait_dma2 semaphore(%arg19 : memref<!tpu.dma_semaphore, #tpu.memory_space<semaphore_mem>>) src(%dma_wait3A_172 : memref<128xi32, #tpu.memory_space<hbm>>) dst(%arg10 : memref<128xi32, #tpu.memory_space<vmem>>)
    %dma_start3A_173 = arith.constant 0 : i32
    %dma_start3A_174 = arith.constant 0 : i32
    %dma_start3A_175 = tpu.memref_slice %arg14[%dma_start3A_173, %dma_start3A_174] : memref<10240x128xf32, #tpu.memory_space<vmem_shared>> -> memref<10240x128xf32, #tpu.memory_space<vmem_shared>>
    tpu.enqueue_indirect_dma source(%arg12 : memref<128x128xf32, #tpu.memory_space<vmem>>) target(%dma_start3A_175 : memref<10240x128xf32, #tpu.memory_space<vmem_shared>>) offsets(%arg10 : memref<128xi32, #tpu.memory_space<vmem>>) semaphore(%arg16 : memref<!tpu.dma_semaphore, #tpu.memory_space<semaphore_mem>>) {add = true}
    %dma_wait3A_176 = arith.constant 79 : i32
    %dma_wait3A_177 = arith.constant 0 : i32
    %dma_wait3A_178 = tpu.memref_slice %arg7[%dma_wait3A_176, %dma_wait3A_177] : memref<81x128xi32, #tpu.memory_space<vmem>> -> memref<1x128xi32, #tpu.memory_space<vmem>>
    %dma_wait3A_179 = tpu.memref_squeeze %dma_wait3A_178 : memref<1x128xi32, #tpu.memory_space<vmem>> -> memref<128xi32, #tpu.memory_space<vmem>>
    %dma_wait3A_180 = arith.constant 0 : i32
    %dma_wait3A_181 = arith.constant 0 : i32
    %dma_wait3A_182 = tpu.memref_slice %arg2[%dma_wait3A_180, %dma_wait3A_181] : memref<10240x128xf32, #tpu.memory_space<hbm>> -> memref<10240x128xf32, #tpu.memory_space<hbm>>
    tpu.wait_indirect_dma semaphore(%arg15 : memref<!tpu.dma_semaphore, #tpu.memory_space<semaphore_mem>>) src(%dma_wait3A_182 : memref<10240x128xf32, #tpu.memory_space<hbm>>) dst(%arg13 : memref<128x128xf32, #tpu.memory_space<vmem>>)
    %dma_wait3A_183 = arith.constant 0 : i32
    %dma_wait3A_184 = arith.constant 0 : i32
    %dma_wait3A_185 = tpu.memref_slice %arg14[%dma_wait3A_183, %dma_wait3A_184] : memref<10240x128xf32, #tpu.memory_space<vmem_shared>> -> memref<10240x128xf32, #tpu.memory_space<vmem_shared>>
    tpu.wait_indirect_dma semaphore(%arg16 : memref<!tpu.dma_semaphore, #tpu.memory_space<semaphore_mem>>) src(%arg12 : memref<128x128xf32, #tpu.memory_space<vmem>>) dst(%dma_wait3A_185 : memref<10240x128xf32, #tpu.memory_space<vmem_shared>>)
    %dma_start3A_186 = arith.constant 80 : i32
    %dma_start3A_187 = arith.constant 0 : i32
    %dma_start3A_188 = tpu.memref_slice %arg7[%dma_start3A_186, %dma_start3A_187] : memref<81x128xi32, #tpu.memory_space<vmem>> -> memref<1x128xi32, #tpu.memory_space<vmem>>
    %dma_start3A_189 = tpu.memref_squeeze %dma_start3A_188 : memref<1x128xi32, #tpu.memory_space<vmem>> -> memref<128xi32, #tpu.memory_space<vmem>>
    %dma_start3A_190 = arith.constant 0 : i32
    %dma_start3A_191 = arith.constant 0 : i32
    %dma_start3A_192 = tpu.memref_slice %arg2[%dma_start3A_190, %dma_start3A_191] : memref<10240x128xf32, #tpu.memory_space<hbm>> -> memref<10240x128xf32, #tpu.memory_space<hbm>>
    tpu.enqueue_indirect_dma source(%dma_start3A_192 : memref<10240x128xf32, #tpu.memory_space<hbm>>) target(%arg12 : memref<128x128xf32, #tpu.memory_space<vmem>>) offsets(%dma_start3A_189 : memref<128xi32, #tpu.memory_space<vmem>>) semaphore(%arg15 : memref<!tpu.dma_semaphore, #tpu.memory_space<semaphore_mem>>)
    %mul3A_193 = arith.constant 10368 : i32
    %mul3A_194 = arith.muli %add3A, %mul3A_193 : i32
    %add3A_195 = arith.constant 10112 : i32
    %add3A_196 = arith.addi %mul3A_194, %add3A_195 : i32
    %dma_wait3A_197 = tpu.memref_slice %arg4[%add3A_196] : memref<331776xi32, #tpu.memory_space<hbm>> -> memref<128xi32, #tpu.memory_space<hbm>>
    %dma_wait3A_198 = tpu.memref_slice %arg4[%add3A_196] : memref<331776xi32, #tpu.memory_space<hbm>> -> memref<128xi32, #tpu.memory_space<hbm>>
    tpu.wait_dma2 semaphore(%arg20 : memref<!tpu.dma_semaphore, #tpu.memory_space<semaphore_mem>>) src(%dma_wait3A_198 : memref<128xi32, #tpu.memory_space<hbm>>) dst(%arg11 : memref<128xi32, #tpu.memory_space<vmem>>)
    %dma_start3A_199 = arith.constant 0 : i32
    %dma_start3A_200 = arith.constant 0 : i32
    %dma_start3A_201 = tpu.memref_slice %arg14[%dma_start3A_199, %dma_start3A_200] : memref<10240x128xf32, #tpu.memory_space<vmem_shared>> -> memref<10240x128xf32, #tpu.memory_space<vmem_shared>>
    tpu.enqueue_indirect_dma source(%arg13 : memref<128x128xf32, #tpu.memory_space<vmem>>) target(%dma_start3A_201 : memref<10240x128xf32, #tpu.memory_space<vmem_shared>>) offsets(%arg11 : memref<128xi32, #tpu.memory_space<vmem>>) semaphore(%arg16 : memref<!tpu.dma_semaphore, #tpu.memory_space<semaphore_mem>>) {add = true}
    %dma_wait3A_202 = arith.constant 80 : i32
    %dma_wait3A_203 = arith.constant 0 : i32
    %dma_wait3A_204 = tpu.memref_slice %arg7[%dma_wait3A_202, %dma_wait3A_203] : memref<81x128xi32, #tpu.memory_space<vmem>> -> memref<1x128xi32, #tpu.memory_space<vmem>>
    %dma_wait3A_205 = tpu.memref_squeeze %dma_wait3A_204 : memref<1x128xi32, #tpu.memory_space<vmem>> -> memref<128xi32, #tpu.memory_space<vmem>>
    %dma_wait3A_206 = arith.constant 0 : i32
    %dma_wait3A_207 = arith.constant 0 : i32
    %dma_wait3A_208 = tpu.memref_slice %arg2[%dma_wait3A_206, %dma_wait3A_207] : memref<10240x128xf32, #tpu.memory_space<hbm>> -> memref<10240x128xf32, #tpu.memory_space<hbm>>
    tpu.wait_indirect_dma semaphore(%arg15 : memref<!tpu.dma_semaphore, #tpu.memory_space<semaphore_mem>>) src(%dma_wait3A_208 : memref<10240x128xf32, #tpu.memory_space<hbm>>) dst(%arg12 : memref<128x128xf32, #tpu.memory_space<vmem>>)
    %dma_wait3A_209 = arith.constant 0 : i32
    %dma_wait3A_210 = arith.constant 0 : i32
    %dma_wait3A_211 = tpu.memref_slice %arg14[%dma_wait3A_209, %dma_wait3A_210] : memref<10240x128xf32, #tpu.memory_space<vmem_shared>> -> memref<10240x128xf32, #tpu.memory_space<vmem_shared>>
    tpu.wait_indirect_dma semaphore(%arg16 : memref<!tpu.dma_semaphore, #tpu.memory_space<semaphore_mem>>) src(%arg13 : memref<128x128xf32, #tpu.memory_space<vmem>>) dst(%dma_wait3A_211 : memref<10240x128xf32, #tpu.memory_space<vmem_shared>>)
    %mul3A_212 = arith.constant 10368 : i32
    %mul3A_213 = arith.muli %add3A, %mul3A_212 : i32
    %add3A_214 = arith.constant 10240 : i32
    %add3A_215 = arith.addi %mul3A_213, %add3A_214 : i32
    %dma_wait3A_216 = tpu.memref_slice %arg4[%add3A_215] : memref<331776xi32, #tpu.memory_space<hbm>> -> memref<128xi32, #tpu.memory_space<hbm>>
    %dma_wait3A_217 = tpu.memref_slice %arg4[%add3A_215] : memref<331776xi32, #tpu.memory_space<hbm>> -> memref<128xi32, #tpu.memory_space<hbm>>
    tpu.wait_dma2 semaphore(%arg17 : memref<!tpu.dma_semaphore, #tpu.memory_space<semaphore_mem>>) src(%dma_wait3A_217 : memref<128xi32, #tpu.memory_space<hbm>>) dst(%arg8 : memref<128xi32, #tpu.memory_space<vmem>>)
    %dma_start3A_218 = arith.constant 0 : i32
    %dma_start3A_219 = arith.constant 0 : i32
    %dma_start3A_220 = tpu.memref_slice %arg14[%dma_start3A_218, %dma_start3A_219] : memref<10240x128xf32, #tpu.memory_space<vmem_shared>> -> memref<10240x128xf32, #tpu.memory_space<vmem_shared>>
    tpu.enqueue_indirect_dma source(%arg12 : memref<128x128xf32, #tpu.memory_space<vmem>>) target(%dma_start3A_220 : memref<10240x128xf32, #tpu.memory_space<vmem_shared>>) offsets(%arg8 : memref<128xi32, #tpu.memory_space<vmem>>) semaphore(%arg16 : memref<!tpu.dma_semaphore, #tpu.memory_space<semaphore_mem>>) {add = true}
    %dma_wait3A_221 = arith.constant 0 : i32
    %dma_wait3A_222 = arith.constant 0 : i32
    %dma_wait3A_223 = tpu.memref_slice %arg14[%dma_wait3A_221, %dma_wait3A_222] : memref<10240x128xf32, #tpu.memory_space<vmem_shared>> -> memref<10240x128xf32, #tpu.memory_space<vmem_shared>>
    tpu.wait_indirect_dma semaphore(%arg16 : memref<!tpu.dma_semaphore, #tpu.memory_space<semaphore_mem>>) src(%arg12 : memref<128x128xf32, #tpu.memory_space<vmem>>) dst(%dma_wait3A_223 : memref<10240x128xf32, #tpu.memory_space<vmem_shared>>)
    %barrier3A_224 = arith.constant 0 : index
    tpu.barrier barrier_id(%barrier3A_224)
    %mul3A_225 = arith.constant 640 : i32
    %mul3A_226 = arith.muli %arg1, %mul3A_225 : i32
    %add3A_227 = arith.constant 0 : i32
    %add3A_228 = arith.addi %mul3A_226, %add3A_227 : i32
    "tpu.region"() ({
      %run_scoped3A = tpu.sem_alloc : memref<!tpu.dma_semaphore, #tpu.memory_space<semaphore_mem>>
      %dma_start3A_245 = arith.constant 0 : i32
      %dma_start3A_246 = tpu.memref_slice %arg14[%add3A_228, %dma_start3A_245] : memref<10240x128xf32, #tpu.memory_space<vmem_shared>> -> memref<128x128xf32, #tpu.memory_space<vmem_shared>>
      %dma_start3A_247 = arith.constant 0 : i32
      %dma_start3A_248 = tpu.memref_slice %arg14[%add3A_228, %dma_start3A_247] : memref<10240x128xf32, #tpu.memory_space<vmem_shared>> -> memref<128x128xf32, #tpu.memory_space<vmem_shared>>
      tpu.enqueue_dma source(%dma_start3A_248 : memref<128x128xf32, #tpu.memory_space<vmem_shared>>) target(%arg12 : memref<128x128xf32, #tpu.memory_space<vmem>>) target_semaphore(%run_scoped3A : memref<!tpu.dma_semaphore, #tpu.memory_space<semaphore_mem>>)
      %dma_wait3A_249 = arith.constant 0 : i32
      %dma_wait3A_250 = tpu.memref_slice %arg14[%add3A_228, %dma_wait3A_249] : memref<10240x128xf32, #tpu.memory_space<vmem_shared>> -> memref<128x128xf32, #tpu.memory_space<vmem_shared>>
      %dma_wait3A_251 = arith.constant 0 : i32
      %dma_wait3A_252 = tpu.memref_slice %arg14[%add3A_228, %dma_wait3A_251] : memref<10240x128xf32, #tpu.memory_space<vmem_shared>> -> memref<128x128xf32, #tpu.memory_space<vmem_shared>>
      tpu.wait_dma2 semaphore(%run_scoped3A : memref<!tpu.dma_semaphore, #tpu.memory_space<semaphore_mem>>) src(%dma_wait3A_252 : memref<128x128xf32, #tpu.memory_space<vmem_shared>>) dst(%arg12 : memref<128x128xf32, #tpu.memory_space<vmem>>)
      tpu.yield
    }) : () -> ()
    "tpu.region"() ({
      %run_scoped3A = tpu.sem_alloc : memref<!tpu.dma_semaphore, #tpu.memory_space<semaphore_mem>>
      %dma_start3A_245 = arith.constant 0 : i32
      %dma_start3A_246 = tpu.memref_slice %arg6[%arg0, %add3A_228, %dma_start3A_245] : memref<2x10240x128xf32, #tpu.memory_space<hbm>> -> memref<1x128x128xf32, #tpu.memory_space<hbm>>
      %dma_start3A_247 = tpu.memref_squeeze %dma_start3A_246 : memref<1x128x128xf32, #tpu.memory_space<hbm>> -> memref<128x128xf32, #tpu.memory_space<hbm>>
      %dma_start3A_248 = arith.constant 0 : i32
      %dma_start3A_249 = tpu.memref_slice %arg6[%arg0, %add3A_228, %dma_start3A_248] : memref<2x10240x128xf32, #tpu.memory_space<hbm>> -> memref<1x128x128xf32, #tpu.memory_space<hbm>>
      %dma_start3A_250 = tpu.memref_squeeze %dma_start3A_249 : memref<1x128x128xf32, #tpu.memory_space<hbm>> -> memref<128x128xf32, #tpu.memory_space<hbm>>
      tpu.enqueue_dma source(%arg12 : memref<128x128xf32, #tpu.memory_space<vmem>>) target(%dma_start3A_250 : memref<128x128xf32, #tpu.memory_space<hbm>>) target_semaphore(%run_scoped3A : memref<!tpu.dma_semaphore, #tpu.memory_space<semaphore_mem>>)
      %dma_wait3A_251 = arith.constant 0 : i32
      %dma_wait3A_252 = tpu.memref_slice %arg6[%arg0, %add3A_228, %dma_wait3A_251] : memref<2x10240x128xf32, #tpu.memory_space<hbm>> -> memref<1x128x128xf32, #tpu.memory_space<hbm>>
      %dma_wait3A_253 = tpu.memref_squeeze %dma_wait3A_252 : memref<1x128x128xf32, #tpu.memory_space<hbm>> -> memref<128x128xf32, #tpu.memory_space<hbm>>
      %dma_wait3A_254 = arith.constant 0 : i32
      %dma_wait3A_255 = tpu.memref_slice %arg6[%arg0, %add3A_228, %dma_wait3A_254] : memref<2x10240x128xf32, #tpu.memory_space<hbm>> -> memref<1x128x128xf32, #tpu.memory_space<hbm>>
      %dma_wait3A_256 = tpu.memref_squeeze %dma_wait3A_255 : memref<1x128x128xf32, #tpu.memory_space<hbm>> -> memref<128x128xf32, #tpu.memory_space<hbm>>
      tpu.wait_dma2 semaphore(%run_scoped3A : memref<!tpu.dma_semaphore, #tpu.memory_space<semaphore_mem>>) src(%arg12 : memref<128x128xf32, #tpu.memory_space<vmem>>) dst(%dma_wait3A_256 : memref<128x128xf32, #tpu.memory_space<hbm>>)
      tpu.yield
    }) : () -> ()
    %mul3A_229 = arith.constant 640 : i32
    %mul3A_230 = arith.muli %arg1, %mul3A_229 : i32
    %add3A_231 = arith.constant 128 : i32
    %add3A_232 = arith.addi %mul3A_230, %add3A_231 : i32
    "tpu.region"() ({
      %run_scoped3A = tpu.sem_alloc : memref<!tpu.dma_semaphore, #tpu.memory_space<semaphore_mem>>
      %dma_start3A_245 = arith.constant 0 : i32
      %dma_start3A_246 = tpu.memref_slice %arg14[%add3A_232, %dma_start3A_245] : memref<10240x128xf32, #tpu.memory_space<vmem_shared>> -> memref<128x128xf32, #tpu.memory_space<vmem_shared>>
      %dma_start3A_247 = arith.constant 0 : i32
      %dma_start3A_248 = tpu.memref_slice %arg14[%add3A_232, %dma_start3A_247] : memref<10240x128xf32, #tpu.memory_space<vmem_shared>> -> memref<128x128xf32, #tpu.memory_space<vmem_shared>>
      tpu.enqueue_dma source(%dma_start3A_248 : memref<128x128xf32, #tpu.memory_space<vmem_shared>>) target(%arg12 : memref<128x128xf32, #tpu.memory_space<vmem>>) target_semaphore(%run_scoped3A : memref<!tpu.dma_semaphore, #tpu.memory_space<semaphore_mem>>)
      %dma_wait3A_249 = arith.constant 0 : i32
      %dma_wait3A_250 = tpu.memref_slice %arg14[%add3A_232, %dma_wait3A_249] : memref<10240x128xf32, #tpu.memory_space<vmem_shared>> -> memref<128x128xf32, #tpu.memory_space<vmem_shared>>
      %dma_wait3A_251 = arith.constant 0 : i32
      %dma_wait3A_252 = tpu.memref_slice %arg14[%add3A_232, %dma_wait3A_251] : memref<10240x128xf32, #tpu.memory_space<vmem_shared>> -> memref<128x128xf32, #tpu.memory_space<vmem_shared>>
      tpu.wait_dma2 semaphore(%run_scoped3A : memref<!tpu.dma_semaphore, #tpu.memory_space<semaphore_mem>>) src(%dma_wait3A_252 : memref<128x128xf32, #tpu.memory_space<vmem_shared>>) dst(%arg12 : memref<128x128xf32, #tpu.memory_space<vmem>>)
      tpu.yield
    }) : () -> ()
    "tpu.region"() ({
      %run_scoped3A = tpu.sem_alloc : memref<!tpu.dma_semaphore, #tpu.memory_space<semaphore_mem>>
      %dma_start3A_245 = arith.constant 0 : i32
      %dma_start3A_246 = tpu.memref_slice %arg6[%arg0, %add3A_232, %dma_start3A_245] : memref<2x10240x128xf32, #tpu.memory_space<hbm>> -> memref<1x128x128xf32, #tpu.memory_space<hbm>>
      %dma_start3A_247 = tpu.memref_squeeze %dma_start3A_246 : memref<1x128x128xf32, #tpu.memory_space<hbm>> -> memref<128x128xf32, #tpu.memory_space<hbm>>
      %dma_start3A_248 = arith.constant 0 : i32
      %dma_start3A_249 = tpu.memref_slice %arg6[%arg0, %add3A_232, %dma_start3A_248] : memref<2x10240x128xf32, #tpu.memory_space<hbm>> -> memref<1x128x128xf32, #tpu.memory_space<hbm>>
      %dma_start3A_250 = tpu.memref_squeeze %dma_start3A_249 : memref<1x128x128xf32, #tpu.memory_space<hbm>> -> memref<128x128xf32, #tpu.memory_space<hbm>>
      tpu.enqueue_dma source(%arg12 : memref<128x128xf32, #tpu.memory_space<vmem>>) target(%dma_start3A_250 : memref<128x128xf32, #tpu.memory_space<hbm>>) target_semaphore(%run_scoped3A : memref<!tpu.dma_semaphore, #tpu.memory_space<semaphore_mem>>)
      %dma_wait3A_251 = arith.constant 0 : i32
      %dma_wait3A_252 = tpu.memref_slice %arg6[%arg0, %add3A_232, %dma_wait3A_251] : memref<2x10240x128xf32, #tpu.memory_space<hbm>> -> memref<1x128x128xf32, #tpu.memory_space<hbm>>
      %dma_wait3A_253 = tpu.memref_squeeze %dma_wait3A_252 : memref<1x128x128xf32, #tpu.memory_space<hbm>> -> memref<128x128xf32, #tpu.memory_space<hbm>>
      %dma_wait3A_254 = arith.constant 0 : i32
      %dma_wait3A_255 = tpu.memref_slice %arg6[%arg0, %add3A_232, %dma_wait3A_254] : memref<2x10240x128xf32, #tpu.memory_space<hbm>> -> memref<1x128x128xf32, #tpu.memory_space<hbm>>
      %dma_wait3A_256 = tpu.memref_squeeze %dma_wait3A_255 : memref<1x128x128xf32, #tpu.memory_space<hbm>> -> memref<128x128xf32, #tpu.memory_space<hbm>>
      tpu.wait_dma2 semaphore(%run_scoped3A : memref<!tpu.dma_semaphore, #tpu.memory_space<semaphore_mem>>) src(%arg12 : memref<128x128xf32, #tpu.memory_space<vmem>>) dst(%dma_wait3A_256 : memref<128x128xf32, #tpu.memory_space<hbm>>)
      tpu.yield
    }) : () -> ()
    %mul3A_233 = arith.constant 640 : i32
    %mul3A_234 = arith.muli %arg1, %mul3A_233 : i32
    %add3A_235 = arith.constant 256 : i32
    %add3A_236 = arith.addi %mul3A_234, %add3A_235 : i32
    "tpu.region"() ({
      %run_scoped3A = tpu.sem_alloc : memref<!tpu.dma_semaphore, #tpu.memory_space<semaphore_mem>>
      %dma_start3A_245 = arith.constant 0 : i32
      %dma_start3A_246 = tpu.memref_slice %arg14[%add3A_236, %dma_start3A_245] : memref<10240x128xf32, #tpu.memory_space<vmem_shared>> -> memref<128x128xf32, #tpu.memory_space<vmem_shared>>
      %dma_start3A_247 = arith.constant 0 : i32
      %dma_start3A_248 = tpu.memref_slice %arg14[%add3A_236, %dma_start3A_247] : memref<10240x128xf32, #tpu.memory_space<vmem_shared>> -> memref<128x128xf32, #tpu.memory_space<vmem_shared>>
      tpu.enqueue_dma source(%dma_start3A_248 : memref<128x128xf32, #tpu.memory_space<vmem_shared>>) target(%arg12 : memref<128x128xf32, #tpu.memory_space<vmem>>) target_semaphore(%run_scoped3A : memref<!tpu.dma_semaphore, #tpu.memory_space<semaphore_mem>>)
      %dma_wait3A_249 = arith.constant 0 : i32
      %dma_wait3A_250 = tpu.memref_slice %arg14[%add3A_236, %dma_wait3A_249] : memref<10240x128xf32, #tpu.memory_space<vmem_shared>> -> memref<128x128xf32, #tpu.memory_space<vmem_shared>>
      %dma_wait3A_251 = arith.constant 0 : i32
      %dma_wait3A_252 = tpu.memref_slice %arg14[%add3A_236, %dma_wait3A_251] : memref<10240x128xf32, #tpu.memory_space<vmem_shared>> -> memref<128x128xf32, #tpu.memory_space<vmem_shared>>
      tpu.wait_dma2 semaphore(%run_scoped3A : memref<!tpu.dma_semaphore, #tpu.memory_space<semaphore_mem>>) src(%dma_wait3A_252 : memref<128x128xf32, #tpu.memory_space<vmem_shared>>) dst(%arg12 : memref<128x128xf32, #tpu.memory_space<vmem>>)
      tpu.yield
    }) : () -> ()
    "tpu.region"() ({
      %run_scoped3A = tpu.sem_alloc : memref<!tpu.dma_semaphore, #tpu.memory_space<semaphore_mem>>
      %dma_start3A_245 = arith.constant 0 : i32
      %dma_start3A_246 = tpu.memref_slice %arg6[%arg0, %add3A_236, %dma_start3A_245] : memref<2x10240x128xf32, #tpu.memory_space<hbm>> -> memref<1x128x128xf32, #tpu.memory_space<hbm>>
      %dma_start3A_247 = tpu.memref_squeeze %dma_start3A_246 : memref<1x128x128xf32, #tpu.memory_space<hbm>> -> memref<128x128xf32, #tpu.memory_space<hbm>>
      %dma_start3A_248 = arith.constant 0 : i32
      %dma_start3A_249 = tpu.memref_slice %arg6[%arg0, %add3A_236, %dma_start3A_248] : memref<2x10240x128xf32, #tpu.memory_space<hbm>> -> memref<1x128x128xf32, #tpu.memory_space<hbm>>
      %dma_start3A_250 = tpu.memref_squeeze %dma_start3A_249 : memref<1x128x128xf32, #tpu.memory_space<hbm>> -> memref<128x128xf32, #tpu.memory_space<hbm>>
      tpu.enqueue_dma source(%arg12 : memref<128x128xf32, #tpu.memory_space<vmem>>) target(%dma_start3A_250 : memref<128x128xf32, #tpu.memory_space<hbm>>) target_semaphore(%run_scoped3A : memref<!tpu.dma_semaphore, #tpu.memory_space<semaphore_mem>>)
      %dma_wait3A_251 = arith.constant 0 : i32
      %dma_wait3A_252 = tpu.memref_slice %arg6[%arg0, %add3A_236, %dma_wait3A_251] : memref<2x10240x128xf32, #tpu.memory_space<hbm>> -> memref<1x128x128xf32, #tpu.memory_space<hbm>>
      %dma_wait3A_253 = tpu.memref_squeeze %dma_wait3A_252 : memref<1x128x128xf32, #tpu.memory_space<hbm>> -> memref<128x128xf32, #tpu.memory_space<hbm>>
      %dma_wait3A_254 = arith.constant 0 : i32
      %dma_wait3A_255 = tpu.memref_slice %arg6[%arg0, %add3A_236, %dma_wait3A_254] : memref<2x10240x128xf32, #tpu.memory_space<hbm>> -> memref<1x128x128xf32, #tpu.memory_space<hbm>>
      %dma_wait3A_256 = tpu.memref_squeeze %dma_wait3A_255 : memref<1x128x128xf32, #tpu.memory_space<hbm>> -> memref<128x128xf32, #tpu.memory_space<hbm>>
      tpu.wait_dma2 semaphore(%run_scoped3A : memref<!tpu.dma_semaphore, #tpu.memory_space<semaphore_mem>>) src(%arg12 : memref<128x128xf32, #tpu.memory_space<vmem>>) dst(%dma_wait3A_256 : memref<128x128xf32, #tpu.memory_space<hbm>>)
      tpu.yield
    }) : () -> ()
    %mul3A_237 = arith.constant 640 : i32
    %mul3A_238 = arith.muli %arg1, %mul3A_237 : i32
    %add3A_239 = arith.constant 384 : i32
    %add3A_240 = arith.addi %mul3A_238, %add3A_239 : i32
    "tpu.region"() ({
      %run_scoped3A = tpu.sem_alloc : memref<!tpu.dma_semaphore, #tpu.memory_space<semaphore_mem>>
      %dma_start3A_245 = arith.constant 0 : i32
      %dma_start3A_246 = tpu.memref_slice %arg14[%add3A_240, %dma_start3A_245] : memref<10240x128xf32, #tpu.memory_space<vmem_shared>> -> memref<128x128xf32, #tpu.memory_space<vmem_shared>>
      %dma_start3A_247 = arith.constant 0 : i32
      %dma_start3A_248 = tpu.memref_slice %arg14[%add3A_240, %dma_start3A_247] : memref<10240x128xf32, #tpu.memory_space<vmem_shared>> -> memref<128x128xf32, #tpu.memory_space<vmem_shared>>
      tpu.enqueue_dma source(%dma_start3A_248 : memref<128x128xf32, #tpu.memory_space<vmem_shared>>) target(%arg12 : memref<128x128xf32, #tpu.memory_space<vmem>>) target_semaphore(%run_scoped3A : memref<!tpu.dma_semaphore, #tpu.memory_space<semaphore_mem>>)
      %dma_wait3A_249 = arith.constant 0 : i32
      %dma_wait3A_250 = tpu.memref_slice %arg14[%add3A_240, %dma_wait3A_249] : memref<10240x128xf32, #tpu.memory_space<vmem_shared>> -> memref<128x128xf32, #tpu.memory_space<vmem_shared>>
      %dma_wait3A_251 = arith.constant 0 : i32
      %dma_wait3A_252 = tpu.memref_slice %arg14[%add3A_240, %dma_wait3A_251] : memref<10240x128xf32, #tpu.memory_space<vmem_shared>> -> memref<128x128xf32, #tpu.memory_space<vmem_shared>>
      tpu.wait_dma2 semaphore(%run_scoped3A : memref<!tpu.dma_semaphore, #tpu.memory_space<semaphore_mem>>) src(%dma_wait3A_252 : memref<128x128xf32, #tpu.memory_space<vmem_shared>>) dst(%arg12 : memref<128x128xf32, #tpu.memory_space<vmem>>)
      tpu.yield
    }) : () -> ()
    "tpu.region"() ({
      %run_scoped3A = tpu.sem_alloc : memref<!tpu.dma_semaphore, #tpu.memory_space<semaphore_mem>>
      %dma_start3A_245 = arith.constant 0 : i32
      %dma_start3A_246 = tpu.memref_slice %arg6[%arg0, %add3A_240, %dma_start3A_245] : memref<2x10240x128xf32, #tpu.memory_space<hbm>> -> memref<1x128x128xf32, #tpu.memory_space<hbm>>
      %dma_start3A_247 = tpu.memref_squeeze %dma_start3A_246 : memref<1x128x128xf32, #tpu.memory_space<hbm>> -> memref<128x128xf32, #tpu.memory_space<hbm>>
      %dma_start3A_248 = arith.constant 0 : i32
      %dma_start3A_249 = tpu.memref_slice %arg6[%arg0, %add3A_240, %dma_start3A_248] : memref<2x10240x128xf32, #tpu.memory_space<hbm>> -> memref<1x128x128xf32, #tpu.memory_space<hbm>>
      %dma_start3A_250 = tpu.memref_squeeze %dma_start3A_249 : memref<1x128x128xf32, #tpu.memory_space<hbm>> -> memref<128x128xf32, #tpu.memory_space<hbm>>
      tpu.enqueue_dma source(%arg12 : memref<128x128xf32, #tpu.memory_space<vmem>>) target(%dma_start3A_250 : memref<128x128xf32, #tpu.memory_space<hbm>>) target_semaphore(%run_scoped3A : memref<!tpu.dma_semaphore, #tpu.memory_space<semaphore_mem>>)
      %dma_wait3A_251 = arith.constant 0 : i32
      %dma_wait3A_252 = tpu.memref_slice %arg6[%arg0, %add3A_240, %dma_wait3A_251] : memref<2x10240x128xf32, #tpu.memory_space<hbm>> -> memref<1x128x128xf32, #tpu.memory_space<hbm>>
      %dma_wait3A_253 = tpu.memref_squeeze %dma_wait3A_252 : memref<1x128x128xf32, #tpu.memory_space<hbm>> -> memref<128x128xf32, #tpu.memory_space<hbm>>
      %dma_wait3A_254 = arith.constant 0 : i32
      %dma_wait3A_255 = tpu.memref_slice %arg6[%arg0, %add3A_240, %dma_wait3A_254] : memref<2x10240x128xf32, #tpu.memory_space<hbm>> -> memref<1x128x128xf32, #tpu.memory_space<hbm>>
      %dma_wait3A_256 = tpu.memref_squeeze %dma_wait3A_255 : memref<1x128x128xf32, #tpu.memory_space<hbm>> -> memref<128x128xf32, #tpu.memory_space<hbm>>
      tpu.wait_dma2 semaphore(%run_scoped3A : memref<!tpu.dma_semaphore, #tpu.memory_space<semaphore_mem>>) src(%arg12 : memref<128x128xf32, #tpu.memory_space<vmem>>) dst(%dma_wait3A_256 : memref<128x128xf32, #tpu.memory_space<hbm>>)
      tpu.yield
    }) : () -> ()
    %mul3A_241 = arith.constant 640 : i32
    %mul3A_242 = arith.muli %arg1, %mul3A_241 : i32
    %add3A_243 = arith.constant 512 : i32
    %add3A_244 = arith.addi %mul3A_242, %add3A_243 : i32
    "tpu.region"() ({
      %run_scoped3A = tpu.sem_alloc : memref<!tpu.dma_semaphore, #tpu.memory_space<semaphore_mem>>
      %dma_start3A_245 = arith.constant 0 : i32
      %dma_start3A_246 = tpu.memref_slice %arg14[%add3A_244, %dma_start3A_245] : memref<10240x128xf32, #tpu.memory_space<vmem_shared>> -> memref<128x128xf32, #tpu.memory_space<vmem_shared>>
      %dma_start3A_247 = arith.constant 0 : i32
      %dma_start3A_248 = tpu.memref_slice %arg14[%add3A_244, %dma_start3A_247] : memref<10240x128xf32, #tpu.memory_space<vmem_shared>> -> memref<128x128xf32, #tpu.memory_space<vmem_shared>>
      tpu.enqueue_dma source(%dma_start3A_248 : memref<128x128xf32, #tpu.memory_space<vmem_shared>>) target(%arg12 : memref<128x128xf32, #tpu.memory_space<vmem>>) target_semaphore(%run_scoped3A : memref<!tpu.dma_semaphore, #tpu.memory_space<semaphore_mem>>)
      %dma_wait3A_249 = arith.constant 0 : i32
      %dma_wait3A_250 = tpu.memref_slice %arg14[%add3A_244, %dma_wait3A_249] : memref<10240x128xf32, #tpu.memory_space<vmem_shared>> -> memref<128x128xf32, #tpu.memory_space<vmem_shared>>
      %dma_wait3A_251 = arith.constant 0 : i32
      %dma_wait3A_252 = tpu.memref_slice %arg14[%add3A_244, %dma_wait3A_251] : memref<10240x128xf32, #tpu.memory_space<vmem_shared>> -> memref<128x128xf32, #tpu.memory_space<vmem_shared>>
      tpu.wait_dma2 semaphore(%run_scoped3A : memref<!tpu.dma_semaphore, #tpu.memory_space<semaphore_mem>>) src(%dma_wait3A_252 : memref<128x128xf32, #tpu.memory_space<vmem_shared>>) dst(%arg12 : memref<128x128xf32, #tpu.memory_space<vmem>>)
      tpu.yield
    }) : () -> ()
    "tpu.region"() ({
      %run_scoped3A = tpu.sem_alloc : memref<!tpu.dma_semaphore, #tpu.memory_space<semaphore_mem>>
      %dma_start3A_245 = arith.constant 0 : i32
      %dma_start3A_246 = tpu.memref_slice %arg6[%arg0, %add3A_244, %dma_start3A_245] : memref<2x10240x128xf32, #tpu.memory_space<hbm>> -> memref<1x128x128xf32, #tpu.memory_space<hbm>>
      %dma_start3A_247 = tpu.memref_squeeze %dma_start3A_246 : memref<1x128x128xf32, #tpu.memory_space<hbm>> -> memref<128x128xf32, #tpu.memory_space<hbm>>
      %dma_start3A_248 = arith.constant 0 : i32
      %dma_start3A_249 = tpu.memref_slice %arg6[%arg0, %add3A_244, %dma_start3A_248] : memref<2x10240x128xf32, #tpu.memory_space<hbm>> -> memref<1x128x128xf32, #tpu.memory_space<hbm>>
      %dma_start3A_250 = tpu.memref_squeeze %dma_start3A_249 : memref<1x128x128xf32, #tpu.memory_space<hbm>> -> memref<128x128xf32, #tpu.memory_space<hbm>>
      tpu.enqueue_dma source(%arg12 : memref<128x128xf32, #tpu.memory_space<vmem>>) target(%dma_start3A_250 : memref<128x128xf32, #tpu.memory_space<hbm>>) target_semaphore(%run_scoped3A : memref<!tpu.dma_semaphore, #tpu.memory_space<semaphore_mem>>)
      %dma_wait3A_251 = arith.constant 0 : i32
      %dma_wait3A_252 = tpu.memref_slice %arg6[%arg0, %add3A_244, %dma_wait3A_251] : memref<2x10240x128xf32, #tpu.memory_space<hbm>> -> memref<1x128x128xf32, #tpu.memory_space<hbm>>
      %dma_wait3A_253 = tpu.memref_squeeze %dma_wait3A_252 : memref<1x128x128xf32, #tpu.memory_space<hbm>> -> memref<128x128xf32, #tpu.memory_space<hbm>>
      %dma_wait3A_254 = arith.constant 0 : i32
      %dma_wait3A_255 = tpu.memref_slice %arg6[%arg0, %add3A_244, %dma_wait3A_254] : memref<2x10240x128xf32, #tpu.memory_space<hbm>> -> memref<1x128x128xf32, #tpu.memory_space<hbm>>
      %dma_wait3A_256 = tpu.memref_squeeze %dma_wait3A_255 : memref<1x128x128xf32, #tpu.memory_space<hbm>> -> memref<128x128xf32, #tpu.memory_space<hbm>>
      tpu.wait_dma2 semaphore(%run_scoped3A : memref<!tpu.dma_semaphore, #tpu.memory_space<semaphore_mem>>) src(%arg12 : memref<128x128xf32, #tpu.memory_space<vmem>>) dst(%dma_wait3A_256 : memref<128x128xf32, #tpu.memory_space<hbm>>)
      tpu.yield
    }) : () -> ()
    return
  }
}

module attributes {stable_mosaic.version = 14 : i64} {
  func.func @_enca_body(%arg0: i32, %arg1: memref<1024x128xf32, #tpu.memory_space<vmem>>, %arg2: memref<128x128xf32, #tpu.memory_space<vmem>>, %arg3: memref<1x128xf32, #tpu.memory_space<vmem>>, %arg4: memref<128x128xf32, #tpu.memory_space<vmem>>, %arg5: memref<1024x128xf32, #tpu.memory_space<vmem>>) attributes {dimension_semantics = [#tpu.dimension_semantics<arbitrary>], iteration_bounds = array<i64: 10>, scalar_prefetch = 0 : i64, scratch_operands = 0 : i64, tpu.core_type = #tpu.core_type<tc>, window_params = [{transform_indices = @transform_0, window_bounds = array<i64: 1024, 128>}, {pipeline_mode = #tpu.pipeline_mode<synchronous>, transform_indices = @transform_1, window_bounds = array<i64: 128, 128>}, {pipeline_mode = #tpu.pipeline_mode<synchronous>, transform_indices = @transform_2, window_bounds = array<i64: 1, 128>}, {pipeline_mode = #tpu.pipeline_mode<synchronous>, transform_indices = @transform_3, window_bounds = array<i64: 128, 128>}, {transform_indices = @transform_4, window_bounds = array<i64: 1024, 128>}]} {
    %get3A = arith.constant 0 : index
    %get3A_0 = arith.constant 0 : index
    %get3A_1 = vector.load %arg1[%get3A, %get3A_0] : memref<1024x128xf32, #tpu.memory_space<vmem>>, vector<1024x128xf32>
    %get3A_2 = arith.constant 0 : index
    %get3A_3 = arith.constant 0 : index
    %get3A_4 = vector.load %arg2[%get3A_2, %get3A_3] : memref<128x128xf32, #tpu.memory_space<vmem>>, vector<128x128xf32>
    %dot_general3A = arith.constant dense<0.000000e+00> : vector<1024x128xf32>
    %dot_general3A_5 = tpu.matmul %get3A_1, %get3A_4, %dot_general3A {dimension_numbers = #tpu.dot_dimension_numbers<[1], [0], [0], [1], [0, 0, 1, 1], [], []>, transpose_lhs_hint = false} : vector<1024x128xf32>, vector<128x128xf32>, vector<1024x128xf32> -> vector<1024x128xf32>
    %get3A_6 = arith.constant 0 : index
    %get3A_7 = arith.constant 0 : index
    %get3A_8 = vector.load %arg3[%get3A_6, %get3A_7] : memref<1x128xf32, #tpu.memory_space<vmem>>, vector<1x128xf32>
    %add3A = vector.broadcast %get3A_8 : vector<1x128xf32> to vector<1024x128xf32>
    %add3A_9 = arith.addf %dot_general3A_5, %add3A : vector<1024x128xf32>
    %get3A_10 = arith.constant 0 : index
    %get3A_11 = arith.constant 0 : index
    %get3A_12 = vector.load %arg4[%get3A_10, %get3A_11] : memref<128x128xf32, #tpu.memory_space<vmem>>, vector<128x128xf32>
    %dot_general3A_13 = arith.constant dense<0.000000e+00> : vector<1024x128xf32>
    %dot_general3A_14 = tpu.matmul %add3A_9, %get3A_12, %dot_general3A_13 {dimension_numbers = #tpu.dot_dimension_numbers<[1], [0], [0], [1], [0, 0, 1, 1], [], []>, transpose_lhs_hint = false} : vector<1024x128xf32>, vector<128x128xf32>, vector<1024x128xf32> -> vector<1024x128xf32>
    %swap3A = arith.constant 0 : index
    %swap3A_15 = arith.constant 0 : index
    %swap3A_16 = vector.load %arg5[%swap3A, %swap3A_15] : memref<1024x128xf32, #tpu.memory_space<vmem>>, vector<1024x128xf32>
    tpu.vector_store %arg5[%swap3A, %swap3A_15], %dot_general3A_14 {strides = array<i32>} : memref<1024x128xf32, #tpu.memory_space<vmem>>, vector<1024x128xf32>,
    return
  }
  func.func @transform_0(%arg0: i32) -> (i32, i32) {
    %c0_i32 = arith.constant 0 : i32
    %c0_i32_0 = arith.constant 0 : i32
    return %arg0, %c0_i32 : i32, i32
  }
  func.func @transform_1(%arg0: i32) -> (i32, i32) {
    %c0_i32 = arith.constant 0 : i32
    %c0_i32_0 = arith.constant 0 : i32
    %c0_i32_1 = arith.constant 0 : i32
    return %c0_i32, %c0_i32_0 : i32, i32
  }
  func.func @transform_2(%arg0: i32) -> (i32, i32) {
    %c0_i32 = arith.constant 0 : i32
    %c0_i32_0 = arith.constant 0 : i32
    %c0_i32_1 = arith.constant 0 : i32
    return %c0_i32, %c0_i32_0 : i32, i32
  }
  func.func @transform_3(%arg0: i32) -> (i32, i32) {
    %c0_i32 = arith.constant 0 : i32
    %c0_i32_0 = arith.constant 0 : i32
    %c0_i32_1 = arith.constant 0 : i32
    return %c0_i32, %c0_i32_0 : i32, i32
  }
  func.func @transform_4(%arg0: i32) -> (i32, i32) {
    %c0_i32 = arith.constant 0 : i32
    %c0_i32_0 = arith.constant 0 : i32
    return %arg0, %c0_i32 : i32, i32
  }
}

module attributes {stable_mosaic.version = 14 : i64} {
  func.func @_encb_body(%arg0: i32, %arg1: memref<1024x128xf32, #tpu.memory_space<vmem>>, %arg2: memref<1024x1xf32, #tpu.memory_space<vmem>>, %arg3: memref<1024x1xf32, #tpu.memory_space<vmem>>, %arg4: memref<1024x128xf32, #tpu.memory_space<vmem>>) attributes {dimension_semantics = [#tpu.dimension_semantics<arbitrary>], iteration_bounds = array<i64: 10>, scalar_prefetch = 0 : i64, scratch_operands = 0 : i64, tpu.core_type = #tpu.core_type<tc>, window_params = [{transform_indices = @transform_0, window_bounds = array<i64: 1024, 128>}, {transform_indices = @transform_1, window_bounds = array<i64: 1024, 1>}, {transform_indices = @transform_2, window_bounds = array<i64: 1024, 1>}, {transform_indices = @transform_3, window_bounds = array<i64: 1024, 128>}]} {
    %get3A = arith.constant 0 : index
    %get3A_0 = arith.constant 0 : index
    %get3A_1 = vector.load %arg2[%get3A, %get3A_0] : memref<1024x1xf32, #tpu.memory_space<vmem>>, vector<1024x1xf32>
    %get3A_2 = arith.constant 0 : index
    %get3A_3 = arith.constant 0 : index
    %get3A_4 = vector.load %arg3[%get3A_2, %get3A_3] : memref<1024x1xf32, #tpu.memory_space<vmem>>, vector<1024x1xf32>
    %add3A = arith.addf %get3A_1, %get3A_4 : vector<1024x1xf32>
    %add3A_5 = arith.constant 1.000000e+00 : f32
    %add3A_6 = vector.broadcast %add3A_5 : f32 to vector<1024x1xf32>
    %add3A_7 = arith.addf %add3A, %add3A_6 : vector<1024x1xf32>
    %max3A = arith.constant 1.000000e+00 : f32
    %max3A_8 = vector.broadcast %max3A : f32 to vector<1024x1xf32>
    %max3A_9 = arith.maximumf %add3A_7, %max3A_8 : vector<1024x1xf32>
    %rsqrt3A = math.rsqrt %max3A_9 : vector<1024x1xf32>
    %get3A_10 = arith.constant 0 : index
    %get3A_11 = arith.constant 0 : index
    %get3A_12 = vector.load %arg1[%get3A_10, %get3A_11] : memref<1024x128xf32, #tpu.memory_space<vmem>>, vector<1024x128xf32>
    %mul3A = vector.broadcast %rsqrt3A : vector<1024x1xf32> to vector<1024x128xf32>
    %mul3A_13 = arith.mulf %get3A_12, %mul3A : vector<1024x128xf32>
    %swap3A = arith.constant 0 : index
    %swap3A_14 = arith.constant 0 : index
    %swap3A_15 = vector.load %arg4[%swap3A, %swap3A_14] : memref<1024x128xf32, #tpu.memory_space<vmem>>, vector<1024x128xf32>
    tpu.vector_store %arg4[%swap3A, %swap3A_14], %mul3A_13 {strides = array<i32>} : memref<1024x128xf32, #tpu.memory_space<vmem>>, vector<1024x128xf32>,
    return
  }
  func.func @transform_0(%arg0: i32) -> (i32, i32) {
    %c0_i32 = arith.constant 0 : i32
    %c0_i32_0 = arith.constant 0 : i32
    return %arg0, %c0_i32 : i32, i32
  }
  func.func @transform_1(%arg0: i32) -> (i32, i32) {
    %c0_i32 = arith.constant 0 : i32
    %c0_i32_0 = arith.constant 0 : i32
    return %arg0, %c0_i32 : i32, i32
  }
  func.func @transform_2(%arg0: i32) -> (i32, i32) {
    %c0_i32 = arith.constant 0 : i32
    %c0_i32_0 = arith.constant 0 : i32
    return %arg0, %c0_i32 : i32, i32
  }
  func.func @transform_3(%arg0: i32) -> (i32, i32) {
    %c0_i32 = arith.constant 0 : i32
    %c0_i32_0 = arith.constant 0 : i32
    return %arg0, %c0_i32 : i32, i32
  }
}

module attributes {stable_mosaic.version = 14 : i64} {
  func.func @_mid_body(%arg0: i32, %arg1: memref<1x1024x128xf32, #tpu.memory_space<vmem>>, %arg2: memref<1x1024x128xf32, #tpu.memory_space<vmem>>, %arg3: memref<1024x128xf32, #tpu.memory_space<vmem>>, %arg4: memref<1024x1xf32, #tpu.memory_space<vmem>>, %arg5: memref<1024x1xf32, #tpu.memory_space<vmem>>, %arg6: memref<1x128xf32, #tpu.memory_space<vmem>>, %arg7: memref<1x128xf32, #tpu.memory_space<vmem>>, %arg8: memref<1x128xf32, #tpu.memory_space<vmem>>, %arg9: memref<128x128xf32, #tpu.memory_space<vmem>>, %arg10: memref<1024x128xf32, #tpu.memory_space<vmem>>) attributes {dimension_semantics = [#tpu.dimension_semantics<arbitrary>], iteration_bounds = array<i64: 10>, scalar_prefetch = 0 : i64, scratch_operands = 0 : i64, tpu.core_type = #tpu.core_type<tc>, window_params = [{transform_indices = @transform_0, window_bounds = array<i64: 1, 1024, 128>}, {transform_indices = @transform_1, window_bounds = array<i64: 1, 1024, 128>}, {transform_indices = @transform_2, window_bounds = array<i64: 1024, 128>}, {transform_indices = @transform_3, window_bounds = array<i64: 1024, 1>}, {transform_indices = @transform_4, window_bounds = array<i64: 1024, 1>}, {pipeline_mode = #tpu.pipeline_mode<synchronous>, transform_indices = @transform_5, window_bounds = array<i64: 1, 128>}, {pipeline_mode = #tpu.pipeline_mode<synchronous>, transform_indices = @transform_6, window_bounds = array<i64: 1, 128>}, {pipeline_mode = #tpu.pipeline_mode<synchronous>, transform_indices = @transform_7, window_bounds = array<i64: 1, 128>}, {pipeline_mode = #tpu.pipeline_mode<synchronous>, transform_indices = @transform_8, window_bounds = array<i64: 128, 128>}, {transform_indices = @transform_9, window_bounds = array<i64: 1024, 128>}]} {
    %get3A = arith.constant 0 : index
    %get3A_0 = arith.constant 0 : index
    %get3A_1 = vector.load %arg4[%get3A, %get3A_0] : memref<1024x1xf32, #tpu.memory_space<vmem>>, vector<1024x1xf32>
    %get3A_2 = arith.constant 0 : index
    %get3A_3 = arith.constant 0 : index
    %get3A_4 = vector.load %arg5[%get3A_2, %get3A_3] : memref<1024x1xf32, #tpu.memory_space<vmem>>, vector<1024x1xf32>
    %add3A = arith.addf %get3A_1, %get3A_4 : vector<1024x1xf32>
    %add3A_5 = arith.constant 1.000000e+00 : f32
    %add3A_6 = vector.broadcast %add3A_5 : f32 to vector<1024x1xf32>
    %add3A_7 = arith.addf %add3A, %add3A_6 : vector<1024x1xf32>
    %max3A = arith.constant 1.000000e+00 : f32
    %max3A_8 = vector.broadcast %max3A : f32 to vector<1024x1xf32>
    %max3A_9 = arith.maximumf %add3A_7, %max3A_8 : vector<1024x1xf32>
    %rsqrt3A = math.rsqrt %max3A_9 : vector<1024x1xf32>
    %get3A_10 = arith.constant 0 : index
    %get3A_11 = arith.constant 0 : index
    %get3A_12 = arith.constant 0 : index
    %get3A_13 = vector.load %arg1[%get3A_10, %get3A_11, %get3A_12] : memref<1x1024x128xf32, #tpu.memory_space<vmem>>, vector<1x1024x128xf32>
    %get3A_14 = vector.shape_cast %get3A_13 : vector<1x1024x128xf32> to vector<1024x128xf32>
    %get3A_15 = arith.constant 0 : index
    %get3A_16 = arith.constant 0 : index
    %get3A_17 = arith.constant 0 : index
    %get3A_18 = vector.load %arg2[%get3A_15, %get3A_16, %get3A_17] : memref<1x1024x128xf32, #tpu.memory_space<vmem>>, vector<1x1024x128xf32>
    %get3A_19 = vector.shape_cast %get3A_18 : vector<1x1024x128xf32> to vector<1024x128xf32>
    %add3A_20 = arith.addf %get3A_14, %get3A_19 : vector<1024x128xf32>
    %get3A_21 = arith.constant 0 : index
    %get3A_22 = arith.constant 0 : index
    %get3A_23 = vector.load %arg3[%get3A_21, %get3A_22] : memref<1024x128xf32, #tpu.memory_space<vmem>>, vector<1024x128xf32>
    %add3A_24 = arith.addf %add3A_20, %get3A_23 : vector<1024x128xf32>
    %mul3A = vector.broadcast %rsqrt3A : vector<1024x1xf32> to vector<1024x128xf32>
    %mul3A_25 = arith.mulf %add3A_24, %mul3A : vector<1024x128xf32>
    %get3A_26 = arith.constant 0 : index
    %get3A_27 = arith.constant 0 : index
    %get3A_28 = vector.load %arg6[%get3A_26, %get3A_27] : memref<1x128xf32, #tpu.memory_space<vmem>>, vector<1x128xf32>
    %add3A_29 = vector.broadcast %get3A_28 : vector<1x128xf32> to vector<1024x128xf32>
    %add3A_30 = arith.addf %mul3A_25, %add3A_29 : vector<1024x128xf32>
    %get3A_31 = arith.constant 0 : index
    %get3A_32 = arith.constant 0 : index
    %get3A_33 = vector.load %arg7[%get3A_31, %get3A_32] : memref<1x128xf32, #tpu.memory_space<vmem>>, vector<1x128xf32>
    %mul3A_34 = arith.constant 0.999994993 : f32
    %mul3A_35 = vector.broadcast %mul3A_34 : f32 to vector<1x128xf32>
    %mul3A_36 = arith.mulf %get3A_33, %mul3A_35 : vector<1x128xf32>
    %mul3A_37 = vector.broadcast %mul3A_36 : vector<1x128xf32> to vector<1024x128xf32>
    %mul3A_38 = arith.mulf %add3A_30, %mul3A_37 : vector<1024x128xf32>
    %get3A_39 = arith.constant 0 : index
    %get3A_40 = arith.constant 0 : index
    %get3A_41 = vector.load %arg8[%get3A_39, %get3A_40] : memref<1x128xf32, #tpu.memory_space<vmem>>, vector<1x128xf32>
    %add3A_42 = vector.broadcast %get3A_41 : vector<1x128xf32> to vector<1024x128xf32>
    %add3A_43 = arith.addf %mul3A_38, %add3A_42 : vector<1024x128xf32>
    %max3A_44 = arith.constant 0.000000e+00 : f32
    %max3A_45 = vector.broadcast %max3A_44 : f32 to vector<1024x128xf32>
    %max3A_46 = arith.maximumf %add3A_43, %max3A_45 : vector<1024x128xf32>
    %get3A_47 = arith.constant 0 : index
    %get3A_48 = arith.constant 0 : index
    %get3A_49 = vector.load %arg9[%get3A_47, %get3A_48] : memref<128x128xf32, #tpu.memory_space<vmem>>, vector<128x128xf32>
    %dot_general3A = arith.constant dense<0.000000e+00> : vector<1024x128xf32>
    %dot_general3A_50 = tpu.matmul %max3A_46, %get3A_49, %dot_general3A {dimension_numbers = #tpu.dot_dimension_numbers<[1], [0], [0], [1], [0, 0, 1, 1], [], []>, transpose_lhs_hint = false} : vector<1024x128xf32>, vector<128x128xf32>, vector<1024x128xf32> -> vector<1024x128xf32>
    %mul3A_51 = vector.broadcast %rsqrt3A : vector<1024x1xf32> to vector<1024x128xf32>
    %mul3A_52 = arith.mulf %dot_general3A_50, %mul3A_51 : vector<1024x128xf32>
    %swap3A = arith.constant 0 : index
    %swap3A_53 = arith.constant 0 : index
    %swap3A_54 = vector.load %arg10[%swap3A, %swap3A_53] : memref<1024x128xf32, #tpu.memory_space<vmem>>, vector<1024x128xf32>
    tpu.vector_store %arg10[%swap3A, %swap3A_53], %mul3A_52 {strides = array<i32>} : memref<1024x128xf32, #tpu.memory_space<vmem>>, vector<1024x128xf32>,
    return
  }
  func.func @transform_0(%arg0: i32) -> (i32, i32, i32) {
    %c0_i32 = arith.constant 0 : i32
    %c0_i32_0 = arith.constant 0 : i32
    %c0_i32_1 = arith.constant 0 : i32
    return %c0_i32, %arg0, %c0_i32_0 : i32, i32, i32
  }
  func.func @transform_1(%arg0: i32) -> (i32, i32, i32) {
    %c1_i32 = arith.constant 1 : i32
    %c0_i32 = arith.constant 0 : i32
    %c0_i32_0 = arith.constant 0 : i32
    return %c1_i32, %arg0, %c0_i32 : i32, i32, i32
  }
  func.func @transform_2(%arg0: i32) -> (i32, i32) {
    %c0_i32 = arith.constant 0 : i32
    %c0_i32_0 = arith.constant 0 : i32
    return %arg0, %c0_i32 : i32, i32
  }
  func.func @transform_3(%arg0: i32) -> (i32, i32) {
    %c0_i32 = arith.constant 0 : i32
    %c0_i32_0 = arith.constant 0 : i32
    return %arg0, %c0_i32 : i32, i32
  }
  func.func @transform_4(%arg0: i32) -> (i32, i32) {
    %c0_i32 = arith.constant 0 : i32
    %c0_i32_0 = arith.constant 0 : i32
    return %arg0, %c0_i32 : i32, i32
  }
  func.func @transform_5(%arg0: i32) -> (i32, i32) {
    %c0_i32 = arith.constant 0 : i32
    %c0_i32_0 = arith.constant 0 : i32
    %c0_i32_1 = arith.constant 0 : i32
    return %c0_i32, %c0_i32_0 : i32, i32
  }
  func.func @transform_6(%arg0: i32) -> (i32, i32) {
    %c0_i32 = arith.constant 0 : i32
    %c0_i32_0 = arith.constant 0 : i32
    %c0_i32_1 = arith.constant 0 : i32
    return %c0_i32, %c0_i32_0 : i32, i32
  }
  func.func @transform_7(%arg0: i32) -> (i32, i32) {
    %c0_i32 = arith.constant 0 : i32
    %c0_i32_0 = arith.constant 0 : i32
    %c0_i32_1 = arith.constant 0 : i32
    return %c0_i32, %c0_i32_0 : i32, i32
  }
  func.func @transform_8(%arg0: i32) -> (i32, i32) {
    %c0_i32 = arith.constant 0 : i32
    %c0_i32_0 = arith.constant 0 : i32
    %c0_i32_1 = arith.constant 0 : i32
    return %c0_i32, %c0_i32_0 : i32, i32
  }
  func.func @transform_9(%arg0: i32) -> (i32, i32) {
    %c0_i32 = arith.constant 0 : i32
    %c0_i32_0 = arith.constant 0 : i32
    return %arg0, %c0_i32 : i32, i32
  }
}

module attributes {stable_mosaic.version = 14 : i64} {
  func.func @_fin_body(%arg0: i32, %arg1: memref<1x1024x128xf32, #tpu.memory_space<vmem>>, %arg2: memref<1x1024x128xf32, #tpu.memory_space<vmem>>, %arg3: memref<1024x128xf32, #tpu.memory_space<vmem>>, %arg4: memref<1024x1xf32, #tpu.memory_space<vmem>>, %arg5: memref<1024x1xf32, #tpu.memory_space<vmem>>, %arg6: memref<1x128xf32, #tpu.memory_space<vmem>>, %arg7: memref<1x128xf32, #tpu.memory_space<vmem>>, %arg8: memref<1x128xf32, #tpu.memory_space<vmem>>, %arg9: memref<1024x1xi32, #tpu.memory_space<vmem>>, %arg10: memref<128x64xf32, #tpu.memory_space<vmem>>, %arg11: memref<1x64xf32, #tpu.memory_space<vmem>>, %arg12: memref<64x1xf32, #tpu.memory_space<vmem>>, %arg13: memref<1x1xf32, #tpu.memory_space<vmem>>, %arg14: memref<64x1xf32, #tpu.memory_space<vmem>>, %arg15: memref<64x128xf32, #tpu.memory_space<vmem>>, %arg16: memref<64x128xf32, #tpu.memory_space<vmem>>) attributes {dimension_semantics = [#tpu.dimension_semantics<arbitrary>], iteration_bounds = array<i64: 10>, scalar_prefetch = 0 : i64, scratch_operands = 2 : i64, tpu.core_type = #tpu.core_type<tc>, window_params = [{transform_indices = @transform_0, window_bounds = array<i64: 1, 1024, 128>}, {transform_indices = @transform_1, window_bounds = array<i64: 1, 1024, 128>}, {transform_indices = @transform_2, window_bounds = array<i64: 1024, 128>}, {transform_indices = @transform_3, window_bounds = array<i64: 1024, 1>}, {transform_indices = @transform_4, window_bounds = array<i64: 1024, 1>}, {pipeline_mode = #tpu.pipeline_mode<synchronous>, transform_indices = @transform_5, window_bounds = array<i64: 1, 128>}, {pipeline_mode = #tpu.pipeline_mode<synchronous>, transform_indices = @transform_6, window_bounds = array<i64: 1, 128>}, {pipeline_mode = #tpu.pipeline_mode<synchronous>, transform_indices = @transform_7, window_bounds = array<i64: 1, 128>}, {transform_indices = @transform_8, window_bounds = array<i64: 1024, 1>}, {pipeline_mode = #tpu.pipeline_mode<synchronous>, transform_indices = @transform_9, window_bounds = array<i64: 128, 64>}, {pipeline_mode = #tpu.pipeline_mode<synchronous>, transform_indices = @transform_10, window_bounds = array<i64: 1, 64>}, {pipeline_mode = #tpu.pipeline_mode<synchronous>, transform_indices = @transform_11, window_bounds = array<i64: 64, 1>}, {pipeline_mode = #tpu.pipeline_mode<synchronous>, transform_indices = @transform_12, window_bounds = array<i64: 1, 1>}, {pipeline_mode = #tpu.pipeline_mode<synchronous>, transform_indices = @transform_13, window_bounds = array<i64: 64, 1>}]} {
    %get3A = arith.constant 0 : index
    %get3A_0 = arith.constant 0 : index
    %get3A_1 = vector.load %arg4[%get3A, %get3A_0] : memref<1024x1xf32, #tpu.memory_space<vmem>>, vector<1024x1xf32>
    %get3A_2 = arith.constant 0 : index
    %get3A_3 = arith.constant 0 : index
    %get3A_4 = vector.load %arg5[%get3A_2, %get3A_3] : memref<1024x1xf32, #tpu.memory_space<vmem>>, vector<1024x1xf32>
    %add3A = arith.addf %get3A_1, %get3A_4 : vector<1024x1xf32>
    %add3A_5 = arith.constant 1.000000e+00 : f32
    %add3A_6 = vector.broadcast %add3A_5 : f32 to vector<1024x1xf32>
    %add3A_7 = arith.addf %add3A, %add3A_6 : vector<1024x1xf32>
    %max3A = arith.constant 1.000000e+00 : f32
    %max3A_8 = vector.broadcast %max3A : f32 to vector<1024x1xf32>
    %max3A_9 = arith.maximumf %add3A_7, %max3A_8 : vector<1024x1xf32>
    %rsqrt3A = math.rsqrt %max3A_9 : vector<1024x1xf32>
    %get3A_10 = arith.constant 0 : index
    %get3A_11 = arith.constant 0 : index
    %get3A_12 = arith.constant 0 : index
    %get3A_13 = vector.load %arg1[%get3A_10, %get3A_11, %get3A_12] : memref<1x1024x128xf32, #tpu.memory_space<vmem>>, vector<1x1024x128xf32>
    %get3A_14 = vector.shape_cast %get3A_13 : vector<1x1024x128xf32> to vector<1024x128xf32>
    %get3A_15 = arith.constant 0 : index
    %get3A_16 = arith.constant 0 : index
    %get3A_17 = arith.constant 0 : index
    %get3A_18 = vector.load %arg2[%get3A_15, %get3A_16, %get3A_17] : memref<1x1024x128xf32, #tpu.memory_space<vmem>>, vector<1x1024x128xf32>
    %get3A_19 = vector.shape_cast %get3A_18 : vector<1x1024x128xf32> to vector<1024x128xf32>
    %add3A_20 = arith.addf %get3A_14, %get3A_19 : vector<1024x128xf32>
    %get3A_21 = arith.constant 0 : index
    %get3A_22 = arith.constant 0 : index
    %get3A_23 = vector.load %arg3[%get3A_21, %get3A_22] : memref<1024x128xf32, #tpu.memory_space<vmem>>, vector<1024x128xf32>
    %add3A_24 = arith.addf %add3A_20, %get3A_23 : vector<1024x128xf32>
    %mul3A = vector.broadcast %rsqrt3A : vector<1024x1xf32> to vector<1024x128xf32>
    %mul3A_25 = arith.mulf %add3A_24, %mul3A : vector<1024x128xf32>
    %get3A_26 = arith.constant 0 : index
    %get3A_27 = arith.constant 0 : index
    %get3A_28 = vector.load %arg6[%get3A_26, %get3A_27] : memref<1x128xf32, #tpu.memory_space<vmem>>, vector<1x128xf32>
    %add3A_29 = vector.broadcast %get3A_28 : vector<1x128xf32> to vector<1024x128xf32>
    %add3A_30 = arith.addf %mul3A_25, %add3A_29 : vector<1024x128xf32>
    %get3A_31 = arith.constant 0 : index
    %get3A_32 = arith.constant 0 : index
    %get3A_33 = vector.load %arg7[%get3A_31, %get3A_32] : memref<1x128xf32, #tpu.memory_space<vmem>>, vector<1x128xf32>
    %mul3A_34 = arith.constant 0.999994993 : f32
    %mul3A_35 = vector.broadcast %mul3A_34 : f32 to vector<1x128xf32>
    %mul3A_36 = arith.mulf %get3A_33, %mul3A_35 : vector<1x128xf32>
    %mul3A_37 = vector.broadcast %mul3A_36 : vector<1x128xf32> to vector<1024x128xf32>
    %mul3A_38 = arith.mulf %add3A_30, %mul3A_37 : vector<1024x128xf32>
    %get3A_39 = arith.constant 0 : index
    %get3A_40 = arith.constant 0 : index
    %get3A_41 = vector.load %arg8[%get3A_39, %get3A_40] : memref<1x128xf32, #tpu.memory_space<vmem>>, vector<1x128xf32>
    %add3A_42 = vector.broadcast %get3A_41 : vector<1x128xf32> to vector<1024x128xf32>
    %add3A_43 = arith.addf %mul3A_38, %add3A_42 : vector<1024x128xf32>
    %max3A_44 = arith.constant 0.000000e+00 : f32
    %max3A_45 = vector.broadcast %max3A_44 : f32 to vector<1024x128xf32>
    %max3A_46 = arith.maximumf %add3A_43, %max3A_45 : vector<1024x128xf32>
    %iota3A = tpu.iota {dimensions = array<i32: 1>} : vector<1024x64xi32>
    %get3A_47 = arith.constant 0 : index
    %get3A_48 = arith.constant 0 : index
    %get3A_49 = vector.load %arg9[%get3A_47, %get3A_48] : memref<1024x1xi32, #tpu.memory_space<vmem>>, vector<1024x1xi32>
    %eq3A = vector.broadcast %get3A_49 : vector<1024x1xi32> to vector<1024x64xi32>
    %eq3A_50 = arith.cmpi eq, %eq3A, %iota3A : vector<1024x64xi32>
    %convert_element_type3A = arith.extui %eq3A_50 : vector<1024x64xi1> to vector<1024x64xi32>
    %convert_element_type3A_51 = arith.sitofp %convert_element_type3A : vector<1024x64xi32> to vector<1024x64xf32>
    %dot_general3A = arith.constant dense<0.000000e+00> : vector<64x128xf32>
    %dot_general3A_52 = tpu.matmul %convert_element_type3A_51, %max3A_46, %dot_general3A {dimension_numbers = #tpu.dot_dimension_numbers<[0], [0], [1], [1], [0, 1, 1, 1], [], []>, transpose_lhs_hint = false} : vector<1024x64xf32>, vector<1024x128xf32>, vector<64x128xf32> -> vector<64x128xf32>
    %broadcast_in_dim3A = arith.constant 1.000000e+00 : f32
    %broadcast_in_dim3A_53 = vector.broadcast %broadcast_in_dim3A : f32 to vector<1024x128xf32>
    %dot_general3A_54 = arith.constant dense<0.000000e+00> : vector<64x128xf32>
    %dot_general3A_55 = tpu.matmul %convert_element_type3A_51, %broadcast_in_dim3A_53, %dot_general3A_54 {dimension_numbers = #tpu.dot_dimension_numbers<[0], [0], [1], [1], [0, 1, 1, 1], [], []>, transpose_lhs_hint = false} : vector<1024x64xf32>, vector<1024x128xf32>, vector<64x128xf32> -> vector<64x128xf32>
    %eq3A_56 = arith.constant 0 : i32
    %eq3A_57 = arith.cmpi eq, %arg0, %eq3A_56 : i32
    %convert_element_type3A_58 = arith.extui %eq3A_57 : i1 to i32
    %cond3A = arith.constant 0 : i32
    %cond3A_59 = arith.cmpi ne, %convert_element_type3A_58, %cond3A : i32
    scf.if %cond3A_59 {
      %broadcast_in_dim3A_78 = arith.constant 0.000000e+00 : f32
      %broadcast_in_dim3A_79 = vector.broadcast %broadcast_in_dim3A_78 : f32 to vector<64x128xf32>
      %swap3A_80 = arith.constant 0 : index
      %swap3A_81 = arith.constant 0 : index
      %swap3A_82 = vector.load %arg15[%swap3A_80, %swap3A_81] : memref<64x128xf32, #tpu.memory_space<vmem>>, vector<64x128xf32>
      tpu.vector_store %arg15[%swap3A_80, %swap3A_81], %broadcast_in_dim3A_79 {strides = array<i32>} : memref<64x128xf32, #tpu.memory_space<vmem>>, vector<64x128xf32>,
      %broadcast_in_dim3A_83 = arith.constant 0.000000e+00 : f32
      %broadcast_in_dim3A_84 = vector.broadcast %broadcast_in_dim3A_83 : f32 to vector<64x128xf32>
      %swap3A_85 = arith.constant 0 : index
      %swap3A_86 = arith.constant 0 : index
      %swap3A_87 = vector.load %arg16[%swap3A_85, %swap3A_86] : memref<64x128xf32, #tpu.memory_space<vmem>>, vector<64x128xf32>
      tpu.vector_store %arg16[%swap3A_85, %swap3A_86], %broadcast_in_dim3A_84 {strides = array<i32>} : memref<64x128xf32, #tpu.memory_space<vmem>>, vector<64x128xf32>,
    } else {
    }
    %get3A_60 = arith.constant 0 : index
    %get3A_61 = arith.constant 0 : index
    %get3A_62 = vector.load %arg15[%get3A_60, %get3A_61] : memref<64x128xf32, #tpu.memory_space<vmem>>, vector<64x128xf32>
    %add3A_63 = arith.addf %get3A_62, %dot_general3A_52 : vector<64x128xf32>
    %swap3A = arith.constant 0 : index
    %swap3A_64 = arith.constant 0 : index
    %swap3A_65 = vector.load %arg15[%swap3A, %swap3A_64] : memref<64x128xf32, #tpu.memory_space<vmem>>, vector<64x128xf32>
    tpu.vector_store %arg15[%swap3A, %swap3A_64], %add3A_63 {strides = array<i32>} : memref<64x128xf32, #tpu.memory_space<vmem>>, vector<64x128xf32>,
    %get3A_66 = arith.constant 0 : index
    %get3A_67 = arith.constant 0 : index
    %get3A_68 = vector.load %arg16[%get3A_66, %get3A_67] : memref<64x128xf32, #tpu.memory_space<vmem>>, vector<64x128xf32>
    %add3A_69 = arith.addf %get3A_68, %dot_general3A_55 : vector<64x128xf32>
    %swap3A_70 = arith.constant 0 : index
    %swap3A_71 = arith.constant 0 : index
    %swap3A_72 = vector.load %arg16[%swap3A_70, %swap3A_71] : memref<64x128xf32, #tpu.memory_space<vmem>>, vector<64x128xf32>
    tpu.vector_store %arg16[%swap3A_70, %swap3A_71], %add3A_69 {strides = array<i32>} : memref<64x128xf32, #tpu.memory_space<vmem>>, vector<64x128xf32>,
    %eq3A_73 = arith.constant 9 : i32
    %eq3A_74 = arith.cmpi eq, %arg0, %eq3A_73 : i32
    %convert_element_type3A_75 = arith.extui %eq3A_74 : i1 to i32
    %cond3A_76 = arith.constant 0 : i32
    %cond3A_77 = arith.cmpi ne, %convert_element_type3A_75, %cond3A_76 : i32
    scf.if %cond3A_77 {
      %get3A_78 = arith.constant 0 : index
      %get3A_79 = arith.constant 0 : index
      %get3A_80 = vector.load %arg15[%get3A_78, %get3A_79] : memref<64x128xf32, #tpu.memory_space<vmem>>, vector<64x128xf32>
      %get3A_81 = arith.constant 0 : index
      %get3A_82 = arith.constant 0 : index
      %get3A_83 = vector.load %arg16[%get3A_81, %get3A_82] : memref<64x128xf32, #tpu.memory_space<vmem>>, vector<64x128xf32>
      %max3A_84 = arith.constant 1.000000e+00 : f32
      %max3A_85 = vector.broadcast %max3A_84 : f32 to vector<64x128xf32>
      %max3A_86 = arith.maximumf %get3A_83, %max3A_85 : vector<64x128xf32>
      %div3A = arith.divf %get3A_80, %max3A_86 : vector<64x128xf32>
      %get3A_87 = arith.constant 0 : index
      %get3A_88 = arith.constant 0 : index
      %get3A_89 = vector.load %arg10[%get3A_87, %get3A_88] : memref<128x64xf32, #tpu.memory_space<vmem>>, vector<128x64xf32>
      %dot_general3A_90 = arith.constant dense<0.000000e+00> : vector<64x64xf32>
      %dot_general3A_91 = tpu.matmul %div3A, %get3A_89, %dot_general3A_90 {dimension_numbers = #tpu.dot_dimension_numbers<[1], [0], [0], [1], [0, 0, 1, 1], [], []>, transpose_lhs_hint = false} : vector<64x128xf32>, vector<128x64xf32>, vector<64x64xf32> -> vector<64x64xf32>
      %get3A_92 = arith.constant 0 : index
      %get3A_93 = arith.constant 0 : index
      %get3A_94 = vector.load %arg11[%get3A_92, %get3A_93] : memref<1x64xf32, #tpu.memory_space<vmem>>, vector<1x64xf32>
      %add3A_95 = vector.broadcast %get3A_94 : vector<1x64xf32> to vector<64x64xf32>
      %add3A_96 = arith.addf %dot_general3A_91, %add3A_95 : vector<64x64xf32>
      %max3A_97 = arith.constant 0.000000e+00 : f32
      %max3A_98 = vector.broadcast %max3A_97 : f32 to vector<64x64xf32>
      %max3A_99 = arith.maximumf %add3A_96, %max3A_98 : vector<64x64xf32>
      %get3A_100 = arith.constant 0 : index
      %get3A_101 = arith.constant 0 : index
      %get3A_102 = vector.load %arg12[%get3A_100, %get3A_101] : memref<64x1xf32, #tpu.memory_space<vmem>>, vector<64x1xf32>
      %dot_general3A_103 = arith.constant dense<0.000000e+00> : vector<64x1xf32>
      %dot_general3A_104 = tpu.matmul %max3A_99, %get3A_102, %dot_general3A_103 {dimension_numbers = #tpu.dot_dimension_numbers<[1], [0], [0], [1], [0, 0, 1, 1], [], []>, transpose_lhs_hint = false} : vector<64x64xf32>, vector<64x1xf32>, vector<64x1xf32> -> vector<64x1xf32>
      %get3A_105 = arith.constant 0 : index
      %get3A_106 = arith.constant 0 : index
      %get3A_107 = vector.load %arg13[%get3A_105, %get3A_106] : memref<1x1xf32, #tpu.memory_space<vmem>>, vector<1x1xf32>
      %add3A_108 = vector.broadcast %get3A_107 : vector<1x1xf32> to vector<64x1xf32>
      %add3A_109 = arith.addf %dot_general3A_104, %add3A_108 : vector<64x1xf32>
      %neg3A = arith.constant 0.000000e+00 : f32
      %neg3A_110 = vector.broadcast %neg3A : f32 to vector<64x1xf32>
      %neg3A_111 = arith.subf %neg3A_110, %add3A_109 : vector<64x1xf32>
      %exp3A = math.exp %neg3A_111 : vector<64x1xf32>
      %add3A_112 = arith.constant 1.000000e+00 : f32
      %add3A_113 = vector.broadcast %add3A_112 : f32 to vector<64x1xf32>
      %add3A_114 = arith.addf %add3A_113, %exp3A : vector<64x1xf32>
      %div3A_115 = arith.constant 1.000000e+00 : f32
      %div3A_116 = vector.broadcast %div3A_115 : f32 to vector<64x1xf32>
      %div3A_117 = arith.divf %div3A_116, %add3A_114 : vector<64x1xf32>
      %swap3A_118 = arith.constant 0 : index
      %swap3A_119 = arith.constant 0 : index
      %swap3A_120 = vector.load %arg14[%swap3A_118, %swap3A_119] : memref<64x1xf32, #tpu.memory_space<vmem>>, vector<64x1xf32>
      tpu.vector_store %arg14[%swap3A_118, %swap3A_119], %div3A_117 {strides = array<i32>} : memref<64x1xf32, #tpu.memory_space<vmem>>, vector<64x1xf32>,
    } else {
    }
    return
  }
  func.func @transform_0(%arg0: i32) -> (i32, i32, i32) {
    %c0_i32 = arith.constant 0 : i32
    %c0_i32_0 = arith.constant 0 : i32
    %c0_i32_1 = arith.constant 0 : i32
    return %c0_i32, %arg0, %c0_i32_0 : i32, i32, i32
  }
  func.func @transform_1(%arg0: i32) -> (i32, i32, i32) {
    %c1_i32 = arith.constant 1 : i32
    %c0_i32 = arith.constant 0 : i32
    %c0_i32_0 = arith.constant 0 : i32
    return %c1_i32, %arg0, %c0_i32 : i32, i32, i32
  }
  func.func @transform_2(%arg0: i32) -> (i32, i32) {
    %c0_i32 = arith.constant 0 : i32
    %c0_i32_0 = arith.constant 0 : i32
    return %arg0, %c0_i32 : i32, i32
  }
  func.func @transform_3(%arg0: i32) -> (i32, i32) {
    %c0_i32 = arith.constant 0 : i32
    %c0_i32_0 = arith.constant 0 : i32
    return %arg0, %c0_i32 : i32, i32
  }
  func.func @transform_4(%arg0: i32) -> (i32, i32) {
    %c0_i32 = arith.constant 0 : i32
    %c0_i32_0 = arith.constant 0 : i32
    return %arg0, %c0_i32 : i32, i32
  }
  func.func @transform_5(%arg0: i32) -> (i32, i32) {
    %c0_i32 = arith.constant 0 : i32
    %c0_i32_0 = arith.constant 0 : i32
    %c0_i32_1 = arith.constant 0 : i32
    return %c0_i32, %c0_i32_0 : i32, i32
  }
  func.func @transform_6(%arg0: i32) -> (i32, i32) {
    %c0_i32 = arith.constant 0 : i32
    %c0_i32_0 = arith.constant 0 : i32
    %c0_i32_1 = arith.constant 0 : i32
    return %c0_i32, %c0_i32_0 : i32, i32
  }
  func.func @transform_7(%arg0: i32) -> (i32, i32) {
    %c0_i32 = arith.constant 0 : i32
    %c0_i32_0 = arith.constant 0 : i32
    %c0_i32_1 = arith.constant 0 : i32
    return %c0_i32, %c0_i32_0 : i32, i32
  }
  func.func @transform_8(%arg0: i32) -> (i32, i32) {
    %c0_i32 = arith.constant 0 : i32
    %c0_i32_0 = arith.constant 0 : i32
    return %arg0, %c0_i32 : i32, i32
  }
  func.func @transform_9(%arg0: i32) -> (i32, i32) {
    %c0_i32 = arith.constant 0 : i32
    %c0_i32_0 = arith.constant 0 : i32
    %c0_i32_1 = arith.constant 0 : i32
    return %c0_i32, %c0_i32_0 : i32, i32
  }
  func.func @transform_10(%arg0: i32) -> (i32, i32) {
    %c0_i32 = arith.constant 0 : i32
    %c0_i32_0 = arith.constant 0 : i32
    %c0_i32_1 = arith.constant 0 : i32
    return %c0_i32, %c0_i32_0 : i32, i32
  }
  func.func @transform_11(%arg0: i32) -> (i32, i32) {
    %c0_i32 = arith.constant 0 : i32
    %c0_i32_0 = arith.constant 0 : i32
    %c0_i32_1 = arith.constant 0 : i32
    return %c0_i32, %c0_i32_0 : i32, i32
  }
  func.func @transform_12(%arg0: i32) -> (i32, i32) {
    %c0_i32 = arith.constant 0 : i32
    %c0_i32_0 = arith.constant 0 : i32
    %c0_i32_1 = arith.constant 0 : i32
    return %c0_i32, %c0_i32_0 : i32, i32
  }
  func.func @transform_13(%arg0: i32) -> (i32, i32) {
    %c0_i32 = arith.constant 0 : i32
    %c0_i32_0 = arith.constant 0 : i32
    %c0_i32_1 = arith.constant 0 : i32
    return %c0_i32, %c0_i32_0 : i32, i32
  }
}

</mosaic_0001>

<sc_bundles>
// kernel: kernel.12.cloned.1.call-start
scs
__scs_entry_jumppad:
0x0: {  	(pc) =	sbr.rel $0x88, $3  }
0x1: {  	(tag) =	ssettag $0x0;
	lr =	simm.s32 $0x1  }
0x2: {  	[smem:$0x3F90] =	sst lr;
	_ =	strace $0xD0000000  }
0x3: {  	_ = 	snop  }
0x4: {  	_ = 	snop  }
0x5: {  	_ = 	snop  }
0x6: {  	_ = 	snop  }
0x7: {  	_ = 	snop  }
__scs_overlays_trampoline_lowered:
0x8: {  	[smem:$0x3F9F] =	sst s0  }
0x9: {  	[smem:$0x3FA0] =	sst s1  }
0xa: {  	[smem:$0x3FA1] =	sst s2  }
0xb: {  	[smem:$0x3FA2] =	sst s3  }
0xc: {  	[smem:$0x3FA3] =	sst s4  }
0xd: {  	[smem:$0x3FA4] =	sst s5  }
0xe: {  	[smem:$0x3FA5] =	sst s6  }
0xf: {  	[smem:$0x3FA6] =	sst s7  }
0x10: {  	[smem:$0x3FA7] =	sst s8  }
0x11: {  	[smem:$0x3FA8] =	sst s9;
	s0 =	simm.s32 @!p0 $0x0  }
0x12: {  	s1 =	sld [smem:$0x3F8E];
	s0 =	simm.s32 @p0 $0x1  }
0x13: {  	[smem:$0x3FA9] =	sst s0;
	s0 =	simm.s32 @!p1 $0x0  }
0x14: {  	s2 =	sld [smem:$0x3F8D];
	s0 =	simm.s32 @p1 $0x1  }
0x15: {  	[smem:$0x3FAA] =	sst s0;
	s0 =	simm.s32 @!p2 $0x0  }
0x16: {  	s3 =	sld [smem:$0x3FDB];
	s0 =	simm.s32 @p2 $0x1  }
0x17: {  	s4 =	simm.s32 $0x1BF5;
	[smem:$0x3FAC] =	sst s0  }
0x18: {  	s0 =	sld [smem:$0x3F8F];
	_ =	swait.ge [sflag:s4], $0x0  }
0x19: {  	s7 =	sld [smem:$0x3F90]  }
0x1a: {  	s8 =	sadd.s32 $0xFFFFE003, lr  }
0x1b: {  	s9 =	sadd.s32 $0xFFFFFEF7, lr;
	s5 =	simm.s32 $0xFFFFFFFF;
	p2 =	slt.u32 s8, $0xFFFFF086  }
0x1c: {  	p1 =	slt.u32 s9, $0xF7A;
	s5 =	simm.s32 @!p2 $0x0  }
0x1d: {  	s5 =	simm.s32 @p1 $0x1;
	p0 =	seq.s32 s7, s2  }
0x1e: {  	s7 =	smul.u32 @!p0 $0xF7A, s2;
	p2 =	seq.s32 @!p0 s5, $0x0  }
0x1f: {  	s9 =	smul.u32 $0xF7A, s1;
	s8 =	simm.s32 @!p0 $0x1BF5;
	p2 =	por !p2, p0  }
0x20: {  	[sflag:s8] =	ssyncset.s32 @!p0 $0xFFFFF086;
	s6 =	sadd.s32 @!p0 s3, s7;
	s7 =	simm.s32 @!p0 $0x108  }
0x21: {  	s3 =	sadd.s32 s3, s9;
	s6 =	sadd.s32 @!p0 $0x88, s6;
	s7 =	simm.s32 @p2 $0x1082  }
0x22: {  	[simem:s7], [sflag:s8] =	dma.local @!p0 [hbm:s6], $0xF7A  }
0x23: {  	s9 =	sor.u32 $0xD0000000, s2;
	s6 =	simm.s32 $0x108;
	_ =	swait.ge @!p0 [sflag:s8], $0x0  }
0x24: {  	s3 =	sadd.s32 $0x88, s3;
	s6 =	simm.s32 @!p1 $0x1082;
	[sflag:s4] =	ssyncset.s32 $0xFFFFF086  }
0x25: {  	[simem:s6], [sflag:s4] =	dma.local [hbm:s3], $0xF7A  }
0x26: {  	[smem:$0x3F90] =	sst s1;
	(tag) =	ssettag s2;
	_ =	strace s9  }
0x27: {  	s1 =	sld [smem:$0x3FA0]  }
0x28: {  	s2 =	sld [smem:$0x3FA1]  }
0x29: {  	s4 =	sld [smem:$0x3FA3]  }
0x2a: {  	p0 =	seq.s32 s5, $0x0;
	s5 =	sld [smem:$0x3FA4]  }
0x2b: {  	s6 =	sld [smem:$0x3FA5]  }
0x2c: {  	s7 =	sld [smem:$0x3FA6]  }
0x2d: {  	s3 =	simm.s32 $0x108;
	s8 =	sld [smem:$0x3FA7]  }
0x2e: {  	s3 =	simm.s32 @!p0 $0x1082;
	s9 =	sld [smem:$0x3FA8]  }
0x2f: {  	lr =	sadd.s32 s0, s3;
	s0 =	sld [smem:$0x3F9F]  }
0x30: {  	s3 =	sld [smem:$0x3FA2]  }
0x31: {  	[smem:$0x3FAB] =	sst s10  }
0x32: {  	s10 =	sld [smem:$0x3FA9];
	_ =	sdelay $0x3  }
0x33: {  	p0 =	seq.s32 s10, $0x1;
	s10 =	sld [smem:$0x3FAB];
	_ =	sdelay $0x3  }
0x34: {  	[smem:$0x3FAB] =	sst s10  }
0x35: {  	s10 =	sld [smem:$0x3FAA];
	_ =	sdelay $0x3  }
0x36: {  	p1 =	seq.s32 s10, $0x1;
	s10 =	sld [smem:$0x3FAB];
	_ =	sdelay $0x3  }
0x37: {  	[smem:$0x3FAB] =	sst s10  }
0x38: {  	s10 =	sld [smem:$0x3FAC]  }
0x39: {  	_ = 	snop;
	(pc) =	sbr.ind lr, $3  }
0x3a: {  	_ = 	snop  }
0x3b: {  	_ = 	snop  }
0x3c: {  	p2 =	seq.s32 s10, $0x1;
	s10 =	sld [smem:$0x3FAB]  }
0x3d: {  	_ =	shalt  }
0x3e: {  	_ =	shalt  }
0x3f: {  	_ =	shalt  }
0x40: {  	_ =	shalt  }
0x41: {  	_ =	shalt  }
0x42: {  	_ =	shalt  }
0x43: {  	_ =	shalt  }
0x44: {  	_ =	shalt  }
0x45: {  	_ =	shalt  }
0x46: {  	_ =	shalt  }
0x47: {  	_ =	shalt  }
0x48: {  	_ =	shalt  }
0x49: {  	_ =	shalt  }
0x4a: {  	_ =	shalt  }
0x4b: {  	_ =	shalt  }
0x4c: {  	_ =	shalt  }
0x4d: {  	_ =	shalt  }
0x4e: {  	_ =	shalt  }
0x4f: {  	_ =	shalt  }
0x50: {  	_ =	shalt  }
0x51: {  	_ =	shalt  }
0x52: {  	_ =	shalt  }
0x53: {  	_ =	shalt  }
0x54: {  	_ =	shalt  }
0x55: {  	_ =	shalt  }
0x56: {  	_ =	shalt  }
0x57: {  	_ =	shalt  }
0x58: {  	_ =	shalt  }
0x59: {  	_ =	shalt  }
0x5a: {  	_ =	shalt  }
0x5b: {  	_ =	shalt  }
0x5c: {  	_ =	shalt  }
0x5d: {  	_ =	shalt  }
0x5e: {  	_ =	shalt  }
0x5f: {  	_ =	shalt  }
0x60: {  	_ =	shalt  }
0x61: {  	_ =	shalt  }
0x62: {  	_ =	shalt  }
0x63: {  	_ =	shalt  }
0x64: {  	_ =	shalt  }
0x65: {  	_ =	shalt  }
0x66: {  	_ =	shalt  }
0x67: {  	_ =	shalt  }
0x68: {  	_ =	shalt  }
0x69: {  	_ =	shalt  }
0x6a: {  	_ =	shalt  }
0x6b: {  	_ =	shalt  }
0x6c: {  	_ =	shalt  }
0x6d: {  	_ =	shalt  }
0x6e: {  	_ =	shalt  }
0x6f: {  	_ =	shalt  }
0x70: {  	_ =	shalt  }
0x71: {  	_ =	shalt  }
0x72: {  	_ =	shalt  }
0x73: {  	_ =	shalt  }
0x74: {  	_ =	shalt  }
0x75: {  	_ =	shalt  }
0x76: {  	_ =	shalt  }
0x77: {  	_ =	shalt  }
0x78: {  	_ =	shalt  }
0x79: {  	_ =	shalt  }
0x7a: {  	_ =	shalt  }
0x7b: {  	_ =	shalt  }
0x7c: {  	_ =	shalt  }
0x7d: {  	_ =	shalt  }
0x7e: {  	_ =	shalt  }
0x7f: {  	_ =	shalt  }
0x80: {  	_ =	shalt  }
0x81: {  	_ =	shalt  }
0x82: {  	_ =	shalt  }
0x83: {  	_ =	shalt  }
0x84: {  	_ =	shalt  }
0x85: {  	_ =	shalt  }
0x86: {  	_ =	shalt  }
0x87: {  	_ =	shalt  }
.Lfunc_end0:
.L_simem_size_0:
called_computation.1_lowered:
.L_overlay_start_0:
0x88: {  	s2 =	sld [smem:$0x3FD9]  }
0x89: {  	s3 =	sld [smem:$0x3FFE];
	_ =	sdelay $0x1  }
0x8a: {  	s1 =	srdreg.scid  }
0x8b: {  	s0 =	sand.u32 $0x1, s1  }
0x8c: {  	s16 =	sshll.u32 s0, $0xA;
	s2 =	sadd.s32 s3, s2  }
0x8d: {  	s2 =	sadd.s32 s2, s16  }
0x8e: {  	[smem:$0x3FB7] =	sst s2  }
0x8f: {  	_ = 	snop  }
0x90: {  	(tm) =	ssettm $0x1  }
0x91: {  	s17 =	sld [smem:$0x3FFB];
	_ =	sdelay $0x3  }
0x92: {  	_ =	strace s17  }
0x93: {  	s2 =	sld [smem:$0x3FFC];
	_ =	sdelay $0x3  }
0x94: {  	_ =	strace s2  }
0x95: {  	s2 =	sld [smem:$0x3FFD];
	_ =	sdelay $0x3  }
0x96: {  	_ =	strace s2  }
0x97: {  	_ =	strace $0x8FFFFFFF  }
0x98: {  	s18 =	sld [smem:$0x3FDB];
	_ =	sdelay $0x1  }
0x99: {  	s19 =	simm.s32 $_scs_section_size  }
0x9a: {  	s4 =	simm.s32 $_size__tile_overlayer_lowered;
	s5 =	simm.s32 $_tile_overlayer_lowered  }
0x9b: {  	s22 =	simm.s32 $0x1BFF;
	s21 =	sshll.u32 s5, $0x1;
	s2 =	sadd.s32 s19, s18  }
0x9c: {  	s6 =	simm.s32 $0x0;
	s20 =	sshll.u32 s4, $0x1;
	s4 =	sadd.s32 s21, s2  }
0x9d: {  	[timem:s6], [sflag:s22] =	dma.local [hbm:s4], s20  }
0x9e: {  	_ =	swait.ge [sflag:s22], s20  }
0x9f: {  	s3 =	ssub.s32 $0x0, s20;
	[sflag:s22] =	ssyncset.done $0x0  }
0xa0: {  	[sflag:s22] =	ssyncadd.s32 s3;
	_ =	sdelay $0x1  }
0xa1: {  	s23 =	simm.s32 $0x1B8B  }
0xa2: {  	_ =	swait.ge [sflag:s23], $0x1  }
0xa3: {  	[sflag:s23] =	ssyncset.done $0x0  }
0xa4: {  	s25 =	simm.s32 $0x1B8E;
	s24 =	sld [smem:$0x3FFE];
	[sflag:s23] =	ssyncadd.s32 $0xFFFFFFFF  }
0xa5: {  	s26 =	simm.s32 $execute0_lowered;
	[smem:$0x3FD2] =	sst s25  }
0xa6: {  	s4 =	sshll.u32 s26, $0x1;
	_ =	strace $0x80000049;
	[dreg:$0x1] =	wrdreg $0xFFFFFFFF  }
0xa7: {  	s28 =	simm.s32 $_size_execute0_lowered;
	s2 =	sadd.s32 s2, s4;
	[dreg:$0x0] =	wrdreg $0x0  }
0xa8: {  	s4 =	sshll.u32 s28, $0x1;
	[dreg:$0x2] =	wrdreg s2  }
0xa9: {  	[dreg:$0x3] =	wrdreg s4  }
0xaa: {  	[dreg:$0x4] =	wrdreg $0xC0  }
0xab: {  	_ =	task [dreg:s6], $0x5FFFF  }
0xac: {  	[dreg:$0x1] =	wrdreg $0xFFFFFFFF  }
0xad: {  	[dreg:$0x0] =	wrdreg $0x60  }
0xae: {  	[dreg:$0x2] =	wrdreg s24  }
0xaf: {  	[dreg:$0x3] =	wrdreg $0xAE000  }
0xb0: {  	[dreg:$0x4] =	wrdreg $0x9  }
0xb1: {  	_ =	task.clear_ibuf [dreg:s6], $0x5FFFF;
	_ =	strace $0x90000049  }
0xb2: {  	s29 =	simm.s32 $0x9;
	_ =	strace $0x8000004B  }
0xb3: {  	_ =	swait.ge [sflag:s29], $0x1  }
0xb4: {  	[sflag:s29] =	ssyncadd.s32 $0xFFFFFFFF  }
0xb5: {  	_ =	strace $0x9000004B  }
0xb6: {  	_ =	sfence  }
0xb7: {  	s30 =	sld [smem:$0x0];
	_ =	sdelay $0x2  }
0xb8: {  	s31 =	sshll.u32 s1, $0xD;
	s1 =	sshrl.u32 s1, $0x2  }
0xb9: {  	s3 =	sand.u32 $0x4000, s31;
	s1 =	sadd.s32 s1, s30  }
0xba: {  	s0 =	sor.u32 s3, s0;
	s1 =	sshll.u32 s1, $0x11  }
0xbb: {  	s0 =	sor.u32 s1, s0  }
0xbc: {  	s0 =	sadd.s32 $0x8F2B, s0  }
0xbd: {  	[sflag:s0] =	ssyncadd.remote.s32 $0x1  }
0xbe: {  	_ =	sfence.sel $0xFFFF  }
0xbf: {  	[dreg:$0x0] =	wrdreg $0xFFFFFFFF;
	(pc) =	sbr.abs _section_cstart, $3  }
0xc0: {  	[dreg:$0x1] =	wrdreg $0xFFFFFFFF  }
0xc1: {  	_ =	task.clear_ibuf [dreg:s6], $0x2FFFF;
	_ =	strace $0x9FFFFFFF  }
0xc2: {  	(tm) =	ssettm $0x7FFFFFFF  }
0xc3: {  	_ =	shalt  }
tec
execute0_lowered:
.L_overlay_start_1:
0x0: {  	(tag) =	ssettag $0x1  }
0x1: {  	s1 =	rddreg [dreg:$0x0]  }
0x2: {  	s0 =	srdreg.scid;
	s2 =	rddreg [dreg:$0x1]  }
0x3: {  	s12 =	stileid.u32;
	s3 =	simm.s32 $0x0;
	s29 =	simm.s32 $0x7  }
0x4: {  	s30 =	simm.s32 $0x1;
	s31 =	simm.s32 $0x2C00;
	s9 =	smul.u32 $0x50000, s12  }
0x5: {  	s0 =	sand.u32 $0x1, s0;
	[smem:$0x7FF] =	sst s3;
	s13 =	smul.u32 $0x14000, s12  }
0x6: {  	s6 =	sadd.s32 $0xD800, s1;
	s4 =	sshll.u32 s0, $0x4;
	s15 =	smul.u32 $0x140000, s0  }
0x7: {  	_ =	strace $0x8000004A;
	s10 =	ssub.s32 $0x2, s0;
	s0 =	smul.u32 $0x28800, s0  }
0x8: {  	s7 =	sor.u32 s12, s4;
	s4 =	sadd.s32 $0x24400, s1;
	s11 =	sshrl.u32 s10, $0x1  }
0x9: {  	s9 =	sshrl.u32 s9, $0x2;
	s23 =	sadd.s32 $0x4000, s13;
	s24 =	sadd.s32 $0x8000, s13  }
0xa: {  	s25 =	sadd.s32 $0xC000, s13;
	s14 =	sadd.s32 $0x10000, s13;
	s5 =	smul.u32 $0x580, s7  }
0xb: {  	s10 =	ssub.s32 s10, s11;
	s22 =	sadd.s32 s9, s2;
	s7 =	smul.u32 $0x2880, s7  }
0xc: {  	s28 =	sadd.s32 s23, s2;
	s16 =	sadd.s32 s24, s2;
	s17 =	sadd.s32 s25, s2  }
0xd: {  	s18 =	sadd.s32 s14, s2;
	s26 =	sadd.s32 s13, s15;
	s11 =	smov.u32 s17  }
0xe: {  	s17 =	simm.s32 $0x3;
	s8 =	sadd.s32 s5, s1;
	s5 =	sadd.s32 $0x3600, s1  }
0xf: {  	s7 =	sshrl.u32 s7, $0x3;
	[dreg:$0x4] =	wrdreg s11;
	s8 =	sadd.s32 $0x19400, s8  }
0x10: {  	s1 =	sadd.s32 $0x4C400, s1;
	s19 =	sadd.s32 s5, s7;
	[dreg:$0x3] =	wrdreg s8  }
0x11: {  	s7 =	sadd.s32 $0x10, s19;
	s8 =	sadd.s32 s15, s23;
	s20 =	sadd.s32 $0x20, s19  }
0x12: {  	s23 =	sadd.s32 s15, s24;
	s24 =	sadd.s32 s15, s25;
	[dreg:$0x6] =	wrdreg s19  }
0x13: {  	s25 =	sadd.s32 s15, s14;
	s15 =	smax.u32 s10, $0x1;
	[dreg:$0x7] =	wrdreg s7  }
0x14: {  	s10 =	smov.u32 s16;
	[dreg:$0x8] =	wrdreg s20;
	s7 =	sshrl.u32 s26, $0x3  }
0x15: {  	s14 =	sshrl.u32 s25, $0x3;
	[dreg:$0xe] =	wrdreg s15;
	s25 =	sadd.s32 $0x30, s19  }
0x16: {  	s26 =	smul.u32 $0x2880, s12;
	s12 =	smov.u32 s18;
	[dreg:$0x13] =	wrdreg s25  }
0x17: {  	s8 =	sshrl.u32 s8, $0x3;
	s7 =	sadd.s32 s1, s7;
	[dreg:$0x5] =	wrdreg s12  }
0x18: {  	s16 =	simm.s32 $0x2D80;
	s21 =	sadd.s32 s1, s8;
	[dreg:$0x9] =	wrdreg s7  }
0x19: {  	s15 =	simm.s32 $0x6E00;
	s8 =	sshrl.u32 s24, $0x3;
	[dreg:$0xa] =	wrdreg s21  }
0x1a: {  	s7 =	sshrl.u32 s23, $0x3;
	s13 =	sadd.s32 s1, s8;
	s0 =	sadd.s32 s26, s0  }
0x1b: {  	s26 =	sadd.s32 $0x500, s19;
	s19 =	simm.s32 $0x4;
	s7 =	sadd.s32 s1, s7  }
0x1c: {  	[dreg:$0xc] =	wrdreg s13;
	s1 =	sadd.s32 s1, s14;
	s18 =	sadd.s32 $0x380, s0  }
0x1d: {  	s20 =	sadd.s32 $0x300, s0;
	s21 =	sadd.s32 $0x280, s0;
	[dreg:$0x14] =	wrdreg s26  }
0x1e: {  	s0 =	sadd.s32 $0x200, s0;
	s14 =	simm.s32 $0x2E00;
	[dreg:$0xb] =	wrdreg s7  }
0x1f: {  	s26 =	simm.s32 $0x0;
	[dreg:$0xd] =	wrdreg s1;
	s1 =	sshrl.u32 s18, $0x3  }
0x20: {  	s7 =	sshrl.u32 s20, $0x3;
	s8 =	sshrl.u32 s21, $0x3;
	[dreg:$0x12] =	wrdreg s0  }
0x21: {  	s0 =	simm.s32 $0x2C80;
	s18 =	simm.s32 $0x2;
	s1 =	sadd.s32 s1, s5  }
0x22: {  	s20 =	simm.s32 $0x5;
	s23 =	sadd.s32 s7, s5;
	[dreg:$0xf] =	wrdreg s1  }
0x23: {  	s21 =	simm.s32 $0x6;
	s24 =	sadd.s32 s8, s5;
	[dreg:$0x10] =	wrdreg s23  }
0x24: {  	s7 =	simm.s32 $0x80;
	[dreg:$0x11] =	wrdreg s24;
	s1 =	simm.s32 $0x2D00  }
.LBB2_1:
0x25: {  	s8 =	rddreg [dreg:$0x3];
	s9 =	stileid.u32  }
0x26: {  	s23 =	smov.u32 s22;
	s13 =	sshrl.u32 s28, $0x3;
	s25 =	smov.u32 s10  }
0x27: {  	[tilespmem:s3], [sflag:$0x7] =	stream.linear.gather [hbm4b:s8+s3], $0x2880, $0x38;
	[tilespmem:$0x1EE00] =	vst v63  }
0x28: {  	s8 =	sshll.u32 s9, $0x6;
	s9 =	sshrl.u32 s22, $0x3;
	_ =	swait.ge [sflag:s29], $0x2880  }
0x29: {  	s22 =	sshrl.u32 s10, $0x3;
	s10 =	sshrl.u32 s11, $0x3;
	[sflag:s29] =	ssyncset.done $0x0  }
0x2a: {  	s11 =	sshrl.u32 s12, $0x3;
	s8 =	sor.u32 $0x1C01, s8;
	[sflag:s29] =	ssyncadd.s32 $0xFFFFD780  }
0x2b: {  	[spmem:s9], [sflag:s8] =	dma.local [hbm:s6], $0x800  }
0x2c: {  	[spmem:s13], [sflag:s8] =	dma.local [hbm:s6], $0x800  }
0x2d: {  	[spmem:s22], [sflag:s8] =	dma.local [hbm:s6], $0x800  }
0x2e: {  	[spmem:s10], [sflag:s8] =	dma.local [hbm:s6], $0x800  }
0x2f: {  	[spmem:s11], [sflag:s8] =	dma.local [hbm:s6], $0x800  }
0x30: {  	_ =	swait.ge [sflag:s30], $0x800  }
0x31: {  	[sflag:s30] =	ssyncset.done $0x0  }
0x32: {  	[sflag:s30] =	ssyncadd.s32 $0xFFFFF800  }
0x33: {  	_ =	swait.ge [sflag:s30], $0x800  }
0x34: {  	[sflag:s30] =	ssyncset.done $0x0  }
0x35: {  	[sflag:s30] =	ssyncadd.s32 $0xFFFFF800  }
0x36: {  	_ =	swait.ge [sflag:s30], $0x800  }
0x37: {  	[sflag:s30] =	ssyncset.done $0x0  }
0x38: {  	[sflag:s30] =	ssyncadd.s32 $0xFFFFF800  }
0x39: {  	_ =	swait.ge [sflag:s30], $0x800  }
0x3a: {  	[sflag:s30] =	ssyncset.done $0x0  }
0x3b: {  	[sflag:s30] =	ssyncadd.s32 $0xFFFFF800  }
0x3c: {  	_ =	swait.ge [sflag:s30], $0x800  }
0x3d: {  	[sflag:s30] =	ssyncset.done $0x0  }
0x3e: {  	[sflag:s30] =	ssyncadd.s32 $0xFFFFF800  }
0x3f: {  	[bflag:$0x0] =	sbarrier.arrive $0xFFFF  }
0x40: {  	s12 =	rddreg [dreg:$0x6]  }
0x41: {  	[tilespmem:s31], [sflag:$0x3] =	stream.linear.gather [hbm4b:s12+s3], $0x80, $0x38;
	[tilespmem:$0x1EE00] =	vst v63  }
0x42: {  	s13 =	rddreg [dreg:$0x7]  }
0x43: {  	[tilespmem:s0], [sflag:$0x4] =	stream.linear.gather [hbm4b:s13+s3], $0x80, $0x38;
	[tilespmem:$0x1EE00] =	vst v63  }
0x44: {  	s22 =	rddreg [dreg:$0x8]  }
0x45: {  	[tilespmem:s1], [sflag:$0x5] =	stream.linear.gather [hbm4b:s22+s3], $0x80, $0x38;
	[tilespmem:$0x1EE00] =	vst v63  }
0x46: {  	_ = 	snop  }
0x47: {  	[tilespmem:s14], [sflag:$0x1] =	stream.indirect.gather [hbm4b:s4+s7], $0x80, s3, s7, $0xb8;
	[tilespmem:$0x1EE00] =	vst v63  }
0x48: {  	_ =	swait.ge [sflag:s30], $0x4000  }
0x49: {  	[sflag:s30] =	ssyncset.done $0x0  }
0x4a: {  	[sflag:s30] =	ssyncadd.s32 $0xFFFFC000  }
0x4b: {  	[tilespmem:s15], [sflag:$0x1] =	stream.indirect.gather [hbm4b:s4+s7], $0x80, s7, s7, $0xb8;
	[tilespmem:$0x1EE00] =	vst v63  }
0x4c: {  	s9 =	rddreg [dreg:$0x13]  }
0x4d: {  	[tilespmem:s16], [sflag:$0x6] =	stream.linear.gather [hbm4b:s9+s3], $0x80, $0x38;
	[tilespmem:$0x1EE00] =	vst v63  }
0x4e: {  	_ =	swait.ge [sflag:s17], $0x80  }
0x4f: {  	[sflag:s17] =	ssyncset.done $0x0  }
0x50: {  	[sflag:s17] =	ssyncadd.s32 $0xFFFFFF80  }
0x51: {  	[spmem:s2] =	stream.indirect.scatter.add.f32 [tilespmem:s14], [sflag:$0x2], $0x80, s31, s7, $0xb8;
	[tilespmem:$0x1EE00] =	vst v63  }
0x52: {  	_ =	swait.ge [sflag:s30], $0x4000  }
0x53: {  	[sflag:s30] =	ssyncset.done $0x0  }
0x54: {  	[sflag:s30] =	ssyncadd.s32 $0xFFFFC000  }
0x55: {  	_ =	swait.ge [sflag:s18], $0x4000  }
0x56: {  	[sflag:s18] =	ssyncset.done $0x0;
	s12 =	rddreg [dreg:$0x12]  }
0x57: {  	s10 =	simm.s32 $0x100;
	[sflag:s18] =	ssyncadd.s32 $0xFFFFC000;
	s11 =	sshrl.u32 s12, $0x3  }
0x58: {  	[tilespmem:s14], [sflag:$0x1] =	stream.indirect.gather [hbm4b:s4+s7], $0x80, s10, s7, $0xb8;
	[tilespmem:$0x1EE00] =	vst v63  }
0x59: {  	s13 =	sadd.s32 s5, s11  }
0x5a: {  	[tilespmem:s31], [sflag:$0x3] =	stream.linear.gather [hbm4b:s13+s3], $0x80, $0x38;
	[tilespmem:$0x1EE00] =	vst v63  }
0x5b: {  	_ =	swait.ge [sflag:s19], $0x80  }
0x5c: {  	[sflag:s19] =	ssyncset.done $0x0  }
0x5d: {  	[sflag:s19] =	ssyncadd.s32 $0xFFFFFF80  }
0x5e: {  	[spmem:s2] =	stream.indirect.scatter.add.f32 [tilespmem:s15], [sflag:$0x2], $0x80, s0, s7, $0xb8;
	[tilespmem:$0x1EE00] =	vst v63  }
0x5f: {  	_ =	swait.ge [sflag:s30], $0x4000  }
0x60: {  	[sflag:s30] =	ssyncset.done $0x0  }
0x61: {  	[sflag:s30] =	ssyncadd.s32 $0xFFFFC000  }
0x62: {  	_ =	swait.ge [sflag:s18], $0x4000  }
0x63: {  	[sflag:s18] =	ssyncset.done $0x0  }
0x64: {  	s22 =	simm.s32 $0x180;
	[sflag:s18] =	ssyncadd.s32 $0xFFFFC000  }
0x65: {  	[tilespmem:s15], [sflag:$0x1] =	stream.indirect.gather [hbm4b:s4+s7], $0x80, s22, s7, $0xb8;
	[tilespmem:$0x1EE00] =	vst v63  }
0x66: {  	s9 =	rddreg [dreg:$0x11]  }
0x67: {  	[tilespmem:s0], [sflag:$0x4] =	stream.linear.gather [hbm4b:s9+s3], $0x80, $0x38;
	[tilespmem:$0x1EE00] =	vst v63  }
0x68: {  	_ =	swait.ge [sflag:s20], $0x80  }
0x69: {  	[sflag:s20] =	ssyncset.done $0x0  }
0x6a: {  	[sflag:s20] =	ssyncadd.s32 $0xFFFFFF80  }
0x6b: {  	[spmem:s2] =	stream.indirect.scatter.add.f32 [tilespmem:s14], [sflag:$0x2], $0x80, s1, s7, $0xb8;
	[tilespmem:$0x1EE00] =	vst v63  }
0x6c: {  	_ =	swait.ge [sflag:s30], $0x4000  }
0x6d: {  	[sflag:s30] =	ssyncset.done $0x0  }
0x6e: {  	[sflag:s30] =	ssyncadd.s32 $0xFFFFC000  }
0x6f: {  	_ =	swait.ge [sflag:s18], $0x4000  }
0x70: {  	[sflag:s18] =	ssyncset.done $0x0  }
0x71: {  	s10 =	simm.s32 $0x200;
	[sflag:s18] =	ssyncadd.s32 $0xFFFFC000  }
0x72: {  	[tilespmem:s14], [sflag:$0x1] =	stream.indirect.gather [hbm4b:s4+s7], $0x80, s10, s7, $0xb8;
	[tilespmem:$0x1EE00] =	vst v63  }
0x73: {  	s10 =	rddreg [dreg:$0x10]  }
0x74: {  	[tilespmem:s1], [sflag:$0x5] =	stream.linear.gather [hbm4b:s10+s3], $0x80, $0x38;
	[tilespmem:$0x1EE00] =	vst v63  }
0x75: {  	_ =	swait.ge [sflag:s21], $0x80  }
0x76: {  	[sflag:s21] =	ssyncset.done $0x0  }
0x77: {  	[sflag:s21] =	ssyncadd.s32 $0xFFFFFF80  }
0x78: {  	[spmem:s2] =	stream.indirect.scatter.add.f32 [tilespmem:s15], [sflag:$0x2], $0x80, s16, s7, $0xb8;
	[tilespmem:$0x1EE00] =	vst v63  }
0x79: {  	_ =	swait.ge [sflag:s30], $0x4000  }
0x7a: {  	[sflag:s30] =	ssyncset.done $0x0  }
0x7b: {  	[sflag:s30] =	ssyncadd.s32 $0xFFFFC000  }
0x7c: {  	_ =	swait.ge [sflag:s18], $0x4000  }
0x7d: {  	[sflag:s18] =	ssyncset.done $0x0  }
0x7e: {  	s13 =	simm.s32 $0x280;
	[sflag:s18] =	ssyncadd.s32 $0xFFFFC000  }
0x7f: {  	[tilespmem:s15], [sflag:$0x1] =	stream.indirect.gather [hbm4b:s4+s7], $0x80, s13, s7, $0xb8;
	[tilespmem:$0x1EE00] =	vst v63  }
0x80: {  	s22 =	rddreg [dreg:$0xf]  }
0x81: {  	[tilespmem:s16], [sflag:$0x6] =	stream.linear.gather [hbm4b:s22+s3], $0x80, $0x38;
	[tilespmem:$0x1EE00] =	vst v63  }
0x82: {  	s24 =	smov.u32 s28;
	s28 =	simm.s32 $0x800;
	_ =	swait.ge [sflag:s17], $0x80  }
0x83: {  	s8 =	sadd.s32 $0x200, s12;
	s10 =	sadd.s32 $0x40, s10;
	[sflag:s17] =	ssyncset.done $0x0  }
0x84: {  	s13 =	sadd.s32 $0x40, s9;
	s9 =	sadd.s32 $0x40, s22;
	[sflag:s17] =	ssyncadd.s32 $0xFFFFFF80  }
.LBB2_2:
0x85: {  	[spmem:s2] =	stream.indirect.scatter.add.f32 [tilespmem:s14], [sflag:$0x2], $0x80, s31, s7, $0xb8;
	[tilespmem:$0x1EE00] =	vst v63  }
0x86: {  	s11 =	smov.u32 s28  }
0x87: {  	p0 =	sne.s32 s28, $0x9000;
	s28 =	sadd.s32 $0x800, s28;
	_ =	swait.ge [sflag:s30], $0x4000  }
0x88: {  	[sflag:s30] =	ssyncset.done $0x0  }
0x89: {  	[sflag:s30] =	ssyncadd.s32 $0xFFFFC000  }
0x8a: {  	_ =	swait.ge [sflag:s18], $0x4000  }
0x8b: {  	s11 =	sshra.s32 s11, $0x2;
	[sflag:s18] =	ssyncset.done $0x0  }
0x8c: {  	s22 =	sshrl.u32 s8, $0x3;
	s12 =	sadd.s32 $0x100, s11;
	[sflag:s18] =	ssyncadd.s32 $0xFFFFC000  }
0x8d: {  	[tilespmem:s14], [sflag:$0x1] =	stream.indirect.gather [hbm4b:s4+s7], $0x80, s12, s7, $0xb8;
	[tilespmem:$0x1EE00] =	vst v63  }
0x8e: {  	s12 =	sadd.s32 s5, s22  }
0x8f: {  	[tilespmem:s31], [sflag:$0x3] =	stream.linear.gather [hbm4b:s12+s3], $0x80, $0x38;
	[tilespmem:$0x1EE00] =	vst v63  }
0x90: {  	_ =	swait.ge [sflag:s19], $0x80  }
0x91: {  	[sflag:s19] =	ssyncset.done $0x0  }
0x92: {  	[sflag:s19] =	ssyncadd.s32 $0xFFFFFF80  }
0x93: {  	[spmem:s2] =	stream.indirect.scatter.add.f32 [tilespmem:s15], [sflag:$0x2], $0x80, s0, s7, $0xb8;
	[tilespmem:$0x1EE00] =	vst v63  }
0x94: {  	_ =	swait.ge [sflag:s30], $0x4000  }
0x95: {  	[sflag:s30] =	ssyncset.done $0x0  }
0x96: {  	[sflag:s30] =	ssyncadd.s32 $0xFFFFC000  }
0x97: {  	_ =	swait.ge [sflag:s18], $0x4000  }
0x98: {  	[sflag:s18] =	ssyncset.done $0x0  }
0x99: {  	s12 =	sadd.s32 $0x180, s11;
	[sflag:s18] =	ssyncadd.s32 $0xFFFFC000  }
0x9a: {  	[tilespmem:s15], [sflag:$0x1] =	stream.indirect.gather [hbm4b:s4+s7], $0x80, s12, s7, $0xb8;
	[tilespmem:$0x1EE00] =	vst v63  }
0x9b: {  	_ = 	snop  }
0x9c: {  	[tilespmem:s0], [sflag:$0x4] =	stream.linear.gather [hbm4b:s13+s3], $0x80, $0x38;
	[tilespmem:$0x1EE00] =	vst v63  }
0x9d: {  	_ =	swait.ge [sflag:s20], $0x80  }
0x9e: {  	[sflag:s20] =	ssyncset.done $0x0  }
0x9f: {  	[sflag:s20] =	ssyncadd.s32 $0xFFFFFF80  }
0xa0: {  	[spmem:s2] =	stream.indirect.scatter.add.f32 [tilespmem:s14], [sflag:$0x2], $0x80, s1, s7, $0xb8;
	[tilespmem:$0x1EE00] =	vst v63  }
0xa1: {  	_ =	swait.ge [sflag:s30], $0x4000  }
0xa2: {  	[sflag:s30] =	ssyncset.done $0x0  }
0xa3: {  	[sflag:s30] =	ssyncadd.s32 $0xFFFFC000  }
0xa4: {  	_ =	swait.ge [sflag:s18], $0x4000  }
0xa5: {  	[sflag:s18] =	ssyncset.done $0x0  }
0xa6: {  	s12 =	sadd.s32 $0x200, s11;
	[sflag:s18] =	ssyncadd.s32 $0xFFFFC000  }
0xa7: {  	[tilespmem:s14], [sflag:$0x1] =	stream.indirect.gather [hbm4b:s4+s7], $0x80, s12, s7, $0xb8;
	[tilespmem:$0x1EE00] =	vst v63  }
0xa8: {  	_ = 	snop  }
0xa9: {  	[tilespmem:s1], [sflag:$0x5] =	stream.linear.gather [hbm4b:s10+s3], $0x80, $0x38;
	[tilespmem:$0x1EE00] =	vst v63  }
0xaa: {  	_ =	swait.ge [sflag:s21], $0x80  }
0xab: {  	[sflag:s21] =	ssyncset.done $0x0  }
0xac: {  	[sflag:s21] =	ssyncadd.s32 $0xFFFFFF80  }
0xad: {  	[spmem:s2] =	stream.indirect.scatter.add.f32 [tilespmem:s15], [sflag:$0x2], $0x80, s16, s7, $0xb8;
	[tilespmem:$0x1EE00] =	vst v63  }
0xae: {  	_ =	swait.ge [sflag:s30], $0x4000  }
0xaf: {  	[sflag:s30] =	ssyncset.done $0x0  }
0xb0: {  	[sflag:s30] =	ssyncadd.s32 $0xFFFFC000  }
0xb1: {  	_ =	swait.ge [sflag:s18], $0x4000  }
0xb2: {  	[sflag:s18] =	ssyncset.done $0x0  }
0xb3: {  	s11 =	sadd.s32 $0x280, s11;
	[sflag:s18] =	ssyncadd.s32 $0xFFFFC000  }
0xb4: {  	[tilespmem:s15], [sflag:$0x1] =	stream.indirect.gather [hbm4b:s4+s7], $0x80, s11, s7, $0xb8;
	[tilespmem:$0x1EE00] =	vst v63  }
.Ltmp0:
0xb5: {  	(pc) =	sbr.rel @p0 .LBB2_2-.Ltmp0, $4  }
0xb6: {  	[tilespmem:s16], [sflag:$0x6] =	stream.linear.gather [hbm4b:s9+s3], $0x80, $0x38;
	[tilespmem:$0x1EE00] =	vst v63  }
0xb7: {  	_ =	swait.ge [sflag:s17], $0x80  }
0xb8: {  	s8 =	sadd.s32 $0x200, s8;
	s13 =	sadd.s32 $0x40, s13;
	[sflag:s17] =	ssyncset.done $0x0  }
0xb9: {  	s10 =	sadd.s32 $0x40, s10;
	s9 =	sadd.s32 $0x40, s9;
	[sflag:s17] =	ssyncadd.s32 $0xFFFFFF80  }
0xba: {  	[spmem:s2] =	stream.indirect.scatter.add.f32 [tilespmem:s14], [sflag:$0x2], $0x80, s31, s7, $0xb8;
	[tilespmem:$0x1EE00] =	vst v63  }
0xbb: {  	_ =	swait.ge [sflag:s30], $0x4000  }
0xbc: {  	[sflag:s30] =	ssyncset.done $0x0  }
0xbd: {  	[sflag:s30] =	ssyncadd.s32 $0xFFFFC000  }
0xbe: {  	_ =	swait.ge [sflag:s18], $0x4000  }
0xbf: {  	[sflag:s18] =	ssyncset.done $0x0  }
0xc0: {  	s8 =	simm.s32 $0x2700;
	[sflag:s18] =	ssyncadd.s32 $0xFFFFC000  }
0xc1: {  	[tilespmem:s14], [sflag:$0x1] =	stream.indirect.gather [hbm4b:s4+s7], $0x80, s8, s7, $0xb8;
	[tilespmem:$0x1EE00] =	vst v63  }
0xc2: {  	s22 =	rddreg [dreg:$0x14]  }
0xc3: {  	[tilespmem:s31], [sflag:$0x3] =	stream.linear.gather [hbm4b:s22+s3], $0x80, $0x38;
	[tilespmem:$0x1EE00] =	vst v63  }
0xc4: {  	_ =	swait.ge [sflag:s19], $0x80  }
0xc5: {  	[sflag:s19] =	ssyncset.done $0x0  }
0xc6: {  	[sflag:s19] =	ssyncadd.s32 $0xFFFFFF80  }
0xc7: {  	[spmem:s2] =	stream.indirect.scatter.add.f32 [tilespmem:s15], [sflag:$0x2], $0x80, s0, s7, $0xb8;
	[tilespmem:$0x1EE00] =	vst v63  }
0xc8: {  	_ =	swait.ge [sflag:s30], $0x4000  }
0xc9: {  	[sflag:s30] =	ssyncset.done $0x0  }
0xca: {  	[sflag:s30] =	ssyncadd.s32 $0xFFFFC000  }
0xcb: {  	_ =	swait.ge [sflag:s18], $0x4000  }
0xcc: {  	[sflag:s18] =	ssyncset.done $0x0  }
0xcd: {  	s9 =	simm.s32 $0x2780;
	[sflag:s18] =	ssyncadd.s32 $0xFFFFC000  }
0xce: {  	[tilespmem:s15], [sflag:$0x1] =	stream.indirect.gather [hbm4b:s4+s7], $0x80, s9, s7, $0xb8;
	[tilespmem:$0x1EE00] =	vst v63  }
0xcf: {  	_ =	swait.ge [sflag:s20], $0x80  }
0xd0: {  	[sflag:s20] =	ssyncset.done $0x0  }
0xd1: {  	[sflag:s20] =	ssyncadd.s32 $0xFFFFFF80  }
0xd2: {  	[spmem:s2] =	stream.indirect.scatter.add.f32 [tilespmem:s14], [sflag:$0x2], $0x80, s1, s7, $0xb8;
	[tilespmem:$0x1EE00] =	vst v63  }
0xd3: {  	_ =	swait.ge [sflag:s30], $0x4000  }
0xd4: {  	[sflag:s30] =	ssyncset.done $0x0  }
0xd5: {  	[sflag:s30] =	ssyncadd.s32 $0xFFFFC000  }
0xd6: {  	_ =	swait.ge [sflag:s18], $0x4000  }
0xd7: {  	[sflag:s18] =	ssyncset.done $0x0  }
0xd8: {  	s10 =	simm.s32 $0x2800;
	[sflag:s18] =	ssyncadd.s32 $0xFFFFC000  }
0xd9: {  	[tilespmem:s14], [sflag:$0x1] =	stream.indirect.gather [hbm4b:s4+s7], $0x80, s10, s7, $0xb8;
	[tilespmem:$0x1EE00] =	vst v63  }
0xda: {  	_ =	swait.ge [sflag:s21], $0x80  }
0xdb: {  	[sflag:s21] =	ssyncset.done $0x0  }
0xdc: {  	[sflag:s21] =	ssyncadd.s32 $0xFFFFFF80  }
0xdd: {  	[spmem:s2] =	stream.indirect.scatter.add.f32 [tilespmem:s15], [sflag:$0x2], $0x80, s16, s7, $0xb8;
	[tilespmem:$0x1EE00] =	vst v63  }
0xde: {  	_ =	swait.ge [sflag:s30], $0x4000  }
0xdf: {  	[sflag:s30] =	ssyncset.done $0x0  }
0xe0: {  	[sflag:s30] =	ssyncadd.s32 $0xFFFFC000  }
0xe1: {  	_ =	swait.ge [sflag:s18], $0x4000  }
0xe2: {  	[sflag:s18] =	ssyncset.done $0x0  }
0xe3: {  	[sflag:s18] =	ssyncadd.s32 $0xFFFFC000  }
0xe4: {  	_ =	swait.ge [sflag:s17], $0x80  }
0xe5: {  	[sflag:s17] =	ssyncset.done $0x0  }
0xe6: {  	[sflag:s17] =	ssyncadd.s32 $0xFFFFFF80  }
0xe7: {  	[spmem:s2] =	stream.indirect.scatter.add.f32 [tilespmem:s14], [sflag:$0x2], $0x80, s31, s7, $0xb8;
	[tilespmem:$0x1EE00] =	vst v63  }
0xe8: {  	_ =	swait.ge [sflag:s18], $0x4000  }
0xe9: {  	[sflag:s18] =	ssyncset.done $0x0  }
0xea: {  	[sflag:s18] =	ssyncadd.s32 $0xFFFFC000  }
0xeb: {  	[bflag:$0x0] =	sbarrier.arrive $0xFFFF  }
0xec: {  	[tilespmem:s14], [sflag:$0x7] =	stream.linear.gather [spmem:s23], $0x4000, $0x38;
	[tilespmem:$0x1EE00] =	vst v63  }
0xed: {  	_ =	swait.ge [sflag:s29], $0x4000  }
0xee: {  	[sflag:s29] =	ssyncset.done $0x0  }
0xef: {  	s11 =	rddreg [dreg:$0x9];
	[sflag:s29] =	ssyncadd.s32 $0xFFFFC000  }
0xf0: {  	[hbm4b:s11+s3] =	stream.linear.scatter [tilespmem:s14], [sflag:$0x7], $0x4000, $0x38;
	[tilespmem:$0x1EE00] =	vst v63  }
0xf1: {  	_ =	swait.ge [sflag:s29], $0x4000  }
0xf2: {  	[sflag:s29] =	ssyncset.done $0x0  }
0xf3: {  	[sflag:s29] =	ssyncadd.s32 $0xFFFFC000  }
0xf4: {  	[tilespmem:s14], [sflag:$0x7] =	stream.linear.gather [spmem:s24], $0x4000, $0x38;
	[tilespmem:$0x1EE00] =	vst v63  }
0xf5: {  	_ =	swait.ge [sflag:s29], $0x4000  }
0xf6: {  	[sflag:s29] =	ssyncset.done $0x0  }
0xf7: {  	s12 =	rddreg [dreg:$0xa];
	[sflag:s29] =	ssyncadd.s32 $0xFFFFC000  }
0xf8: {  	[hbm4b:s12+s3] =	stream.linear.scatter [tilespmem:s14], [sflag:$0x7], $0x4000, $0x38;
	[tilespmem:$0x1EE00] =	vst v63  }
0xf9: {  	_ =	swait.ge [sflag:s29], $0x4000  }
0xfa: {  	[sflag:s29] =	ssyncset.done $0x0  }
0xfb: {  	[sflag:s29] =	ssyncadd.s32 $0xFFFFC000  }
0xfc: {  	[tilespmem:s14], [sflag:$0x7] =	stream.linear.gather [spmem:s25], $0x4000, $0x38;
	[tilespmem:$0x1EE00] =	vst v63  }
0xfd: {  	_ =	swait.ge [sflag:s29], $0x4000  }
0xfe: {  	[sflag:s29] =	ssyncset.done $0x0  }
0xff: {  	s13 =	rddreg [dreg:$0xb];
	[sflag:s29] =	ssyncadd.s32 $0xFFFFC000  }
0x100: {  	[hbm4b:s13+s3] =	stream.linear.scatter [tilespmem:s14], [sflag:$0x7], $0x4000, $0x38;
	[tilespmem:$0x1EE00] =	vst v63  }
0x101: {  	_ =	swait.ge [sflag:s29], $0x4000  }
0x102: {  	[sflag:s29] =	ssyncset.done $0x0  }
0x103: {  	s11 =	rddreg [dreg:$0x4];
	[sflag:s29] =	ssyncadd.s32 $0xFFFFC000  }
0x104: {  	[tilespmem:s14], [sflag:$0x7] =	stream.linear.gather [spmem:s11], $0x4000, $0x38;
	[tilespmem:$0x1EE00] =	vst v63  }
0x105: {  	_ =	swait.ge [sflag:s29], $0x4000  }
0x106: {  	[sflag:s29] =	ssyncset.done $0x0  }
0x107: {  	s22 =	smov.u32 s23;
	s23 =	rddreg [dreg:$0xc];
	[sflag:s29] =	ssyncadd.s32 $0xFFFFC000  }
0x108: {  	[hbm4b:s23+s3] =	stream.linear.scatter [tilespmem:s14], [sflag:$0x7], $0x4000, $0x38;
	[tilespmem:$0x1EE00] =	vst v63  }
0x109: {  	_ =	swait.ge [sflag:s29], $0x4000  }
0x10a: {  	[sflag:s29] =	ssyncset.done $0x0  }
0x10b: {  	s12 =	rddreg [dreg:$0x5];
	[sflag:s29] =	ssyncadd.s32 $0xFFFFC000  }
0x10c: {  	[tilespmem:s14], [sflag:$0x7] =	stream.linear.gather [spmem:s12], $0x4000, $0x38;
	[tilespmem:$0x1EE00] =	vst v63  }
0x10d: {  	_ =	swait.ge [sflag:s29], $0x4000  }
0x10e: {  	[sflag:s29] =	ssyncset.done $0x0  }
0x10f: {  	s28 =	smov.u32 s24;
	s24 =	rddreg [dreg:$0xd];
	[sflag:s29] =	ssyncadd.s32 $0xFFFFC000  }
0x110: {  	[hbm4b:s24+s3] =	stream.linear.scatter [tilespmem:s14], [sflag:$0x7], $0x4000, $0x38;
	[tilespmem:$0x1EE00] =	vst v63  }
0x111: {  	_ =	swait.ge [sflag:s29], $0x4000  }
0x112: {  	s26 =	sadd.s32 $0x1, s26;
	s10 =	smov.u32 s25;
	s25 =	rddreg [dreg:$0xe]  }
0x113: {  	p0 =	sne.s32 s26, s25  }
.Ltmp1:
0x114: {  	_ = 	snop;
	(pc) =	sbr.rel @p0 .LBB2_1-.Ltmp1, $3  }
0x115: {  	_ =	sdelay $0x1  }
0x116: {  	[sflag:s29] =	ssyncset.done $0x0  }
0x117: {  	[sflag:s29] =	ssyncadd.s32 $0xFFFFC000  }
0x118: {  	_ =	sfence.sel $0x180000  }
0x119: {  	[bflag:$0x0] =	sbarrier.arrive $0xFFFF  }
0x11a: {  	_ =	strace $0x9000004A  }
0x11b: {  	s0 =	stileid.u32;
	[bflag:$0x2] =	sbarrier.arrive $0xFFFF  }
0x11c: {  	p0 =	sne.s32 s0, $0x0;
	s0 =	rddreg [dreg:$0x2]  }
0x11d: {  	s0 =	sadd.s32 @!p0 $0x100000, s0  }
0x11e: {  	[sflag:s0] =	ssyncadd.tile.s32 @!p0 $0x1;
	_ =	shalt  }
.Lfunc_end2:
_tile_overlayer_lowered:
.L_overlay_start_2:
0x11f: {  	(tag) =	ssettag $0x2  }
0x120: {  	s0 =	rddreg [dreg:$0x0];
	s2 =	stileid.u32  }
0x121: {  	s1 =	rddreg [dreg:$0x1];
	p0 =	sne.s32 s2, $0x0  }
0x122: {  	s3 =	rddreg [dreg:$0x2];
	[bflag:$0x3] =	sbarrier.arrive $0xFFFF;
	s2 =	simm.s32 @!p0 $0x1C07  }
0x123: {  	[timem:s3], [sflag:s2] =	dma.local @!p0 [hbm:s0], s1  }
0x124: {  	s0 =	simm.s32 @!p0 $0x7  }
0x125: {  	_ =	swait.ge @!p0 [sflag:s0], s1  }
0x126: {  	s1 =	ssub.s32 @!p0 $0x0, s1;
	[sflag:s0] =	ssyncset.done @!p0 $0x0  }
0x127: {  	[sflag:s0] =	ssyncadd.s32 @!p0 s1  }
0x128: {  	[bflag:$0x3] =	sbarrier.arrive $0xFFFF  }
0x129: {  	_ =	shalt  }

// kernel: kernel.15.cloned.1.call-start
scs
__scs_entry_jumppad:
0x0: {  	(pc) =	sbr.rel $0x88, $3  }
0x1: {  	(tag) =	ssettag $0x0;
	lr =	simm.s32 $0x1  }
0x2: {  	[smem:$0x3F90] =	sst lr;
	_ =	strace $0xD0000000  }
0x3: {  	_ = 	snop  }
0x4: {  	_ = 	snop  }
0x5: {  	_ = 	snop  }
0x6: {  	_ = 	snop  }
0x7: {  	_ = 	snop  }
__scs_overlays_trampoline_lowered:
0x8: {  	[smem:$0x3F9F] =	sst s0  }
0x9: {  	[smem:$0x3FA0] =	sst s1  }
0xa: {  	[smem:$0x3FA1] =	sst s2  }
0xb: {  	[smem:$0x3FA2] =	sst s3  }
0xc: {  	[smem:$0x3FA3] =	sst s4  }
0xd: {  	[smem:$0x3FA4] =	sst s5  }
0xe: {  	[smem:$0x3FA5] =	sst s6  }
0xf: {  	[smem:$0x3FA6] =	sst s7  }
0x10: {  	[smem:$0x3FA7] =	sst s8  }
0x11: {  	[smem:$0x3FA8] =	sst s9;
	s0 =	simm.s32 @!p0 $0x0  }
0x12: {  	s1 =	sld [smem:$0x3F8E];
	s0 =	simm.s32 @p0 $0x1  }
0x13: {  	[smem:$0x3FA9] =	sst s0;
	s0 =	simm.s32 @!p1 $0x0  }
0x14: {  	s2 =	sld [smem:$0x3F8D];
	s0 =	simm.s32 @p1 $0x1  }
0x15: {  	[smem:$0x3FAA] =	sst s0;
	s0 =	simm.s32 @!p2 $0x0  }
0x16: {  	s3 =	sld [smem:$0x3FDB];
	s0 =	simm.s32 @p2 $0x1  }
0x17: {  	s4 =	simm.s32 $0x1BF5;
	[smem:$0x3FAC] =	sst s0  }
0x18: {  	s0 =	sld [smem:$0x3F8F];
	_ =	swait.ge [sflag:s4], $0x0  }
0x19: {  	s7 =	sld [smem:$0x3F90]  }
0x1a: {  	s8 =	sadd.s32 $0xFFFFE003, lr  }
0x1b: {  	s9 =	sadd.s32 $0xFFFFFEF7, lr;
	s5 =	simm.s32 $0xFFFFFFFF;
	p2 =	slt.u32 s8, $0xFFFFF086  }
0x1c: {  	p1 =	slt.u32 s9, $0xF7A;
	s5 =	simm.s32 @!p2 $0x0  }
0x1d: {  	s5 =	simm.s32 @p1 $0x1;
	p0 =	seq.s32 s7, s2  }
0x1e: {  	s7 =	smul.u32 @!p0 $0xF7A, s2;
	p2 =	seq.s32 @!p0 s5, $0x0  }
0x1f: {  	s9 =	smul.u32 $0xF7A, s1;
	s8 =	simm.s32 @!p0 $0x1BF5;
	p2 =	por !p2, p0  }
0x20: {  	[sflag:s8] =	ssyncset.s32 @!p0 $0xFFFFF086;
	s6 =	sadd.s32 @!p0 s3, s7;
	s7 =	simm.s32 @!p0 $0x108  }
0x21: {  	s3 =	sadd.s32 s3, s9;
	s6 =	sadd.s32 @!p0 $0x88, s6;
	s7 =	simm.s32 @p2 $0x1082  }
0x22: {  	[simem:s7], [sflag:s8] =	dma.local @!p0 [hbm:s6], $0xF7A  }
0x23: {  	s9 =	sor.u32 $0xD0000000, s2;
	s6 =	simm.s32 $0x108;
	_ =	swait.ge @!p0 [sflag:s8], $0x0  }
0x24: {  	s3 =	sadd.s32 $0x88, s3;
	s6 =	simm.s32 @!p1 $0x1082;
	[sflag:s4] =	ssyncset.s32 $0xFFFFF086  }
0x25: {  	[simem:s6], [sflag:s4] =	dma.local [hbm:s3], $0xF7A  }
0x26: {  	[smem:$0x3F90] =	sst s1;
	(tag) =	ssettag s2;
	_ =	strace s9  }
0x27: {  	s1 =	sld [smem:$0x3FA0]  }
0x28: {  	s2 =	sld [smem:$0x3FA1]  }
0x29: {  	s4 =	sld [smem:$0x3FA3]  }
0x2a: {  	p0 =	seq.s32 s5, $0x0;
	s5 =	sld [smem:$0x3FA4]  }
0x2b: {  	s6 =	sld [smem:$0x3FA5]  }
0x2c: {  	s7 =	sld [smem:$0x3FA6]  }
0x2d: {  	s3 =	simm.s32 $0x108;
	s8 =	sld [smem:$0x3FA7]  }
0x2e: {  	s3 =	simm.s32 @!p0 $0x1082;
	s9 =	sld [smem:$0x3FA8]  }
0x2f: {  	lr =	sadd.s32 s0, s3;
	s0 =	sld [smem:$0x3F9F]  }
0x30: {  	s3 =	sld [smem:$0x3FA2]  }
0x31: {  	[smem:$0x3FAB] =	sst s10  }
0x32: {  	s10 =	sld [smem:$0x3FA9];
	_ =	sdelay $0x3  }
0x33: {  	p0 =	seq.s32 s10, $0x1;
	s10 =	sld [smem:$0x3FAB];
	_ =	sdelay $0x3  }
0x34: {  	[smem:$0x3FAB] =	sst s10  }
0x35: {  	s10 =	sld [smem:$0x3FAA];
	_ =	sdelay $0x3  }
0x36: {  	p1 =	seq.s32 s10, $0x1;
	s10 =	sld [smem:$0x3FAB];
	_ =	sdelay $0x3  }
0x37: {  	[smem:$0x3FAB] =	sst s10  }
0x38: {  	s10 =	sld [smem:$0x3FAC]  }
0x39: {  	_ = 	snop;
	(pc) =	sbr.ind lr, $3  }
0x3a: {  	_ = 	snop  }
0x3b: {  	_ = 	snop  }
0x3c: {  	p2 =	seq.s32 s10, $0x1;
	s10 =	sld [smem:$0x3FAB]  }
0x3d: {  	_ =	shalt  }
0x3e: {  	_ =	shalt  }
0x3f: {  	_ =	shalt  }
0x40: {  	_ =	shalt  }
0x41: {  	_ =	shalt  }
0x42: {  	_ =	shalt  }
0x43: {  	_ =	shalt  }
0x44: {  	_ =	shalt  }
0x45: {  	_ =	shalt  }
0x46: {  	_ =	shalt  }
0x47: {  	_ =	shalt  }
0x48: {  	_ =	shalt  }
0x49: {  	_ =	shalt  }
0x4a: {  	_ =	shalt  }
0x4b: {  	_ =	shalt  }
0x4c: {  	_ =	shalt  }
0x4d: {  	_ =	shalt  }
0x4e: {  	_ =	shalt  }
0x4f: {  	_ =	shalt  }
0x50: {  	_ =	shalt  }
0x51: {  	_ =	shalt  }
0x52: {  	_ =	shalt  }
0x53: {  	_ =	shalt  }
0x54: {  	_ =	shalt  }
0x55: {  	_ =	shalt  }
0x56: {  	_ =	shalt  }
0x57: {  	_ =	shalt  }
0x58: {  	_ =	shalt  }
0x59: {  	_ =	shalt  }
0x5a: {  	_ =	shalt  }
0x5b: {  	_ =	shalt  }
0x5c: {  	_ =	shalt  }
0x5d: {  	_ =	shalt  }
0x5e: {  	_ =	shalt  }
0x5f: {  	_ =	shalt  }
0x60: {  	_ =	shalt  }
0x61: {  	_ =	shalt  }
0x62: {  	_ =	shalt  }
0x63: {  	_ =	shalt  }
0x64: {  	_ =	shalt  }
0x65: {  	_ =	shalt  }
0x66: {  	_ =	shalt  }
0x67: {  	_ =	shalt  }
0x68: {  	_ =	shalt  }
0x69: {  	_ =	shalt  }
0x6a: {  	_ =	shalt  }
0x6b: {  	_ =	shalt  }
0x6c: {  	_ =	shalt  }
0x6d: {  	_ =	shalt  }
0x6e: {  	_ =	shalt  }
0x6f: {  	_ =	shalt  }
0x70: {  	_ =	shalt  }
0x71: {  	_ =	shalt  }
0x72: {  	_ =	shalt  }
0x73: {  	_ =	shalt  }
0x74: {  	_ =	shalt  }
0x75: {  	_ =	shalt  }
0x76: {  	_ =	shalt  }
0x77: {  	_ =	shalt  }
0x78: {  	_ =	shalt  }
0x79: {  	_ =	shalt  }
0x7a: {  	_ =	shalt  }
0x7b: {  	_ =	shalt  }
0x7c: {  	_ =	shalt  }
0x7d: {  	_ =	shalt  }
0x7e: {  	_ =	shalt  }
0x7f: {  	_ =	shalt  }
0x80: {  	_ =	shalt  }
0x81: {  	_ =	shalt  }
0x82: {  	_ =	shalt  }
0x83: {  	_ =	shalt  }
0x84: {  	_ =	shalt  }
0x85: {  	_ =	shalt  }
0x86: {  	_ =	shalt  }
0x87: {  	_ =	shalt  }
.Lfunc_end0:
.L_simem_size_0:
called_computation.2_lowered:
.L_overlay_start_0:
0x88: {  	s2 =	sld [smem:$0x3FD9]  }
0x89: {  	s3 =	sld [smem:$0x3FFE];
	_ =	sdelay $0x1  }
0x8a: {  	s1 =	srdreg.scid  }
0x8b: {  	s0 =	sand.u32 $0x1, s1  }
0x8c: {  	s16 =	sshll.u32 s0, $0xA;
	s2 =	sadd.s32 s3, s2  }
0x8d: {  	s2 =	sadd.s32 s2, s16  }
0x8e: {  	[smem:$0x3FB7] =	sst s2  }
0x8f: {  	_ = 	snop  }
0x90: {  	(tm) =	ssettm $0x1  }
0x91: {  	s17 =	sld [smem:$0x3FFB];
	_ =	sdelay $0x3  }
0x92: {  	_ =	strace s17  }
0x93: {  	s2 =	sld [smem:$0x3FFC];
	_ =	sdelay $0x3  }
0x94: {  	_ =	strace s2  }
0x95: {  	s2 =	sld [smem:$0x3FFD];
	_ =	sdelay $0x3  }
0x96: {  	_ =	strace s2  }
0x97: {  	_ =	strace $0x8FFFFFFF  }
0x98: {  	s18 =	sld [smem:$0x3FDB];
	_ =	sdelay $0x1  }
0x99: {  	s19 =	simm.s32 $_scs_section_size  }
0x9a: {  	s4 =	simm.s32 $_size__tile_overlayer_lowered;
	s5 =	simm.s32 $_tile_overlayer_lowered  }
0x9b: {  	s22 =	simm.s32 $0x1BFF;
	s21 =	sshll.u32 s5, $0x1;
	s2 =	sadd.s32 s19, s18  }
0x9c: {  	s6 =	simm.s32 $0x0;
	s20 =	sshll.u32 s4, $0x1;
	s4 =	sadd.s32 s21, s2  }
0x9d: {  	[timem:s6], [sflag:s22] =	dma.local [hbm:s4], s20  }
0x9e: {  	_ =	swait.ge [sflag:s22], s20  }
0x9f: {  	s3 =	ssub.s32 $0x0, s20;
	[sflag:s22] =	ssyncset.done $0x0  }
0xa0: {  	[sflag:s22] =	ssyncadd.s32 s3;
	_ =	sdelay $0x1  }
0xa1: {  	s23 =	simm.s32 $0x1B8B  }
0xa2: {  	_ =	swait.ge [sflag:s23], $0x1  }
0xa3: {  	[sflag:s23] =	ssyncset.done $0x0  }
0xa4: {  	s25 =	simm.s32 $0x1B8E;
	s24 =	sld [smem:$0x3FFE];
	[sflag:s23] =	ssyncadd.s32 $0xFFFFFFFF  }
0xa5: {  	s26 =	simm.s32 $execute0_lowered;
	[smem:$0x3FD2] =	sst s25  }
0xa6: {  	s4 =	sshll.u32 s26, $0x1;
	_ =	strace $0x8000004C;
	[dreg:$0x1] =	wrdreg $0xFFFFFFFF  }
0xa7: {  	s28 =	simm.s32 $_size_execute0_lowered;
	s2 =	sadd.s32 s2, s4;
	[dreg:$0x0] =	wrdreg $0x0  }
0xa8: {  	s4 =	sshll.u32 s28, $0x1;
	[dreg:$0x2] =	wrdreg s2  }
0xa9: {  	[dreg:$0x3] =	wrdreg s4  }
0xaa: {  	[dreg:$0x4] =	wrdreg $0xC0  }
0xab: {  	_ =	task [dreg:s6], $0x5FFFF  }
0xac: {  	[dreg:$0x1] =	wrdreg $0xFFFFFFFF  }
0xad: {  	[dreg:$0x0] =	wrdreg $0x60  }
0xae: {  	[dreg:$0x2] =	wrdreg s24  }
0xaf: {  	[dreg:$0x3] =	wrdreg $0xAE000  }
0xb0: {  	[dreg:$0x4] =	wrdreg $0x9  }
0xb1: {  	_ =	task.clear_ibuf [dreg:s6], $0x5FFFF;
	_ =	strace $0x9000004C  }
0xb2: {  	s29 =	simm.s32 $0x9;
	_ =	strace $0x8000004E  }
0xb3: {  	_ =	swait.ge [sflag:s29], $0x1  }
0xb4: {  	[sflag:s29] =	ssyncadd.s32 $0xFFFFFFFF  }
0xb5: {  	_ =	strace $0x9000004E  }
0xb6: {  	_ =	sfence  }
0xb7: {  	s30 =	sld [smem:$0x0];
	_ =	sdelay $0x2  }
0xb8: {  	s31 =	sshll.u32 s1, $0xD;
	s1 =	sshrl.u32 s1, $0x2  }
0xb9: {  	s3 =	sand.u32 $0x4000, s31;
	s1 =	sadd.s32 s1, s30  }
0xba: {  	s0 =	sor.u32 s3, s0;
	s1 =	sshll.u32 s1, $0x11  }
0xbb: {  	s0 =	sor.u32 s1, s0  }
0xbc: {  	s0 =	sadd.s32 $0x8F2B, s0  }
0xbd: {  	[sflag:s0] =	ssyncadd.remote.s32 $0x1  }
0xbe: {  	_ =	sfence.sel $0xFFFF  }
0xbf: {  	[dreg:$0x0] =	wrdreg $0xFFFFFFFF;
	(pc) =	sbr.abs _section_cstart, $3  }
0xc0: {  	[dreg:$0x1] =	wrdreg $0xFFFFFFFF  }
0xc1: {  	_ =	task.clear_ibuf [dreg:s6], $0x2FFFF;
	_ =	strace $0x9FFFFFFF  }
0xc2: {  	(tm) =	ssettm $0x7FFFFFFF  }
0xc3: {  	_ =	shalt  }
tec
execute0_lowered:
.L_overlay_start_1:
0x0: {  	(tag) =	ssettag $0x1  }
0x1: {  	s1 =	rddreg [dreg:$0x0]  }
0x2: {  	s0 =	srdreg.scid;
	s2 =	rddreg [dreg:$0x1]  }
0x3: {  	s12 =	stileid.u32;
	s3 =	simm.s32 $0x0;
	s29 =	simm.s32 $0x7  }
0x4: {  	s30 =	simm.s32 $0x1;
	s31 =	simm.s32 $0x2C00;
	s9 =	smul.u32 $0x50000, s12  }
0x5: {  	s0 =	sand.u32 $0x1, s0;
	[smem:$0x7FF] =	sst s3;
	s13 =	smul.u32 $0x14000, s12  }
0x6: {  	s6 =	sadd.s32 $0xD800, s1;
	s4 =	sshll.u32 s0, $0x4;
	s15 =	smul.u32 $0x140000, s0  }
0x7: {  	_ =	strace $0x8000004D;
	s10 =	ssub.s32 $0x2, s0;
	s0 =	smul.u32 $0x28800, s0  }
0x8: {  	s7 =	sor.u32 s12, s4;
	s4 =	sadd.s32 $0x24400, s1;
	s11 =	sshrl.u32 s10, $0x1  }
0x9: {  	s9 =	sshrl.u32 s9, $0x2;
	s23 =	sadd.s32 $0x4000, s13;
	s24 =	sadd.s32 $0x8000, s13  }
0xa: {  	s25 =	sadd.s32 $0xC000, s13;
	s14 =	sadd.s32 $0x10000, s13;
	s5 =	smul.u32 $0x580, s7  }
0xb: {  	s10 =	ssub.s32 s10, s11;
	s22 =	sadd.s32 s9, s2;
	s7 =	smul.u32 $0x2880, s7  }
0xc: {  	s28 =	sadd.s32 s23, s2;
	s16 =	sadd.s32 s24, s2;
	s17 =	sadd.s32 s25, s2  }
0xd: {  	s18 =	sadd.s32 s14, s2;
	s26 =	sadd.s32 s13, s15;
	s11 =	smov.u32 s17  }
0xe: {  	s17 =	simm.s32 $0x3;
	s8 =	sadd.s32 s5, s1;
	s5 =	sadd.s32 $0x3600, s1  }
0xf: {  	s7 =	sshrl.u32 s7, $0x3;
	[dreg:$0x4] =	wrdreg s11;
	s8 =	sadd.s32 $0x19400, s8  }
0x10: {  	s1 =	sadd.s32 $0x4C400, s1;
	s19 =	sadd.s32 s5, s7;
	[dreg:$0x3] =	wrdreg s8  }
0x11: {  	s7 =	sadd.s32 $0x10, s19;
	s8 =	sadd.s32 s15, s23;
	s20 =	sadd.s32 $0x20, s19  }
0x12: {  	s23 =	sadd.s32 s15, s24;
	s24 =	sadd.s32 s15, s25;
	[dreg:$0x6] =	wrdreg s19  }
0x13: {  	s25 =	sadd.s32 s15, s14;
	s15 =	smax.u32 s10, $0x1;
	[dreg:$0x7] =	wrdreg s7  }
0x14: {  	s10 =	smov.u32 s16;
	[dreg:$0x8] =	wrdreg s20;
	s7 =	sshrl.u32 s26, $0x3  }
0x15: {  	s14 =	sshrl.u32 s25, $0x3;
	[dreg:$0xe] =	wrdreg s15;
	s25 =	sadd.s32 $0x30, s19  }
0x16: {  	s26 =	smul.u32 $0x2880, s12;
	s12 =	smov.u32 s18;
	[dreg:$0x13] =	wrdreg s25  }
0x17: {  	s8 =	sshrl.u32 s8, $0x3;
	s7 =	sadd.s32 s1, s7;
	[dreg:$0x5] =	wrdreg s12  }
0x18: {  	s16 =	simm.s32 $0x2D80;
	s21 =	sadd.s32 s1, s8;
	[dreg:$0x9] =	wrdreg s7  }
0x19: {  	s15 =	simm.s32 $0x6E00;
	s8 =	sshrl.u32 s24, $0x3;
	[dreg:$0xa] =	wrdreg s21  }
0x1a: {  	s7 =	sshrl.u32 s23, $0x3;
	s13 =	sadd.s32 s1, s8;
	s0 =	sadd.s32 s26, s0  }
0x1b: {  	s26 =	sadd.s32 $0x500, s19;
	s19 =	simm.s32 $0x4;
	s7 =	sadd.s32 s1, s7  }
0x1c: {  	[dreg:$0xc] =	wrdreg s13;
	s1 =	sadd.s32 s1, s14;
	s18 =	sadd.s32 $0x380, s0  }
0x1d: {  	s20 =	sadd.s32 $0x300, s0;
	s21 =	sadd.s32 $0x280, s0;
	[dreg:$0x14] =	wrdreg s26  }
0x1e: {  	s0 =	sadd.s32 $0x200, s0;
	s14 =	simm.s32 $0x2E00;
	[dreg:$0xb] =	wrdreg s7  }
0x1f: {  	s26 =	simm.s32 $0x0;
	[dreg:$0xd] =	wrdreg s1;
	s1 =	sshrl.u32 s18, $0x3  }
0x20: {  	s7 =	sshrl.u32 s20, $0x3;
	s8 =	sshrl.u32 s21, $0x3;
	[dreg:$0x12] =	wrdreg s0  }
0x21: {  	s0 =	simm.s32 $0x2C80;
	s18 =	simm.s32 $0x2;
	s1 =	sadd.s32 s1, s5  }
0x22: {  	s20 =	simm.s32 $0x5;
	s23 =	sadd.s32 s7, s5;
	[dreg:$0xf] =	wrdreg s1  }
0x23: {  	s21 =	simm.s32 $0x6;
	s24 =	sadd.s32 s8, s5;
	[dreg:$0x10] =	wrdreg s23  }
0x24: {  	s7 =	simm.s32 $0x80;
	[dreg:$0x11] =	wrdreg s24;
	s1 =	simm.s32 $0x2D00  }
.LBB2_1:
0x25: {  	s8 =	rddreg [dreg:$0x3];
	s9 =	stileid.u32  }
0x26: {  	s23 =	smov.u32 s22;
	s13 =	sshrl.u32 s28, $0x3;
	s25 =	smov.u32 s10  }
0x27: {  	[tilespmem:s3], [sflag:$0x7] =	stream.linear.gather [hbm4b:s8+s3], $0x2880, $0x38;
	[tilespmem:$0x1EE00] =	vst v63  }
0x28: {  	s8 =	sshll.u32 s9, $0x6;
	s9 =	sshrl.u32 s22, $0x3;
	_ =	swait.ge [sflag:s29], $0x2880  }
0x29: {  	s22 =	sshrl.u32 s10, $0x3;
	s10 =	sshrl.u32 s11, $0x3;
	[sflag:s29] =	ssyncset.done $0x0  }
0x2a: {  	s11 =	sshrl.u32 s12, $0x3;
	s8 =	sor.u32 $0x1C01, s8;
	[sflag:s29] =	ssyncadd.s32 $0xFFFFD780  }
0x2b: {  	[spmem:s9], [sflag:s8] =	dma.local [hbm:s6], $0x800  }
0x2c: {  	[spmem:s13], [sflag:s8] =	dma.local [hbm:s6], $0x800  }
0x2d: {  	[spmem:s22], [sflag:s8] =	dma.local [hbm:s6], $0x800  }
0x2e: {  	[spmem:s10], [sflag:s8] =	dma.local [hbm:s6], $0x800  }
0x2f: {  	[spmem:s11], [sflag:s8] =	dma.local [hbm:s6], $0x800  }
0x30: {  	_ =	swait.ge [sflag:s30], $0x800  }
0x31: {  	[sflag:s30] =	ssyncset.done $0x0  }
0x32: {  	[sflag:s30] =	ssyncadd.s32 $0xFFFFF800  }
0x33: {  	_ =	swait.ge [sflag:s30], $0x800  }
0x34: {  	[sflag:s30] =	ssyncset.done $0x0  }
0x35: {  	[sflag:s30] =	ssyncadd.s32 $0xFFFFF800  }
0x36: {  	_ =	swait.ge [sflag:s30], $0x800  }
0x37: {  	[sflag:s30] =	ssyncset.done $0x0  }
0x38: {  	[sflag:s30] =	ssyncadd.s32 $0xFFFFF800  }
0x39: {  	_ =	swait.ge [sflag:s30], $0x800  }
0x3a: {  	[sflag:s30] =	ssyncset.done $0x0  }
0x3b: {  	[sflag:s30] =	ssyncadd.s32 $0xFFFFF800  }
0x3c: {  	_ =	swait.ge [sflag:s30], $0x800  }
0x3d: {  	[sflag:s30] =	ssyncset.done $0x0  }
0x3e: {  	[sflag:s30] =	ssyncadd.s32 $0xFFFFF800  }
0x3f: {  	[bflag:$0x0] =	sbarrier.arrive $0xFFFF  }
0x40: {  	s12 =	rddreg [dreg:$0x6]  }
0x41: {  	[tilespmem:s31], [sflag:$0x3] =	stream.linear.gather [hbm4b:s12+s3], $0x80, $0x38;
	[tilespmem:$0x1EE00] =	vst v63  }
0x42: {  	s13 =	rddreg [dreg:$0x7]  }
0x43: {  	[tilespmem:s0], [sflag:$0x4] =	stream.linear.gather [hbm4b:s13+s3], $0x80, $0x38;
	[tilespmem:$0x1EE00] =	vst v63  }
0x44: {  	s22 =	rddreg [dreg:$0x8]  }
0x45: {  	[tilespmem:s1], [sflag:$0x5] =	stream.linear.gather [hbm4b:s22+s3], $0x80, $0x38;
	[tilespmem:$0x1EE00] =	vst v63  }
0x46: {  	_ = 	snop  }
0x47: {  	[tilespmem:s14], [sflag:$0x1] =	stream.indirect.gather [hbm4b:s4+s7], $0x80, s3, s7, $0xb8;
	[tilespmem:$0x1EE00] =	vst v63  }
0x48: {  	_ =	swait.ge [sflag:s30], $0x4000  }
0x49: {  	[sflag:s30] =	ssyncset.done $0x0  }
0x4a: {  	[sflag:s30] =	ssyncadd.s32 $0xFFFFC000  }
0x4b: {  	[tilespmem:s15], [sflag:$0x1] =	stream.indirect.gather [hbm4b:s4+s7], $0x80, s7, s7, $0xb8;
	[tilespmem:$0x1EE00] =	vst v63  }
0x4c: {  	s9 =	rddreg [dreg:$0x13]  }
0x4d: {  	[tilespmem:s16], [sflag:$0x6] =	stream.linear.gather [hbm4b:s9+s3], $0x80, $0x38;
	[tilespmem:$0x1EE00] =	vst v63  }
0x4e: {  	_ =	swait.ge [sflag:s17], $0x80  }
0x4f: {  	[sflag:s17] =	ssyncset.done $0x0  }
0x50: {  	[sflag:s17] =	ssyncadd.s32 $0xFFFFFF80  }
0x51: {  	[spmem:s2] =	stream.indirect.scatter.add.f32 [tilespmem:s14], [sflag:$0x2], $0x80, s31, s7, $0xb8;
	[tilespmem:$0x1EE00] =	vst v63  }
0x52: {  	_ =	swait.ge [sflag:s30], $0x4000  }
0x53: {  	[sflag:s30] =	ssyncset.done $0x0  }
0x54: {  	[sflag:s30] =	ssyncadd.s32 $0xFFFFC000  }
0x55: {  	_ =	swait.ge [sflag:s18], $0x4000  }
0x56: {  	[sflag:s18] =	ssyncset.done $0x0;
	s12 =	rddreg [dreg:$0x12]  }
0x57: {  	s10 =	simm.s32 $0x100;
	[sflag:s18] =	ssyncadd.s32 $0xFFFFC000;
	s11 =	sshrl.u32 s12, $0x3  }
0x58: {  	[tilespmem:s14], [sflag:$0x1] =	stream.indirect.gather [hbm4b:s4+s7], $0x80, s10, s7, $0xb8;
	[tilespmem:$0x1EE00] =	vst v63  }
0x59: {  	s13 =	sadd.s32 s5, s11  }
0x5a: {  	[tilespmem:s31], [sflag:$0x3] =	stream.linear.gather [hbm4b:s13+s3], $0x80, $0x38;
	[tilespmem:$0x1EE00] =	vst v63  }
0x5b: {  	_ =	swait.ge [sflag:s19], $0x80  }
0x5c: {  	[sflag:s19] =	ssyncset.done $0x0  }
0x5d: {  	[sflag:s19] =	ssyncadd.s32 $0xFFFFFF80  }
0x5e: {  	[spmem:s2] =	stream.indirect.scatter.add.f32 [tilespmem:s15], [sflag:$0x2], $0x80, s0, s7, $0xb8;
	[tilespmem:$0x1EE00] =	vst v63  }
0x5f: {  	_ =	swait.ge [sflag:s30], $0x4000  }
0x60: {  	[sflag:s30] =	ssyncset.done $0x0  }
0x61: {  	[sflag:s30] =	ssyncadd.s32 $0xFFFFC000  }
0x62: {  	_ =	swait.ge [sflag:s18], $0x4000  }
0x63: {  	[sflag:s18] =	ssyncset.done $0x0  }
0x64: {  	s22 =	simm.s32 $0x180;
	[sflag:s18] =	ssyncadd.s32 $0xFFFFC000  }
0x65: {  	[tilespmem:s15], [sflag:$0x1] =	stream.indirect.gather [hbm4b:s4+s7], $0x80, s22, s7, $0xb8;
	[tilespmem:$0x1EE00] =	vst v63  }
0x66: {  	s9 =	rddreg [dreg:$0x11]  }
0x67: {  	[tilespmem:s0], [sflag:$0x4] =	stream.linear.gather [hbm4b:s9+s3], $0x80, $0x38;
	[tilespmem:$0x1EE00] =	vst v63  }
0x68: {  	_ =	swait.ge [sflag:s20], $0x80  }
0x69: {  	[sflag:s20] =	ssyncset.done $0x0  }
0x6a: {  	[sflag:s20] =	ssyncadd.s32 $0xFFFFFF80  }
0x6b: {  	[spmem:s2] =	stream.indirect.scatter.add.f32 [tilespmem:s14], [sflag:$0x2], $0x80, s1, s7, $0xb8;
	[tilespmem:$0x1EE00] =	vst v63  }
0x6c: {  	_ =	swait.ge [sflag:s30], $0x4000  }
0x6d: {  	[sflag:s30] =	ssyncset.done $0x0  }
0x6e: {  	[sflag:s30] =	ssyncadd.s32 $0xFFFFC000  }
0x6f: {  	_ =	swait.ge [sflag:s18], $0x4000  }
0x70: {  	[sflag:s18] =	ssyncset.done $0x0  }
0x71: {  	s10 =	simm.s32 $0x200;
	[sflag:s18] =	ssyncadd.s32 $0xFFFFC000  }
0x72: {  	[tilespmem:s14], [sflag:$0x1] =	stream.indirect.gather [hbm4b:s4+s7], $0x80, s10, s7, $0xb8;
	[tilespmem:$0x1EE00] =	vst v63  }
0x73: {  	s10 =	rddreg [dreg:$0x10]  }
0x74: {  	[tilespmem:s1], [sflag:$0x5] =	stream.linear.gather [hbm4b:s10+s3], $0x80, $0x38;
	[tilespmem:$0x1EE00] =	vst v63  }
0x75: {  	_ =	swait.ge [sflag:s21], $0x80  }
0x76: {  	[sflag:s21] =	ssyncset.done $0x0  }
0x77: {  	[sflag:s21] =	ssyncadd.s32 $0xFFFFFF80  }
0x78: {  	[spmem:s2] =	stream.indirect.scatter.add.f32 [tilespmem:s15], [sflag:$0x2], $0x80, s16, s7, $0xb8;
	[tilespmem:$0x1EE00] =	vst v63  }
0x79: {  	_ =	swait.ge [sflag:s30], $0x4000  }
0x7a: {  	[sflag:s30] =	ssyncset.done $0x0  }
0x7b: {  	[sflag:s30] =	ssyncadd.s32 $0xFFFFC000  }
0x7c: {  	_ =	swait.ge [sflag:s18], $0x4000  }
0x7d: {  	[sflag:s18] =	ssyncset.done $0x0  }
0x7e: {  	s13 =	simm.s32 $0x280;
	[sflag:s18] =	ssyncadd.s32 $0xFFFFC000  }
0x7f: {  	[tilespmem:s15], [sflag:$0x1] =	stream.indirect.gather [hbm4b:s4+s7], $0x80, s13, s7, $0xb8;
	[tilespmem:$0x1EE00] =	vst v63  }
0x80: {  	s22 =	rddreg [dreg:$0xf]  }
0x81: {  	[tilespmem:s16], [sflag:$0x6] =	stream.linear.gather [hbm4b:s22+s3], $0x80, $0x38;
	[tilespmem:$0x1EE00] =	vst v63  }
0x82: {  	s24 =	smov.u32 s28;
	s28 =	simm.s32 $0x800;
	_ =	swait.ge [sflag:s17], $0x80  }
0x83: {  	s8 =	sadd.s32 $0x200, s12;
	s10 =	sadd.s32 $0x40, s10;
	[sflag:s17] =	ssyncset.done $0x0  }
0x84: {  	s13 =	sadd.s32 $0x40, s9;
	s9 =	sadd.s32 $0x40, s22;
	[sflag:s17] =	ssyncadd.s32 $0xFFFFFF80  }
.LBB2_2:
0x85: {  	[spmem:s2] =	stream.indirect.scatter.add.f32 [tilespmem:s14], [sflag:$0x2], $0x80, s31, s7, $0xb8;
	[tilespmem:$0x1EE00] =	vst v63  }
0x86: {  	s11 =	smov.u32 s28  }
0x87: {  	p0 =	sne.s32 s28, $0x9000;
	s28 =	sadd.s32 $0x800, s28;
	_ =	swait.ge [sflag:s30], $0x4000  }
0x88: {  	[sflag:s30] =	ssyncset.done $0x0  }
0x89: {  	[sflag:s30] =	ssyncadd.s32 $0xFFFFC000  }
0x8a: {  	_ =	swait.ge [sflag:s18], $0x4000  }
0x8b: {  	s11 =	sshra.s32 s11, $0x2;
	[sflag:s18] =	ssyncset.done $0x0  }
0x8c: {  	s22 =	sshrl.u32 s8, $0x3;
	s12 =	sadd.s32 $0x100, s11;
	[sflag:s18] =	ssyncadd.s32 $0xFFFFC000  }
0x8d: {  	[tilespmem:s14], [sflag:$0x1] =	stream.indirect.gather [hbm4b:s4+s7], $0x80, s12, s7, $0xb8;
	[tilespmem:$0x1EE00] =	vst v63  }
0x8e: {  	s12 =	sadd.s32 s5, s22  }
0x8f: {  	[tilespmem:s31], [sflag:$0x3] =	stream.linear.gather [hbm4b:s12+s3], $0x80, $0x38;
	[tilespmem:$0x1EE00] =	vst v63  }
0x90: {  	_ =	swait.ge [sflag:s19], $0x80  }
0x91: {  	[sflag:s19] =	ssyncset.done $0x0  }
0x92: {  	[sflag:s19] =	ssyncadd.s32 $0xFFFFFF80  }
0x93: {  	[spmem:s2] =	stream.indirect.scatter.add.f32 [tilespmem:s15], [sflag:$0x2], $0x80, s0, s7, $0xb8;
	[tilespmem:$0x1EE00] =	vst v63  }
0x94: {  	_ =	swait.ge [sflag:s30], $0x4000  }
0x95: {  	[sflag:s30] =	ssyncset.done $0x0  }
0x96: {  	[sflag:s30] =	ssyncadd.s32 $0xFFFFC000  }
0x97: {  	_ =	swait.ge [sflag:s18], $0x4000  }
0x98: {  	[sflag:s18] =	ssyncset.done $0x0  }
0x99: {  	s12 =	sadd.s32 $0x180, s11;
	[sflag:s18] =	ssyncadd.s32 $0xFFFFC000  }
0x9a: {  	[tilespmem:s15], [sflag:$0x1] =	stream.indirect.gather [hbm4b:s4+s7], $0x80, s12, s7, $0xb8;
	[tilespmem:$0x1EE00] =	vst v63  }
0x9b: {  	_ = 	snop  }
0x9c: {  	[tilespmem:s0], [sflag:$0x4] =	stream.linear.gather [hbm4b:s13+s3], $0x80, $0x38;
	[tilespmem:$0x1EE00] =	vst v63  }
0x9d: {  	_ =	swait.ge [sflag:s20], $0x80  }
0x9e: {  	[sflag:s20] =	ssyncset.done $0x0  }
0x9f: {  	[sflag:s20] =	ssyncadd.s32 $0xFFFFFF80  }
0xa0: {  	[spmem:s2] =	stream.indirect.scatter.add.f32 [tilespmem:s14], [sflag:$0x2], $0x80, s1, s7, $0xb8;
	[tilespmem:$0x1EE00] =	vst v63  }
0xa1: {  	_ =	swait.ge [sflag:s30], $0x4000  }
0xa2: {  	[sflag:s30] =	ssyncset.done $0x0  }
0xa3: {  	[sflag:s30] =	ssyncadd.s32 $0xFFFFC000  }
0xa4: {  	_ =	swait.ge [sflag:s18], $0x4000  }
0xa5: {  	[sflag:s18] =	ssyncset.done $0x0  }
0xa6: {  	s12 =	sadd.s32 $0x200, s11;
	[sflag:s18] =	ssyncadd.s32 $0xFFFFC000  }
0xa7: {  	[tilespmem:s14], [sflag:$0x1] =	stream.indirect.gather [hbm4b:s4+s7], $0x80, s12, s7, $0xb8;
	[tilespmem:$0x1EE00] =	vst v63  }
0xa8: {  	_ = 	snop  }
0xa9: {  	[tilespmem:s1], [sflag:$0x5] =	stream.linear.gather [hbm4b:s10+s3], $0x80, $0x38;
	[tilespmem:$0x1EE00] =	vst v63  }
0xaa: {  	_ =	swait.ge [sflag:s21], $0x80  }
0xab: {  	[sflag:s21] =	ssyncset.done $0x0  }
0xac: {  	[sflag:s21] =	ssyncadd.s32 $0xFFFFFF80  }
0xad: {  	[spmem:s2] =	stream.indirect.scatter.add.f32 [tilespmem:s15], [sflag:$0x2], $0x80, s16, s7, $0xb8;
	[tilespmem:$0x1EE00] =	vst v63  }
0xae: {  	_ =	swait.ge [sflag:s30], $0x4000  }
0xaf: {  	[sflag:s30] =	ssyncset.done $0x0  }
0xb0: {  	[sflag:s30] =	ssyncadd.s32 $0xFFFFC000  }
0xb1: {  	_ =	swait.ge [sflag:s18], $0x4000  }
0xb2: {  	[sflag:s18] =	ssyncset.done $0x0  }
0xb3: {  	s11 =	sadd.s32 $0x280, s11;
	[sflag:s18] =	ssyncadd.s32 $0xFFFFC000  }
0xb4: {  	[tilespmem:s15], [sflag:$0x1] =	stream.indirect.gather [hbm4b:s4+s7], $0x80, s11, s7, $0xb8;
	[tilespmem:$0x1EE00] =	vst v63  }
.Ltmp0:
0xb5: {  	(pc) =	sbr.rel @p0 .LBB2_2-.Ltmp0, $4  }
0xb6: {  	[tilespmem:s16], [sflag:$0x6] =	stream.linear.gather [hbm4b:s9+s3], $0x80, $0x38;
	[tilespmem:$0x1EE00] =	vst v63  }
0xb7: {  	_ =	swait.ge [sflag:s17], $0x80  }
0xb8: {  	s8 =	sadd.s32 $0x200, s8;
	s13 =	sadd.s32 $0x40, s13;
	[sflag:s17] =	ssyncset.done $0x0  }
0xb9: {  	s10 =	sadd.s32 $0x40, s10;
	s9 =	sadd.s32 $0x40, s9;
	[sflag:s17] =	ssyncadd.s32 $0xFFFFFF80  }
0xba: {  	[spmem:s2] =	stream.indirect.scatter.add.f32 [tilespmem:s14], [sflag:$0x2], $0x80, s31, s7, $0xb8;
	[tilespmem:$0x1EE00] =	vst v63  }
0xbb: {  	_ =	swait.ge [sflag:s30], $0x4000  }
0xbc: {  	[sflag:s30] =	ssyncset.done $0x0  }
0xbd: {  	[sflag:s30] =	ssyncadd.s32 $0xFFFFC000  }
0xbe: {  	_ =	swait.ge [sflag:s18], $0x4000  }
0xbf: {  	[sflag:s18] =	ssyncset.done $0x0  }
0xc0: {  	s8 =	simm.s32 $0x2700;
	[sflag:s18] =	ssyncadd.s32 $0xFFFFC000  }
0xc1: {  	[tilespmem:s14], [sflag:$0x1] =	stream.indirect.gather [hbm4b:s4+s7], $0x80, s8, s7, $0xb8;
	[tilespmem:$0x1EE00] =	vst v63  }
0xc2: {  	s22 =	rddreg [dreg:$0x14]  }
0xc3: {  	[tilespmem:s31], [sflag:$0x3] =	stream.linear.gather [hbm4b:s22+s3], $0x80, $0x38;
	[tilespmem:$0x1EE00] =	vst v63  }
0xc4: {  	_ =	swait.ge [sflag:s19], $0x80  }
0xc5: {  	[sflag:s19] =	ssyncset.done $0x0  }
0xc6: {  	[sflag:s19] =	ssyncadd.s32 $0xFFFFFF80  }
0xc7: {  	[spmem:s2] =	stream.indirect.scatter.add.f32 [tilespmem:s15], [sflag:$0x2], $0x80, s0, s7, $0xb8;
	[tilespmem:$0x1EE00] =	vst v63  }
0xc8: {  	_ =	swait.ge [sflag:s30], $0x4000  }
0xc9: {  	[sflag:s30] =	ssyncset.done $0x0  }
0xca: {  	[sflag:s30] =	ssyncadd.s32 $0xFFFFC000  }
0xcb: {  	_ =	swait.ge [sflag:s18], $0x4000  }
0xcc: {  	[sflag:s18] =	ssyncset.done $0x0  }
0xcd: {  	s9 =	simm.s32 $0x2780;
	[sflag:s18] =	ssyncadd.s32 $0xFFFFC000  }
0xce: {  	[tilespmem:s15], [sflag:$0x1] =	stream.indirect.gather [hbm4b:s4+s7], $0x80, s9, s7, $0xb8;
	[tilespmem:$0x1EE00] =	vst v63  }
0xcf: {  	_ =	swait.ge [sflag:s20], $0x80  }
0xd0: {  	[sflag:s20] =	ssyncset.done $0x0  }
0xd1: {  	[sflag:s20] =	ssyncadd.s32 $0xFFFFFF80  }
0xd2: {  	[spmem:s2] =	stream.indirect.scatter.add.f32 [tilespmem:s14], [sflag:$0x2], $0x80, s1, s7, $0xb8;
	[tilespmem:$0x1EE00] =	vst v63  }
0xd3: {  	_ =	swait.ge [sflag:s30], $0x4000  }
0xd4: {  	[sflag:s30] =	ssyncset.done $0x0  }
0xd5: {  	[sflag:s30] =	ssyncadd.s32 $0xFFFFC000  }
0xd6: {  	_ =	swait.ge [sflag:s18], $0x4000  }
0xd7: {  	[sflag:s18] =	ssyncset.done $0x0  }
0xd8: {  	s10 =	simm.s32 $0x2800;
	[sflag:s18] =	ssyncadd.s32 $0xFFFFC000  }
0xd9: {  	[tilespmem:s14], [sflag:$0x1] =	stream.indirect.gather [hbm4b:s4+s7], $0x80, s10, s7, $0xb8;
	[tilespmem:$0x1EE00] =	vst v63  }
0xda: {  	_ =	swait.ge [sflag:s21], $0x80  }
0xdb: {  	[sflag:s21] =	ssyncset.done $0x0  }
0xdc: {  	[sflag:s21] =	ssyncadd.s32 $0xFFFFFF80  }
0xdd: {  	[spmem:s2] =	stream.indirect.scatter.add.f32 [tilespmem:s15], [sflag:$0x2], $0x80, s16, s7, $0xb8;
	[tilespmem:$0x1EE00] =	vst v63  }
0xde: {  	_ =	swait.ge [sflag:s30], $0x4000  }
0xdf: {  	[sflag:s30] =	ssyncset.done $0x0  }
0xe0: {  	[sflag:s30] =	ssyncadd.s32 $0xFFFFC000  }
0xe1: {  	_ =	swait.ge [sflag:s18], $0x4000  }
0xe2: {  	[sflag:s18] =	ssyncset.done $0x0  }
0xe3: {  	[sflag:s18] =	ssyncadd.s32 $0xFFFFC000  }
0xe4: {  	_ =	swait.ge [sflag:s17], $0x80  }
0xe5: {  	[sflag:s17] =	ssyncset.done $0x0  }
0xe6: {  	[sflag:s17] =	ssyncadd.s32 $0xFFFFFF80  }
0xe7: {  	[spmem:s2] =	stream.indirect.scatter.add.f32 [tilespmem:s14], [sflag:$0x2], $0x80, s31, s7, $0xb8;
	[tilespmem:$0x1EE00] =	vst v63  }
0xe8: {  	_ =	swait.ge [sflag:s18], $0x4000  }
0xe9: {  	[sflag:s18] =	ssyncset.done $0x0  }
0xea: {  	[sflag:s18] =	ssyncadd.s32 $0xFFFFC000  }
0xeb: {  	[bflag:$0x0] =	sbarrier.arrive $0xFFFF  }
0xec: {  	[tilespmem:s14], [sflag:$0x7] =	stream.linear.gather [spmem:s23], $0x4000, $0x38;
	[tilespmem:$0x1EE00] =	vst v63  }
0xed: {  	_ =	swait.ge [sflag:s29], $0x4000  }
0xee: {  	[sflag:s29] =	ssyncset.done $0x0  }
0xef: {  	s11 =	rddreg [dreg:$0x9];
	[sflag:s29] =	ssyncadd.s32 $0xFFFFC000  }
0xf0: {  	[hbm4b:s11+s3] =	stream.linear.scatter [tilespmem:s14], [sflag:$0x7], $0x4000, $0x38;
	[tilespmem:$0x1EE00] =	vst v63  }
0xf1: {  	_ =	swait.ge [sflag:s29], $0x4000  }
0xf2: {  	[sflag:s29] =	ssyncset.done $0x0  }
0xf3: {  	[sflag:s29] =	ssyncadd.s32 $0xFFFFC000  }
0xf4: {  	[tilespmem:s14], [sflag:$0x7] =	stream.linear.gather [spmem:s24], $0x4000, $0x38;
	[tilespmem:$0x1EE00] =	vst v63  }
0xf5: {  	_ =	swait.ge [sflag:s29], $0x4000  }
0xf6: {  	[sflag:s29] =	ssyncset.done $0x0  }
0xf7: {  	s12 =	rddreg [dreg:$0xa];
	[sflag:s29] =	ssyncadd.s32 $0xFFFFC000  }
0xf8: {  	[hbm4b:s12+s3] =	stream.linear.scatter [tilespmem:s14], [sflag:$0x7], $0x4000, $0x38;
	[tilespmem:$0x1EE00] =	vst v63  }
0xf9: {  	_ =	swait.ge [sflag:s29], $0x4000  }
0xfa: {  	[sflag:s29] =	ssyncset.done $0x0  }
0xfb: {  	[sflag:s29] =	ssyncadd.s32 $0xFFFFC000  }
0xfc: {  	[tilespmem:s14], [sflag:$0x7] =	stream.linear.gather [spmem:s25], $0x4000, $0x38;
	[tilespmem:$0x1EE00] =	vst v63  }
0xfd: {  	_ =	swait.ge [sflag:s29], $0x4000  }
0xfe: {  	[sflag:s29] =	ssyncset.done $0x0  }
0xff: {  	s13 =	rddreg [dreg:$0xb];
	[sflag:s29] =	ssyncadd.s32 $0xFFFFC000  }
0x100: {  	[hbm4b:s13+s3] =	stream.linear.scatter [tilespmem:s14], [sflag:$0x7], $0x4000, $0x38;
	[tilespmem:$0x1EE00] =	vst v63  }
0x101: {  	_ =	swait.ge [sflag:s29], $0x4000  }
0x102: {  	[sflag:s29] =	ssyncset.done $0x0  }
0x103: {  	s11 =	rddreg [dreg:$0x4];
	[sflag:s29] =	ssyncadd.s32 $0xFFFFC000  }
0x104: {  	[tilespmem:s14], [sflag:$0x7] =	stream.linear.gather [spmem:s11], $0x4000, $0x38;
	[tilespmem:$0x1EE00] =	vst v63  }
0x105: {  	_ =	swait.ge [sflag:s29], $0x4000  }
0x106: {  	[sflag:s29] =	ssyncset.done $0x0  }
0x107: {  	s22 =	smov.u32 s23;
	s23 =	rddreg [dreg:$0xc];
	[sflag:s29] =	ssyncadd.s32 $0xFFFFC000  }
0x108: {  	[hbm4b:s23+s3] =	stream.linear.scatter [tilespmem:s14], [sflag:$0x7], $0x4000, $0x38;
	[tilespmem:$0x1EE00] =	vst v63  }
0x109: {  	_ =	swait.ge [sflag:s29], $0x4000  }
0x10a: {  	[sflag:s29] =	ssyncset.done $0x0  }
0x10b: {  	s12 =	rddreg [dreg:$0x5];
	[sflag:s29] =	ssyncadd.s32 $0xFFFFC000  }
0x10c: {  	[tilespmem:s14], [sflag:$0x7] =	stream.linear.gather [spmem:s12], $0x4000, $0x38;
	[tilespmem:$0x1EE00] =	vst v63  }
0x10d: {  	_ =	swait.ge [sflag:s29], $0x4000  }
0x10e: {  	[sflag:s29] =	ssyncset.done $0x0  }
0x10f: {  	s28 =	smov.u32 s24;
	s24 =	rddreg [dreg:$0xd];
	[sflag:s29] =	ssyncadd.s32 $0xFFFFC000  }
0x110: {  	[hbm4b:s24+s3] =	stream.linear.scatter [tilespmem:s14], [sflag:$0x7], $0x4000, $0x38;
	[tilespmem:$0x1EE00] =	vst v63  }
0x111: {  	_ =	swait.ge [sflag:s29], $0x4000  }
0x112: {  	s26 =	sadd.s32 $0x1, s26;
	s10 =	smov.u32 s25;
	s25 =	rddreg [dreg:$0xe]  }
0x113: {  	p0 =	sne.s32 s26, s25  }
.Ltmp1:
0x114: {  	_ = 	snop;
	(pc) =	sbr.rel @p0 .LBB2_1-.Ltmp1, $3  }
0x115: {  	_ =	sdelay $0x1  }
0x116: {  	[sflag:s29] =	ssyncset.done $0x0  }
0x117: {  	[sflag:s29] =	ssyncadd.s32 $0xFFFFC000  }
0x118: {  	_ =	sfence.sel $0x180000  }
0x119: {  	[bflag:$0x0] =	sbarrier.arrive $0xFFFF  }
0x11a: {  	_ =	strace $0x9000004D  }
0x11b: {  	s0 =	stileid.u32;
	[bflag:$0x2] =	sbarrier.arrive $0xFFFF  }
0x11c: {  	p0 =	sne.s32 s0, $0x0;
	s0 =	rddreg [dreg:$0x2]  }
0x11d: {  	s0 =	sadd.s32 @!p0 $0x100000, s0  }
0x11e: {  	[sflag:s0] =	ssyncadd.tile.s32 @!p0 $0x1;
	_ =	shalt  }
.Lfunc_end2:
_tile_overlayer_lowered:
.L_overlay_start_2:
0x11f: {  	(tag) =	ssettag $0x2  }
0x120: {  	s0 =	rddreg [dreg:$0x0];
	s2 =	stileid.u32  }
0x121: {  	s1 =	rddreg [dreg:$0x1];
	p0 =	sne.s32 s2, $0x0  }
0x122: {  	s3 =	rddreg [dreg:$0x2];
	[bflag:$0x3] =	sbarrier.arrive $0xFFFF;
	s2 =	simm.s32 @!p0 $0x1C07  }
0x123: {  	[timem:s3], [sflag:s2] =	dma.local @!p0 [hbm:s0], s1  }
0x124: {  	s0 =	simm.s32 @!p0 $0x7  }
0x125: {  	_ =	swait.ge @!p0 [sflag:s0], s1  }
0x126: {  	s1 =	ssub.s32 @!p0 $0x0, s1;
	[sflag:s0] =	ssyncset.done @!p0 $0x0  }
0x127: {  	[sflag:s0] =	ssyncadd.s32 @!p0 s1  }
0x128: {  	[bflag:$0x3] =	sbarrier.arrive $0xFFFF  }
0x129: {  	_ =	shalt  }

// kernel: kernel.9.cloned.1.call-start
scs
__scs_entry_jumppad:
0x0: {  	(pc) =	sbr.rel $0x88, $3  }
0x1: {  	(tag) =	ssettag $0x0;
	lr =	simm.s32 $0x1  }
0x2: {  	[smem:$0x3F90] =	sst lr;
	_ =	strace $0xD0000000  }
0x3: {  	_ = 	snop  }
0x4: {  	_ = 	snop  }
0x5: {  	_ = 	snop  }
0x6: {  	_ = 	snop  }
0x7: {  	_ = 	snop  }
__scs_overlays_trampoline_lowered:
0x8: {  	[smem:$0x3F9F] =	sst s0  }
0x9: {  	[smem:$0x3FA0] =	sst s1  }
0xa: {  	[smem:$0x3FA1] =	sst s2  }
0xb: {  	[smem:$0x3FA2] =	sst s3  }
0xc: {  	[smem:$0x3FA3] =	sst s4  }
0xd: {  	[smem:$0x3FA4] =	sst s5  }
0xe: {  	[smem:$0x3FA5] =	sst s6  }
0xf: {  	[smem:$0x3FA6] =	sst s7  }
0x10: {  	[smem:$0x3FA7] =	sst s8  }
0x11: {  	[smem:$0x3FA8] =	sst s9;
	s0 =	simm.s32 @!p0 $0x0  }
0x12: {  	s1 =	sld [smem:$0x3F8E];
	s0 =	simm.s32 @p0 $0x1  }
0x13: {  	[smem:$0x3FA9] =	sst s0;
	s0 =	simm.s32 @!p1 $0x0  }
0x14: {  	s2 =	sld [smem:$0x3F8D];
	s0 =	simm.s32 @p1 $0x1  }
0x15: {  	[smem:$0x3FAA] =	sst s0;
	s0 =	simm.s32 @!p2 $0x0  }
0x16: {  	s3 =	sld [smem:$0x3FDB];
	s0 =	simm.s32 @p2 $0x1  }
0x17: {  	s4 =	simm.s32 $0x1BF5;
	[smem:$0x3FAC] =	sst s0  }
0x18: {  	s0 =	sld [smem:$0x3F8F];
	_ =	swait.ge [sflag:s4], $0x0  }
0x19: {  	s7 =	sld [smem:$0x3F90]  }
0x1a: {  	s8 =	sadd.s32 $0xFFFFE003, lr  }
0x1b: {  	s9 =	sadd.s32 $0xFFFFFEF7, lr;
	s5 =	simm.s32 $0xFFFFFFFF;
	p2 =	slt.u32 s8, $0xFFFFF086  }
0x1c: {  	p1 =	slt.u32 s9, $0xF7A;
	s5 =	simm.s32 @!p2 $0x0  }
0x1d: {  	s5 =	simm.s32 @p1 $0x1;
	p0 =	seq.s32 s7, s2  }
0x1e: {  	s7 =	smul.u32 @!p0 $0xF7A, s2;
	p2 =	seq.s32 @!p0 s5, $0x0  }
0x1f: {  	s9 =	smul.u32 $0xF7A, s1;
	s8 =	simm.s32 @!p0 $0x1BF5;
	p2 =	por !p2, p0  }
0x20: {  	[sflag:s8] =	ssyncset.s32 @!p0 $0xFFFFF086;
	s6 =	sadd.s32 @!p0 s3, s7;
	s7 =	simm.s32 @!p0 $0x108  }
0x21: {  	s3 =	sadd.s32 s3, s9;
	s6 =	sadd.s32 @!p0 $0x88, s6;
	s7 =	simm.s32 @p2 $0x1082  }
0x22: {  	[simem:s7], [sflag:s8] =	dma.local @!p0 [hbm:s6], $0xF7A  }
0x23: {  	s9 =	sor.u32 $0xD0000000, s2;
	s6 =	simm.s32 $0x108;
	_ =	swait.ge @!p0 [sflag:s8], $0x0  }
0x24: {  	s3 =	sadd.s32 $0x88, s3;
	s6 =	simm.s32 @!p1 $0x1082;
	[sflag:s4] =	ssyncset.s32 $0xFFFFF086  }
0x25: {  	[simem:s6], [sflag:s4] =	dma.local [hbm:s3], $0xF7A  }
0x26: {  	[smem:$0x3F90] =	sst s1;
	(tag) =	ssettag s2;
	_ =	strace s9  }
0x27: {  	s1 =	sld [smem:$0x3FA0]  }
0x28: {  	s2 =	sld [smem:$0x3FA1]  }
0x29: {  	s4 =	sld [smem:$0x3FA3]  }
0x2a: {  	p0 =	seq.s32 s5, $0x0;
	s5 =	sld [smem:$0x3FA4]  }
0x2b: {  	s6 =	sld [smem:$0x3FA5]  }
0x2c: {  	s7 =	sld [smem:$0x3FA6]  }
0x2d: {  	s3 =	simm.s32 $0x108;
	s8 =	sld [smem:$0x3FA7]  }
0x2e: {  	s3 =	simm.s32 @!p0 $0x1082;
	s9 =	sld [smem:$0x3FA8]  }
0x2f: {  	lr =	sadd.s32 s0, s3;
	s0 =	sld [smem:$0x3F9F]  }
0x30: {  	s3 =	sld [smem:$0x3FA2]  }
0x31: {  	[smem:$0x3FAB] =	sst s10  }
0x32: {  	s10 =	sld [smem:$0x3FA9];
	_ =	sdelay $0x3  }
0x33: {  	p0 =	seq.s32 s10, $0x1;
	s10 =	sld [smem:$0x3FAB];
	_ =	sdelay $0x3  }
0x34: {  	[smem:$0x3FAB] =	sst s10  }
0x35: {  	s10 =	sld [smem:$0x3FAA];
	_ =	sdelay $0x3  }
0x36: {  	p1 =	seq.s32 s10, $0x1;
	s10 =	sld [smem:$0x3FAB];
	_ =	sdelay $0x3  }
0x37: {  	[smem:$0x3FAB] =	sst s10  }
0x38: {  	s10 =	sld [smem:$0x3FAC]  }
0x39: {  	_ = 	snop;
	(pc) =	sbr.ind lr, $3  }
0x3a: {  	_ = 	snop  }
0x3b: {  	_ = 	snop  }
0x3c: {  	p2 =	seq.s32 s10, $0x1;
	s10 =	sld [smem:$0x3FAB]  }
0x3d: {  	_ =	shalt  }
0x3e: {  	_ =	shalt  }
0x3f: {  	_ =	shalt  }
0x40: {  	_ =	shalt  }
0x41: {  	_ =	shalt  }
0x42: {  	_ =	shalt  }
0x43: {  	_ =	shalt  }
0x44: {  	_ =	shalt  }
0x45: {  	_ =	shalt  }
0x46: {  	_ =	shalt  }
0x47: {  	_ =	shalt  }
0x48: {  	_ =	shalt  }
0x49: {  	_ =	shalt  }
0x4a: {  	_ =	shalt  }
0x4b: {  	_ =	shalt  }
0x4c: {  	_ =	shalt  }
0x4d: {  	_ =	shalt  }
0x4e: {  	_ =	shalt  }
0x4f: {  	_ =	shalt  }
0x50: {  	_ =	shalt  }
0x51: {  	_ =	shalt  }
0x52: {  	_ =	shalt  }
0x53: {  	_ =	shalt  }
0x54: {  	_ =	shalt  }
0x55: {  	_ =	shalt  }
0x56: {  	_ =	shalt  }
0x57: {  	_ =	shalt  }
0x58: {  	_ =	shalt  }
0x59: {  	_ =	shalt  }
0x5a: {  	_ =	shalt  }
0x5b: {  	_ =	shalt  }
0x5c: {  	_ =	shalt  }
0x5d: {  	_ =	shalt  }
0x5e: {  	_ =	shalt  }
0x5f: {  	_ =	shalt  }
0x60: {  	_ =	shalt  }
0x61: {  	_ =	shalt  }
0x62: {  	_ =	shalt  }
0x63: {  	_ =	shalt  }
0x64: {  	_ =	shalt  }
0x65: {  	_ =	shalt  }
0x66: {  	_ =	shalt  }
0x67: {  	_ =	shalt  }
0x68: {  	_ =	shalt  }
0x69: {  	_ =	shalt  }
0x6a: {  	_ =	shalt  }
0x6b: {  	_ =	shalt  }
0x6c: {  	_ =	shalt  }
0x6d: {  	_ =	shalt  }
0x6e: {  	_ =	shalt  }
0x6f: {  	_ =	shalt  }
0x70: {  	_ =	shalt  }
0x71: {  	_ =	shalt  }
0x72: {  	_ =	shalt  }
0x73: {  	_ =	shalt  }
0x74: {  	_ =	shalt  }
0x75: {  	_ =	shalt  }
0x76: {  	_ =	shalt  }
0x77: {  	_ =	shalt  }
0x78: {  	_ =	shalt  }
0x79: {  	_ =	shalt  }
0x7a: {  	_ =	shalt  }
0x7b: {  	_ =	shalt  }
0x7c: {  	_ =	shalt  }
0x7d: {  	_ =	shalt  }
0x7e: {  	_ =	shalt  }
0x7f: {  	_ =	shalt  }
0x80: {  	_ =	shalt  }
0x81: {  	_ =	shalt  }
0x82: {  	_ =	shalt  }
0x83: {  	_ =	shalt  }
0x84: {  	_ =	shalt  }
0x85: {  	_ =	shalt  }
0x86: {  	_ =	shalt  }
0x87: {  	_ =	shalt  }
.Lfunc_end0:
.L_simem_size_0:
called_computation_lowered:
.L_overlay_start_0:
0x88: {  	s2 =	sld [smem:$0x3FD9]  }
0x89: {  	s3 =	sld [smem:$0x3FFE];
	_ =	sdelay $0x1  }
0x8a: {  	s1 =	srdreg.scid  }
0x8b: {  	s0 =	sand.u32 $0x1, s1  }
0x8c: {  	s17 =	sshll.u32 s0, $0xA;
	s2 =	sadd.s32 s3, s2  }
0x8d: {  	s2 =	sadd.s32 s2, s17  }
0x8e: {  	[smem:$0x3FB7] =	sst s2  }
0x8f: {  	_ = 	snop  }
0x90: {  	s2 =	sld [smem:$0x3FD0];
	(tm) =	ssettm $0x1  }
0x91: {  	s18 =	sld [smem:$0x3FFB];
	_ =	sdelay $0x3  }
0x92: {  	_ =	strace s18  }
0x93: {  	s3 =	sld [smem:$0x3FFC];
	_ =	sdelay $0x3  }
0x94: {  	_ =	strace s3  }
0x95: {  	s3 =	sld [smem:$0x3FFD];
	_ =	sdelay $0x3  }
0x96: {  	_ =	strace s3  }
0x97: {  	_ =	strace $0x8FFFFFFF  }
0x98: {  	s19 =	sld [smem:$0x3FDB];
	_ =	sdelay $0x1  }
0x99: {  	s4 =	simm.s32 $_scs_section_size  }
0x9a: {  	s5 =	simm.s32 $_size__tile_overlayer_lowered;
	s6 =	simm.s32 $_tile_overlayer_lowered  }
0x9b: {  	s22 =	simm.s32 $0x1BFF;
	s21 =	sshll.u32 s6, $0x1;
	s3 =	sadd.s32 s4, s19  }
0x9c: {  	s7 =	simm.s32 $0x0;
	s20 =	sshll.u32 s5, $0x1;
	s5 =	sadd.s32 s21, s3  }
0x9d: {  	[timem:s7], [sflag:s22] =	dma.local [hbm:s5], s20  }
0x9e: {  	_ =	swait.ge [sflag:s22], s20  }
0x9f: {  	s4 =	ssub.s32 $0x0, s20;
	[sflag:s22] =	ssyncset.done $0x0  }
0xa0: {  	[sflag:s22] =	ssyncadd.s32 s4;
	_ =	sdelay $0x1  }
0xa1: {  	s23 =	simm.s32 $0x1B8B  }
0xa2: {  	_ =	swait.ge [sflag:s23], $0x1  }
0xa3: {  	[sflag:s23] =	ssyncset.done $0x0  }
0xa4: {  	s25 =	simm.s32 $0x1B8E;
	s24 =	sld [smem:$0x3FFE];
	[sflag:s23] =	ssyncadd.s32 $0xFFFFFFFF  }
0xa5: {  	s26 =	simm.s32 $execute0_lowered;
	[smem:$0x3FD2] =	sst s25  }
0xa6: {  	s5 =	sshll.u32 s26, $0x1;
	_ =	strace $0x80000046;
	[dreg:$0x1] =	wrdreg $0xFFFFFFFF  }
0xa7: {  	s28 =	simm.s32 $_size_execute0_lowered;
	s3 =	sadd.s32 s3, s5;
	[dreg:$0x0] =	wrdreg $0x0  }
0xa8: {  	s5 =	sshll.u32 s28, $0x1;
	[dreg:$0x2] =	wrdreg s3  }
0xa9: {  	[dreg:$0x3] =	wrdreg s5  }
0xaa: {  	[dreg:$0x4] =	wrdreg $0xC0  }
0xab: {  	_ =	task [dreg:s7], $0x5FFFF  }
0xac: {  	[dreg:$0x1] =	wrdreg $0xFFFFFFFF  }
0xad: {  	[dreg:$0x0] =	wrdreg $0x60  }
0xae: {  	[dreg:$0x2] =	wrdreg s24  }
0xaf: {  	[dreg:$0x3] =	wrdreg s2  }
0xb0: {  	[dreg:$0x4] =	wrdreg $0x2F000  }
0xb1: {  	[dreg:$0x5] =	wrdreg $0x9  }
0xb2: {  	_ =	task.clear_ibuf [dreg:s7], $0x6FFFF;
	_ =	strace $0x90000046  }
0xb3: {  	s29 =	simm.s32 $0x9;
	_ =	strace $0x80000048  }
0xb4: {  	_ =	swait.ge [sflag:s29], $0x1  }
0xb5: {  	[sflag:s29] =	ssyncadd.s32 $0xFFFFFFFF  }
0xb6: {  	_ =	strace $0x90000048  }
0xb7: {  	_ =	sfence  }
0xb8: {  	s30 =	sld [smem:$0x0];
	_ =	sdelay $0x2  }
0xb9: {  	s31 =	sshll.u32 s1, $0xD;
	s1 =	sshrl.u32 s1, $0x2  }
0xba: {  	s3 =	sand.u32 $0x4000, s31;
	s1 =	sadd.s32 s1, s30  }
0xbb: {  	s0 =	sor.u32 s3, s0;
	s1 =	sshll.u32 s1, $0x11  }
0xbc: {  	s0 =	sor.u32 s1, s0  }
0xbd: {  	s0 =	sadd.s32 $0x8F2B, s0  }
0xbe: {  	[sflag:s0] =	ssyncadd.remote.s32 $0x1  }
0xbf: {  	_ =	sfence.sel $0xFFFF  }
0xc0: {  	[dreg:$0x0] =	wrdreg $0xFFFFFFFF;
	(pc) =	sbr.abs _section_cstart, $3  }
0xc1: {  	[dreg:$0x1] =	wrdreg $0xFFFFFFFF  }
0xc2: {  	_ =	task.clear_ibuf [dreg:s7], $0x2FFFF;
	_ =	strace $0x9FFFFFFF  }
0xc3: {  	(tm) =	ssettm $0x7FFFFFFF  }
tec
execute0_lowered:
.L_overlay_start_1:
0x0: {  	(tag) =	ssettag $0x1  }
0x1: {  	s6 =	rddreg [dreg:$0x0]  }
0x2: {  	s0 =	srdreg.scid;
	s2 =	rddreg [dreg:$0x1]  }
0x3: {  	s3 =	rddreg [dreg:$0x2];
	s4 =	simm.s32 $0x0;
	s12 =	simm.s32 $0x2C00  }
0x4: {  	s13 =	simm.s32 $0x80;
	s14 =	simm.s32 $0x1;
	s15 =	simm.s32 $0x100  }
0x5: {  	s16 =	simm.s32 $0x0;
	s7 =	sand.u32 $0x1, s0;
	s0 =	stileid.u32  }
0x6: {  	[smem:$0x7FF] =	sst s4;
	s1 =	sshll.u32 s7, $0x4;
	s8 =	smul.u32 $0x500, s0  }
0x7: {  	s9 =	sshll.u32 s7, $0x7;
	s30 =	smul.u32 $0xA00, s0;
	s7 =	ssub.s32 $0x2, s7  }
0x8: {  	s5 =	sor.u32 s0, s1;
	s1 =	rddreg [dreg:$0x3];
	_ =	strace $0x80000047  }
0x9: {  	s31 =	sshrl.u32 s7, $0x1;
	s5 =	smul.u32 $0x580, s5;
	s8 =	sor.u32 s9, s8  }
0xa: {  	s9 =	sshrl.u32 s30, $0x2;
	s11 =	ssub.s32 s7, s31;
	s8 =	sshrl.u32 s8, $0x3  }
0xb: {  	s7 =	sadd.s32 s9, s3;
	s9 =	smax.u32 s11, $0x1;
	s11 =	simm.s32 $0x2C80  }
0xc: {  	s10 =	sadd.s32 s5, s6;
	s5 =	sadd.s32 $0x18800, s6;
	s8 =	sadd.s32 s8, s6  }
0xd: {  	s6 =	sadd.s32 $0xD800, s10;
	s8 =	sadd.s32 $0x18A00, s8;
	s10 =	simm.s32 $0x2  }
.LBB2_1:
0xe: {  	[tilespmem:s4], [sflag:$0x2] =	stream.linear.gather [hbm4b:s6+s4], $0x2880, $0x38;
	[tilespmem:$0x3180] =	vst v63  }
0xf: {  	_ =	swait.ge [sflag:s10], $0x2880  }
0x10: {  	[sflag:s10] =	ssyncset.done $0x0  }
0x11: {  	[sflag:s10] =	ssyncadd.s32 $0xFFFFD780  }
0x12: {  	[tilespmem:s11], [sflag:$0x2] =	stream.linear.gather [hbm4b:s5+s4], $0x280, $0x38;
	[tilespmem:$0x3180] =	vst v63  }
0x13: {  	_ =	swait.ge [sflag:s10], $0x280  }
0x14: {  	[sflag:s10] =	ssyncset.done $0x0  }
0x15: {  	[sflag:s10] =	ssyncadd.s32 $0xFFFFFD80  }
0x16: {  	[spmem:s7] =	stream.linear.scatter [tilespmem:s11], [sflag:$0x2], $0x280, $0x38;
	[tilespmem:$0x3180] =	vst v63  }
0x17: {  	_ =	swait.ge [sflag:s10], $0x280  }
0x18: {  	[sflag:s10] =	ssyncset.done $0x0  }
0x19: {  	[sflag:s10] =	ssyncadd.s32 $0xFFFFFD80  }
0x1a: {  	[tilespmem:s12], [sflag:$0x2] =	stream.linear.gather [hbm4b:s2+s4], $0x80, $0x38;
	[tilespmem:$0x3180] =	vst v63  }
0x1b: {  	_ =	swait.ge [sflag:s10], $0x80  }
0x1c: {  	[sflag:s10] =	ssyncset.done $0x0  }
0x1d: {  	[sflag:s10] =	ssyncadd.s32 $0xFFFFFF80  }
0x1e: {  	s17 =	simm.s32 $0x0;
	[bflag:$0x0] =	sbarrier.arrive $0xFFFF  }
.LBB2_2:
0x1f: {  	p0 =	sne.s32 s17, $0xA000  }
.Ltmp0:
0x20: {  	_ = 	snop;
	(pc) =	sbr.rel @p0 .LBB2_2-.Ltmp0, $3  }
0x21: {  	_ =	sdelay $0x1  }
0x22: {  	s18 =	sshra.s32 s17, $0x2;
	s17 =	sadd.s32 $0x200, s17  }
0x23: {  	[spmem:s3] =	stream.indirect.scatter.add.f32 [tilespmem:s12], [sflag:$0x1], $0x1, s18, s13, $0xb8;
	[tilespmem:$0x3180] =	vst v63  }
0x24: {  	_ =	swait.ge [sflag:s14], $0x80  }
0x25: {  	s17 =	simm.s32 $0x50;
	[sflag:s14] =	ssyncset.done $0x0  }
.LBB2_4:
0x26: {  	p0 =	sne.s32 s17, $0x1;
	s17 =	sadd.s32 $0xFFFFFFFF, s17;
	[sflag:s14] =	ssyncadd.s32 $0xFFFFFF80  }
.Ltmp1:
0x27: {  	(pc) =	sbr.rel @p0 .LBB2_4-.Ltmp1, $3  }
0x28: {  	_ =	sdelay $0x1  }
0x29: {  	_ =	swait.ge [sflag:s14], $0x80  }
0x2a: {  	[sflag:s14] =	ssyncset.done $0x0  }
0x2b: {  	[sflag:s14] =	ssyncadd.s32 $0xFFFFFF80  }
0x2c: {  	[bflag:$0x0] =	sbarrier.arrive $0xFFFF  }
0x2d: {  	[tilespmem:s11], [sflag:$0x2] =	stream.linear.gather [spmem:s7], $0x280, $0x38;
	[tilespmem:$0x3180] =	vst v63  }
0x2e: {  	s16 =	sadd.s32 $0x1, s16;
	_ =	swait.ge [sflag:s10], $0x280  }
0x2f: {  	p0 =	sne.s32 s16, s9;
	[sflag:s10] =	ssyncset.done $0x0  }
.Ltmp2:
0x30: {  	[sflag:s10] =	ssyncadd.s32 $0xFFFFFD80;
	(pc) =	sbr.rel @p0 .LBB2_1-.Ltmp2, $4  }
0x31: {  	[hbm4b:s8+s13] =	stream.strided.scatter [tilespmem:s11], [sflag:$0x2], $0x280, s15, s13, $0x38;
	[tilespmem:$0x3180] =	vst v63  }
0x32: {  	_ =	swait.ge [sflag:s10], $0x280  }
0x33: {  	[sflag:s10] =	ssyncset.done $0x0  }
0x34: {  	[sflag:s10] =	ssyncadd.s32 $0xFFFFFD80  }
0x35: {  	_ =	sfence.sel $0x180000  }
0x36: {  	[bflag:$0x0] =	sbarrier.arrive $0xFFFF  }
0x37: {  	p0 =	sne.s32 s0, $0x0;
	_ =	strace $0x90000047  }
0x38: {  	s0 =	sadd.s32 @!p0 $0x100000, s1;
	[bflag:$0x2] =	sbarrier.arrive $0xFFFF  }
0x39: {  	[sflag:s0] =	ssyncadd.tile.s32 @!p0 $0x1;
	_ =	shalt  }
.Lfunc_end2:
_tile_overlayer_lowered:
.L_overlay_start_2:
0x3a: {  	(tag) =	ssettag $0x2  }
0x3b: {  	s0 =	rddreg [dreg:$0x0];
	s2 =	stileid.u32  }
0x3c: {  	s1 =	rddreg [dreg:$0x1];
	p0 =	sne.s32 s2, $0x0  }
0x3d: {  	s3 =	rddreg [dreg:$0x2];
	[bflag:$0x3] =	sbarrier.arrive $0xFFFF;
	s2 =	simm.s32 @!p0 $0x1C02  }
0x3e: {  	[timem:s3], [sflag:s2] =	dma.local @!p0 [hbm:s0], s1  }
0x3f: {  	s0 =	simm.s32 @!p0 $0x2  }
0x40: {  	_ =	swait.ge @!p0 [sflag:s0], s1  }
0x41: {  	s1 =	ssub.s32 @!p0 $0x0, s1;
	[sflag:s0] =	ssyncset.done @!p0 $0x0  }
0x42: {  	[sflag:s0] =	ssyncadd.s32 @!p0 s1  }
0x43: {  	[bflag:$0x3] =	sbarrier.arrive $0xFFFF  }
0x44: {  	_ =	shalt  }

</sc_bundles>
